<compile_context>
chip_gen: v7x
topology: tpu7x:2x2x1
jax: 0.10.2.dev20260603
libtpu: 0.0.44.dev20260713+nightly
codegen_flags: <defaults>
</compile_context>

<pallas_src>
import functools

import jax
import jax.numpy as jnp
from jax import lax
from jax.experimental import pallas as pl
from jax.experimental.pallas import tpu as pltpu
from jax.experimental.pallas import tpu_sc as plsc

BATCH = 16384
DIM = 32
TBL = 1000000
EPS = 1e-5

_CW = 1024
_NFULL = TBL // _CW
_TAILC = 512
_TAILR = TBL - _NFULL * _CW - _TAILC
_LANES = 16
_RING = 64


@functools.cache
def _make_sc_gather():
  info = plsc.get_sparse_core_info()
  nc, ns = info.num_cores, info.num_subcores
  nw = nc * ns
  max_chunks = (_NFULL + 1 + nw - 1) // nw

  def body(u_idx_hbm, i_idx_hbm, u_t_hbm, i_t_hbm, u_tail_hbm, i_tail_hbm,
           u_out_hbm, i_out_hbm,
           idxbuf, mjl, chunk, stage, tmp, sem_c, sem_w):
    wid = lax.axis_index("s") * nc + lax.axis_index("c")
    lane_iota = lax.iota(jnp.int32, _LANES)
    trio_off = (lane_iota == 1) * _LANES + (lane_iota == 2) * (2 * _LANES)

    def sweep_table(idx_hbm, t_hbm, tail_hbm, out_hbm):
      pltpu.sync_copy(idx_hbm, idxbuf)
      pltpu.async_copy(
          t_hbm.at[:, pl.ds(wid * _CW, _CW)], chunk.at[0], sem_c)

      def filt_one(g, cnt):
        gb = pl.multiple_of(g * _LANES, _LANES)
        iv = idxbuf[pl.ds(gb, _LANES)]
        cid = lax.shift_right_logical(iv, 10)
        mask = (cid & (nw - 1)) == wid
        jv = gb + lane_iota
        csum = plsc.cumsum(mask.astype(jnp.int32))
        pos = jnp.where(mask, cnt + csum - 1, BATCH + _LANES - 1)
        plsc.store_scatter(mjl, [pos], jv)
        return cnt + csum[_LANES - 1]

      def filt(p, cnt):
        cnt = filt_one(p * 2, cnt)
        return filt_one(p * 2 + 1, cnt)

      cnt = lax.fori_loop(0, BATCH // (2 * _LANES), filt, jnp.int32(0))
      ngroups = lax.div(cnt + (_LANES - 1), _LANES)

      def issue_chunk(m, par):
        buf = chunk.at[par]

        @pl.when(m < _NFULL)
        def _():
          pltpu.async_copy(t_hbm.at[:, pl.ds(m * _CW, _CW)], buf, sem_c)

        @pl.when(m == _NFULL)
        def _():
          pltpu.async_copy(
              t_hbm.at[:, pl.ds(_NFULL * _CW, _TAILC)],
              buf.at[:, pl.ds(0, _TAILC)], sem_c)

      def wait_chunk(m, par):
        buf = chunk.at[par]

        @pl.when(m < _NFULL)
        def _():
          pltpu.make_async_copy(
              t_hbm.at[:, pl.ds(0, _CW)], buf, sem_c).wait()

        @pl.when(m == _NFULL)
        def _():
          pltpu.make_async_copy(
              t_hbm.at[:, pl.ds(0, _TAILC)],
              buf.at[:, pl.ds(0, _TAILC)], sem_c).wait()

      def drain_rows(n):
        def drain(q, _):
          pltpu.make_async_copy(
              stage.at[pl.ds(0, 1)],
              out_hbm.at[pl.ds(0, 1)], sem_w).wait()
          return 0

        lax.fori_loop(0, n, drain, 0)

      def do_chunk(t, ordc):
        m = wid + t * nw
        par = t & 1

        @pl.when(m <= _NFULL)
        def _():
          wait_chunk(m, par)
          mn = m + nw

          @pl.when(mn <= _NFULL)
          def _():
            issue_chunk(mn, 1 - par)

        def scan_group(g, ordg):
          gb = g * _LANES
          valid = (gb + lane_iota) < cnt
          jv = jnp.where(valid, mjl[pl.ds(gb, _LANES)], 0)
          kv = plsc.load_gather(idxbuf, [jv])
          hit = ((lax.shift_right_logical(kv, 10) == m) & valid)
          hiti = hit.astype(jnp.int32)
          csum = plsc.cumsum(hiti)
          nhit = csum[_LANES - 1]

          wrap = (ordg + nhit) > _RING

          @pl.when(wrap)
          def _():
            drain_rows(ordg)

          base = jnp.where(wrap, 0, ordg)

          @pl.when(nhit > 0)
          def _():
            tmp[pl.ds(0, _LANES)] = kv - m * _CW
            tmp[pl.ds(_LANES, _LANES)] = jv
            tmp[pl.ds(2 * _LANES, _LANES)] = base + csum - 1
            cbuf = chunk.at[par]

            def one_hit(h, mrem):
              lane = plsc.all_reduce_ffs(mrem == 1)[0]
              trio = plsc.load_gather(tmp, [lane + trio_off])
              kkl = trio[0]
              jl = trio[1]
              slot = trio[2]

              @pl.when((m < _NFULL) | (kkl < _TAILC))
              def _():
                col = jnp.full((_LANES,), kkl, dtype=jnp.int32)
                g0 = plsc.load_gather(cbuf, [lane_iota, col])
                g1 = plsc.load_gather(cbuf, [lane_iota + _LANES, col])
                srow = stage.at[slot]
                srow[pl.ds(0, _LANES)] = g0
                srow[pl.ds(_LANES, _LANES)] = g1
                pltpu.async_copy(
                    stage.at[pl.ds(slot, 1)],
                    out_hbm.at[pl.ds(jl, 1)], sem_w)

              @pl.when((m == _NFULL) & (kkl >= _TAILC))
              def _():
                pltpu.async_copy(
                    tail_hbm.at[pl.ds(kkl - _TAILC, 1)],
                    stage.at[pl.ds(slot, 1)], sem_c).wait()
                pltpu.async_copy(
                    stage.at[pl.ds(slot, 1)],
                    out_hbm.at[pl.ds(jl, 1)], sem_w)

              return mrem & (lane_iota != lane).astype(jnp.int32)

            lax.fori_loop(0, nhit, one_hit, hiti)

          return base + nhit

        return lax.fori_loop(
            0, jnp.where(m <= _NFULL, ngroups, 0), scan_group, ordc)

      ordf = lax.fori_loop(0, max_chunks, do_chunk, jnp.int32(0))
      drain_rows(ordf)

    sweep_table(u_idx_hbm, u_t_hbm, u_tail_hbm, u_out_hbm)
    sweep_table(i_idx_hbm, i_t_hbm, i_tail_hbm, i_out_hbm)

  return pl.kernel(
      body,
      mesh=plsc.VectorSubcoreMesh(core_axis_name="c", subcore_axis_name="s"),
      compiler_params=pltpu.CompilerParams(needs_layout_passes=False),
      out_type=[
          jax.ShapeDtypeStruct((BATCH, DIM), jnp.float32),
          jax.ShapeDtypeStruct((BATCH, DIM), jnp.float32),
      ],
      scratch_types=[
          pltpu.VMEM((BATCH,), jnp.int32),
          pltpu.VMEM((BATCH + 4 * _LANES,), jnp.int32),
          pltpu.VMEM((2, DIM, _CW), jnp.float32),
          pltpu.VMEM((_RING, DIM), jnp.float32),
          pltpu.VMEM((3 * _LANES,), jnp.int32),
          pltpu.SemaphoreType.DMA,
          pltpu.SemaphoreType.DMA,
      ],
  )


def _bn(x, gamma, beta):
  mean = jnp.mean(x, axis=0, keepdims=True)
  var = jnp.mean((x - mean) ** 2, axis=0, keepdims=True)
  return (x - mean) * jax.lax.rsqrt(var + EPS) * gamma + beta


def _mlp_body(u_ref, i_ref, w1a_ref, w1b_ref, b1_ref, g1_ref, be1_ref,
              w2_ref, b2_ref, g2_ref, be2_ref, wout_ref, out_ref):
  x = (jnp.dot(u_ref[...], w1a_ref[...], preferred_element_type=jnp.float32)
       + jnp.dot(i_ref[...], w1b_ref[...], preferred_element_type=jnp.float32)
       + b1_ref[...])
  x = jnp.maximum(x, 0.0)
  x = _bn(x, g1_ref[...], be1_ref[...])
  x = jnp.dot(x, w2_ref[...], preferred_element_type=jnp.float32) + b2_ref[...]
  x = jnp.maximum(x, 0.0)
  x = _bn(x, g2_ref[...], be2_ref[...])
  logits = jnp.dot(x, wout_ref[...], preferred_element_type=jnp.float32)
  out_ref[...] = jax.nn.sigmoid(logits)


@jax.jit
def kernel(user_indices, item_indices, user_table, item_table,
           W1, b1, g1, be1, W2, b2, g2, be2, W_out):
  u_emb, i_emb = _make_sc_gather()(
      user_indices, item_indices, user_table.T, item_table.T,
      user_table[TBL - _TAILR:, :], item_table[TBL - _TAILR:, :])

  out = pl.pallas_call(
      _mlp_body,
      out_shape=jax.ShapeDtypeStruct((BATCH, 1), jnp.float32),
  )(u_emb, i_emb, W1[:, :DIM].T, W1[:, DIM:].T,
    b1.reshape(1, -1), g1.reshape(1, -1), be1.reshape(1, -1),
    W2.T, b2.reshape(1, -1), g2.reshape(1, -1), be2.reshape(1, -1),
    W_out.T)
  return out

# --- scband reference (transcript-rebuilt; emitter-appended) ---
"""Pipeline reference for scband-multi-layer-perceptron-82325933129803 (READ-ONLY COPY).

The authoritative reference and input builder live on the scoring server;
editing this copy changes nothing except your own understanding.
"""

import jax, jax.numpy as jnp
import numpy as np

NUM_USERS = 1000000
NUM_ITEMS = 1000000
LATENT_DIM = 32
LAYERS = [64, 32, 16]
BATCH = 16384
EPS = 1e-5


def setup_inputs(seed: int = 0) -> dict:
    key = jax.random.key(seed)
    ks = jax.random.split(key, 12)
    user_indices = jax.random.randint(ks[0], (BATCH,), 0, NUM_USERS)
    item_indices = jax.random.randint(ks[1], (BATCH,), 0, NUM_ITEMS)
    user_table = jax.random.normal(ks[2], (NUM_USERS, LATENT_DIM), dtype=jnp.float32) * 0.05
    item_table = jax.random.normal(ks[3], (NUM_ITEMS, LATENT_DIM), dtype=jnp.float32) * 0.05
    # fc layer 1: Linear(64 -> 32) + ReLU + BatchNorm1d(32)
    W1 = jax.random.normal(ks[4], (LAYERS[1], LAYERS[0]), dtype=jnp.float32) * (1.0 / np.sqrt(LAYERS[0]))
    b1 = jnp.zeros((LAYERS[1],), dtype=jnp.float32)
    g1 = jnp.ones((LAYERS[1],), dtype=jnp.float32)
    be1 = jnp.zeros((LAYERS[1],), dtype=jnp.float32)
    # fc layer 2: Linear(32 -> 16) + ReLU + BatchNorm1d(16)
    W2 = jax.random.normal(ks[5], (LAYERS[2], LAYERS[1]), dtype=jnp.float32) * (1.0 / np.sqrt(LAYERS[1]))
    b2 = jnp.zeros((LAYERS[2],), dtype=jnp.float32)
    g2 = jnp.ones((LAYERS[2],), dtype=jnp.float32)
    be2 = jnp.zeros((LAYERS[2],), dtype=jnp.float32)
    # output: Linear(16 -> 1, bias=False)
    W_out = jax.random.normal(ks[6], (1, LAYERS[2]), dtype=jnp.float32) * (1.0 / np.sqrt(LAYERS[2]))
    return {
        'user_indices': user_indices,
        'item_indices': item_indices,
        'user_table': user_table,
        'item_table': item_table,
        'W1': W1, 'b1': b1, 'g1': g1, 'be1': be1,
        'W2': W2, 'b2': b2, 'g2': g2, 'be2': be2,
        'W_out': W_out,
    }


def _batchnorm(x, gamma, beta):
    # BatchNorm1d in training mode: batch mean / biased variance
    mean = jnp.mean(x, axis=0, keepdims=True)
    var = jnp.mean((x - mean) ** 2, axis=0, keepdims=True)
    return (x - mean) / jnp.sqrt(var + EPS) * gamma + beta


def reference(user_indices, item_indices, user_table, item_table,
              W1, b1, g1, be1, W2, b2, g2, be2, W_out):
    user_embedding = jnp.take(user_table, user_indices, axis=0)
    item_embedding = jnp.take(item_table, item_indices, axis=0)
    vector = jnp.concatenate([user_embedding, item_embedding], axis=-1)
    vector = vector @ W1.T + b1
    vector = jax.nn.relu(vector)
    vector = _batchnorm(vector, g1, be1)
    vector = vector @ W2.T + b2
    vector = jax.nn.relu(vector)
    vector = _batchnorm(vector, g2, be2)
    logits = vector @ W_out.T
    pred_proba_rating = jax.nn.sigmoid(logits)
    return pred_proba_rating

if __name__ == "__main__":
    import jax
    _d = setup_inputs()
    print(jax.jit(kernel)(*tuple(_d.values())))

</pallas_src>

<mosaic_0001>
#map = affine_map<(d0, d1) -> (0)>
#map1 = affine_map<(d0, d1) -> (0, 0)>
module attributes {stable_mosaic.version = 14 : i64} {
  func.func @body(%arg0: i32, %arg1: i32, %arg2: memref<16384xi32, #tpu.memory_space<hbm>>, %arg3: memref<16384xi32, #tpu.memory_space<hbm>>, %arg4: memref<32x1000000xf32, #tpu.memory_space<hbm>>, %arg5: memref<32x1000000xf32, #tpu.memory_space<hbm>>, %arg6: memref<64x32xf32, #tpu.memory_space<hbm>>, %arg7: memref<64x32xf32, #tpu.memory_space<hbm>>, %arg8: memref<16384x32xf32, #tpu.memory_space<hbm>>, %arg9: memref<16384x32xf32, #tpu.memory_space<hbm>>, %arg10: memref<16384xi32, #tpu.memory_space<vmem>>, %arg11: memref<16448xi32, #tpu.memory_space<vmem>>, %arg12: memref<2x32x1024xf32, #tpu.memory_space<vmem>>, %arg13: memref<64x32xf32, #tpu.memory_space<vmem>>, %arg14: memref<48xi32, #tpu.memory_space<vmem>>, %arg15: memref<!tpu.dma_semaphore, #tpu.memory_space<semaphore_mem>>, %arg16: memref<!tpu.dma_semaphore, #tpu.memory_space<semaphore_mem>>) attributes {dimension_semantics = [#tpu.dimension_semantics<core_parallel>, #tpu.dimension_semantics<subcore_parallel>], iteration_bounds = array<i64: 2, 16>, scalar_prefetch = 0 : i64, scratch_operands = 7 : i64, tpu.core_type = #tpu.core_type<sc_vector_subcore>, window_params = [{transform_indices = #map}, {transform_indices = #map}, {transform_indices = #map1}, {transform_indices = #map1}, {transform_indices = #map1}, {transform_indices = #map1}, {transform_indices = #map1}, {transform_indices = #map1}]} {
    %mul3A = arith.constant 2 : i32
    %mul3A_0 = arith.muli %arg1, %mul3A : i32
    %add3A = arith.addi %mul3A_0, %arg0 : i32
    %iota3A = tpu.iota {dimensions = array<i32: 0>} : vector<16xi32>
    %eq3A = arith.constant 1 : i32
    %eq3A_1 = vector.broadcast %eq3A : i32 to vector<16xi32>
    %eq3A_2 = arith.cmpi eq, %iota3A, %eq3A_1 : vector<16xi32>
    %convert_element_type3A = arith.extui %eq3A_2 : vector<16xi1> to vector<16xi32>
    %mul3A_3 = arith.constant 16 : i32
    %mul3A_4 = vector.broadcast %mul3A_3 : i32 to vector<16xi32>
    %mul3A_5 = arith.muli %convert_element_type3A, %mul3A_4 : vector<16xi32>
    %eq3A_6 = arith.constant 2 : i32
    %eq3A_7 = vector.broadcast %eq3A_6 : i32 to vector<16xi32>
    %eq3A_8 = arith.cmpi eq, %iota3A, %eq3A_7 : vector<16xi32>
    %convert_element_type3A_9 = arith.extui %eq3A_8 : vector<16xi1> to vector<16xi32>
    %mul3A_10 = arith.constant 32 : i32
    %mul3A_11 = vector.broadcast %mul3A_10 : i32 to vector<16xi32>
    %mul3A_12 = arith.muli %convert_element_type3A_9, %mul3A_11 : vector<16xi32>
    %add3A_13 = arith.addi %mul3A_5, %mul3A_12 : vector<16xi32>
    "tpu.region"() ({
      %run_scoped3A = tpu.sem_alloc : memref<!tpu.dma_semaphore, #tpu.memory_space<semaphore_mem>>
      tpu.enqueue_dma source(%arg2 : memref<16384xi32, #tpu.memory_space<hbm>>) target(%arg10 : memref<16384xi32, #tpu.memory_space<vmem>>) target_semaphore(%run_scoped3A : memref<!tpu.dma_semaphore, #tpu.memory_space<semaphore_mem>>)
      tpu.wait_dma2 semaphore(%run_scoped3A : memref<!tpu.dma_semaphore, #tpu.memory_space<semaphore_mem>>) src(%arg2 : memref<16384xi32, #tpu.memory_space<hbm>>) dst(%arg10 : memref<16384xi32, #tpu.memory_space<vmem>>)
      tpu.yield
    }) : () -> ()
    %mul3A_14 = arith.constant 1024 : i32
    %mul3A_15 = arith.muli %add3A, %mul3A_14 : i32
    %dma_start3A = arith.constant 0 : i32
    %dma_start3A_16 = arith.constant 0 : i32
    %dma_start3A_17 = arith.constant 0 : i32
    %dma_start3A_18 = tpu.memref_slice %arg12[%dma_start3A, %dma_start3A_16, %dma_start3A_17] : memref<2x32x1024xf32, #tpu.memory_space<vmem>> -> memref<1x32x1024xf32, #tpu.memory_space<vmem>>
    %dma_start3A_19 = tpu.memref_squeeze %dma_start3A_18 : memref<1x32x1024xf32, #tpu.memory_space<vmem>> -> memref<32x1024xf32, #tpu.memory_space<vmem>>
    %dma_start3A_20 = arith.constant 0 : i32
    %dma_start3A_21 = tpu.memref_slice %arg4[%dma_start3A_20, %mul3A_15] : memref<32x1000000xf32, #tpu.memory_space<hbm>> -> memref<32x1024xf32, #tpu.memory_space<hbm>>
    %dma_start3A_22 = arith.constant 0 : i32
    %dma_start3A_23 = arith.constant 0 : i32
    %dma_start3A_24 = tpu.memref_slice %arg12[%dma_start3A, %dma_start3A_22, %dma_start3A_23] : memref<2x32x1024xf32, #tpu.memory_space<vmem>> -> memref<1x32x1024xf32, #tpu.memory_space<vmem>>
    %dma_start3A_25 = tpu.memref_squeeze %dma_start3A_24 : memref<1x32x1024xf32, #tpu.memory_space<vmem>> -> memref<32x1024xf32, #tpu.memory_space<vmem>>
    %dma_start3A_26 = arith.constant 0 : i32
    %dma_start3A_27 = tpu.memref_slice %arg4[%dma_start3A_26, %mul3A_15] : memref<32x1000000xf32, #tpu.memory_space<hbm>> -> memref<32x1024xf32, #tpu.memory_space<hbm>>
    tpu.enqueue_dma source(%dma_start3A_27 : memref<32x1024xf32, #tpu.memory_space<hbm>>) target(%dma_start3A_25 : memref<32x1024xf32, #tpu.memory_space<vmem>>) target_semaphore(%arg15 : memref<!tpu.dma_semaphore, #tpu.memory_space<semaphore_mem>>)
    %scan3A = arith.constant 0 : i32
    %scan3A_28 = arith.constant 0 : i32
    %scan3A_29 = arith.constant 512 : i32
    %scan3A_30 = arith.addi %scan3A_28, %scan3A_29 : i32
    %scan3A_31 = arith.constant 1 : i32
    %scan3A_32 = scf.for %scan3A_100 = %scan3A_28 to %scan3A_30 step %scan3A_31 iter_args(%scan3A_101 = %scan3A) -> (i32)  : i32 {
      %mul3A_102 = arith.constant 2 : i32
      %mul3A_103 = arith.muli %scan3A_100, %mul3A_102 : i32
      %mul3A_104 = arith.constant 16 : i32
      %mul3A_105 = arith.muli %mul3A_103, %mul3A_104 : i32
      %multiple_of3A = tpu.assume_multiple %mul3A_105, 16 : i32
      %get3A = arith.index_cast %multiple_of3A : i32 to index
      %get3A_106 = tpu.vector_load %arg10[%get3A] {strides = array<i32>} : memref<16384xi32, #tpu.memory_space<vmem>>, vector<16xi32>,
      %shift_right_logical3A = arith.constant 10 : i32
      %shift_right_logical3A_107 = vector.broadcast %shift_right_logical3A : i32 to vector<16xi32>
      %shift_right_logical3A_108 = arith.shrui %get3A_106, %shift_right_logical3A_107 : vector<16xi32>
      %and3A = arith.constant 31 : i32
      %and3A_109 = vector.broadcast %and3A : i32 to vector<16xi32>
      %and3A_110 = arith.andi %shift_right_logical3A_108, %and3A_109 : vector<16xi32>
      %eq3A_111 = vector.broadcast %add3A : i32 to vector<16xi32>
      %eq3A_112 = arith.cmpi eq, %and3A_110, %eq3A_111 : vector<16xi32>
      %add3A_113 = vector.broadcast %multiple_of3A : i32 to vector<16xi32>
      %add3A_114 = arith.addi %add3A_113, %iota3A : vector<16xi32>
      %convert_element_type3A_115 = arith.extui %eq3A_112 : vector<16xi1> to vector<16xi32>
      %broadcast_in_dim3A = arith.constant true
      %broadcast_in_dim3A_116 = vector.broadcast %broadcast_in_dim3A : i1 to vector<16xi1>
      %masked_cumsum3A = tpu.scan <sum>, %convert_element_type3A_115 masked %broadcast_in_dim3A_116 : vector<16xi32>, vector<16xi1> -> vector<16xi32>
      %add3A_117 = vector.broadcast %scan3A_101 : i32 to vector<16xi32>
      %add3A_118 = arith.addi %add3A_117, %masked_cumsum3A : vector<16xi32>
      %sub3A = arith.constant 1 : i32
      %sub3A_119 = vector.broadcast %sub3A : i32 to vector<16xi32>
      %sub3A_120 = arith.subi %add3A_118, %sub3A_119 : vector<16xi32>
      %jit3A = arith.constant 16399 : i32
      %broadcast_in_dim3A_121 = vector.broadcast %jit3A : i32 to vector<16xi32>
      %select_n3A = arith.select %eq3A_112, %sub3A_120, %broadcast_in_dim3A_121 : vector<16xi1>, vector<16xi32>
      tpu.vector_store_idx %arg11[%select_n3A], %add3A_114 : memref<16448xi32, #tpu.memory_space<vmem>>[vector<16xi32>], vector<16xi32>,
      %slice3A = vector.extract_strided_slice %masked_cumsum3A {offsets = [15], sizes = [1], strides = [1]} : vector<16xi32> to vector<1xi32>
      %squeeze3A = vector.extract %slice3A[0] : i32 from vector<1xi32>
      %add3A_122 = arith.addi %scan3A_101, %squeeze3A : i32
      %mul3A_123 = arith.constant 2 : i32
      %mul3A_124 = arith.muli %scan3A_100, %mul3A_123 : i32
      %add3A_125 = arith.constant 1 : i32
      %add3A_126 = arith.addi %mul3A_124, %add3A_125 : i32
      %mul3A_127 = arith.constant 16 : i32
      %mul3A_128 = arith.muli %add3A_126, %mul3A_127 : i32
      %multiple_of3A_129 = tpu.assume_multiple %mul3A_128, 16 : i32
      %get3A_130 = arith.index_cast %multiple_of3A_129 : i32 to index
      %get3A_131 = tpu.vector_load %arg10[%get3A_130] {strides = array<i32>} : memref<16384xi32, #tpu.memory_space<vmem>>, vector<16xi32>,
      %shift_right_logical3A_132 = arith.constant 10 : i32
      %shift_right_logical3A_133 = vector.broadcast %shift_right_logical3A_132 : i32 to vector<16xi32>
      %shift_right_logical3A_134 = arith.shrui %get3A_131, %shift_right_logical3A_133 : vector<16xi32>
      %and3A_135 = arith.constant 31 : i32
      %and3A_136 = vector.broadcast %and3A_135 : i32 to vector<16xi32>
      %and3A_137 = arith.andi %shift_right_logical3A_134, %and3A_136 : vector<16xi32>
      %eq3A_138 = vector.broadcast %add3A : i32 to vector<16xi32>
      %eq3A_139 = arith.cmpi eq, %and3A_137, %eq3A_138 : vector<16xi32>
      %add3A_140 = vector.broadcast %multiple_of3A_129 : i32 to vector<16xi32>
      %add3A_141 = arith.addi %add3A_140, %iota3A : vector<16xi32>
      %convert_element_type3A_142 = arith.extui %eq3A_139 : vector<16xi1> to vector<16xi32>
      %broadcast_in_dim3A_143 = arith.constant true
      %broadcast_in_dim3A_144 = vector.broadcast %broadcast_in_dim3A_143 : i1 to vector<16xi1>
      %masked_cumsum3A_145 = tpu.scan <sum>, %convert_element_type3A_142 masked %broadcast_in_dim3A_144 : vector<16xi32>, vector<16xi1> -> vector<16xi32>
      %add3A_146 = vector.broadcast %add3A_122 : i32 to vector<16xi32>
      %add3A_147 = arith.addi %add3A_146, %masked_cumsum3A_145 : vector<16xi32>
      %sub3A_148 = arith.constant 1 : i32
      %sub3A_149 = vector.broadcast %sub3A_148 : i32 to vector<16xi32>
      %sub3A_150 = arith.subi %add3A_147, %sub3A_149 : vector<16xi32>
      %jit3A_151 = arith.constant 16399 : i32
      %broadcast_in_dim3A_152 = vector.broadcast %jit3A_151 : i32 to vector<16xi32>
      %select_n3A_153 = arith.select %eq3A_139, %sub3A_150, %broadcast_in_dim3A_152 : vector<16xi1>, vector<16xi32>
      tpu.vector_store_idx %arg11[%select_n3A_153], %add3A_141 : memref<16448xi32, #tpu.memory_space<vmem>>[vector<16xi32>], vector<16xi32>,
      %slice3A_154 = vector.extract_strided_slice %masked_cumsum3A_145 {offsets = [15], sizes = [1], strides = [1]} : vector<16xi32> to vector<1xi32>
      %squeeze3A_155 = vector.extract %slice3A_154[0] : i32 from vector<1xi32>
      %add3A_156 = arith.addi %add3A_122, %squeeze3A_155 : i32
      scf.yield %add3A_156 : i32
    }
    %scan3A_33 = arith.constant 512 : i32
    %add3A_34 = arith.constant 15 : i32
    %add3A_35 = arith.addi %scan3A_32, %add3A_34 : i32
    %div3A = arith.constant 16 : i32
    %div3A_36 = arith.divsi %add3A_35, %div3A : i32
    %scan3A_37 = arith.constant 0 : i32
    %scan3A_38 = arith.constant 0 : i32
    %scan3A_39 = arith.constant 31 : i32
    %scan3A_40 = arith.addi %scan3A_38, %scan3A_39 : i32
    %scan3A_41 = arith.constant 1 : i32
    %scan3A_42 = scf.for %scan3A_100 = %scan3A_38 to %scan3A_40 step %scan3A_41 iter_args(%scan3A_101 = %scan3A_37) -> (i32)  : i32 {
      %mul3A_102 = arith.constant 32 : i32
      %mul3A_103 = arith.muli %scan3A_100, %mul3A_102 : i32
      %add3A_104 = arith.addi %add3A, %mul3A_103 : i32
      %and3A = arith.constant 1 : i32
      %and3A_105 = arith.andi %scan3A_100, %and3A : i32
      %le3A = arith.constant 976 : i32
      %le3A_106 = arith.cmpi sle, %add3A_104, %le3A : i32
      %convert_element_type3A_107 = arith.extui %le3A_106 : i1 to i32
      %cond3A = arith.constant 0 : i32
      %cond3A_108 = arith.cmpi ne, %convert_element_type3A_107, %cond3A : i32
      scf.if %cond3A_108 {
        %lt3A = arith.constant 976 : i32
        %lt3A_122 = arith.cmpi slt, %add3A_104, %lt3A : i32
        %convert_element_type3A_123 = arith.extui %lt3A_122 : i1 to i32
        %cond3A_124 = arith.constant 0 : i32
        %cond3A_125 = arith.cmpi ne, %convert_element_type3A_123, %cond3A_124 : i32
        scf.if %cond3A_125 {
          %dma_wait3A = arith.constant 0 : i32
          %dma_wait3A_138 = arith.constant 0 : i32
          %dma_wait3A_139 = tpu.memref_slice %arg12[%and3A_105, %dma_wait3A, %dma_wait3A_138] : memref<2x32x1024xf32, #tpu.memory_space<vmem>> -> memref<1x32x1024xf32, #tpu.memory_space<vmem>>
          %dma_wait3A_140 = tpu.memref_squeeze %dma_wait3A_139 : memref<1x32x1024xf32, #tpu.memory_space<vmem>> -> memref<32x1024xf32, #tpu.memory_space<vmem>>
          %dma_wait3A_141 = arith.constant 0 : i32
          %dma_wait3A_142 = arith.constant 0 : i32
          %dma_wait3A_143 = tpu.memref_slice %arg4[%dma_wait3A_141, %dma_wait3A_142] : memref<32x1000000xf32, #tpu.memory_space<hbm>> -> memref<32x1024xf32, #tpu.memory_space<hbm>>
          %dma_wait3A_144 = arith.constant 0 : i32
          %dma_wait3A_145 = arith.constant 0 : i32
          %dma_wait3A_146 = tpu.memref_slice %arg12[%and3A_105, %dma_wait3A_144, %dma_wait3A_145] : memref<2x32x1024xf32, #tpu.memory_space<vmem>> -> memref<1x32x1024xf32, #tpu.memory_space<vmem>>
          %dma_wait3A_147 = tpu.memref_squeeze %dma_wait3A_146 : memref<1x32x1024xf32, #tpu.memory_space<vmem>> -> memref<32x1024xf32, #tpu.memory_space<vmem>>
          %dma_wait3A_148 = arith.constant 0 : i32
          %dma_wait3A_149 = arith.constant 0 : i32
          %dma_wait3A_150 = tpu.memref_slice %arg4[%dma_wait3A_148, %dma_wait3A_149] : memref<32x1000000xf32, #tpu.memory_space<hbm>> -> memref<32x1024xf32, #tpu.memory_space<hbm>>
          tpu.wait_dma2 semaphore(%arg15 : memref<!tpu.dma_semaphore, #tpu.memory_space<semaphore_mem>>) src(%dma_wait3A_150 : memref<32x1024xf32, #tpu.memory_space<hbm>>) dst(%dma_wait3A_147 : memref<32x1024xf32, #tpu.memory_space<vmem>>)
        } else {
        }
        %eq3A_126 = arith.constant 976 : i32
        %eq3A_127 = arith.cmpi eq, %add3A_104, %eq3A_126 : i32
        %convert_element_type3A_128 = arith.extui %eq3A_127 : i1 to i32
        %cond3A_129 = arith.constant 0 : i32
        %cond3A_130 = arith.cmpi ne, %convert_element_type3A_128, %cond3A_129 : i32
        scf.if %cond3A_130 {
          %dma_wait3A = arith.constant 0 : i32
          %dma_wait3A_138 = arith.constant 0 : i32
          %dma_wait3A_139 = tpu.memref_slice %arg12[%and3A_105, %dma_wait3A, %dma_wait3A_138] : memref<2x32x1024xf32, #tpu.memory_space<vmem>> -> memref<1x32x1024xf32, #tpu.memory_space<vmem>>
          %dma_wait3A_140 = tpu.memref_squeeze %dma_wait3A_139 : memref<1x32x1024xf32, #tpu.memory_space<vmem>> -> memref<32x1024xf32, #tpu.memory_space<vmem>>
          %dma_wait3A_141 = arith.constant 0 : i32
          %dma_wait3A_142 = arith.constant 0 : i32
          %dma_wait3A_143 = tpu.memref_slice %dma_wait3A_140[%dma_wait3A_141, %dma_wait3A_142] : memref<32x1024xf32, #tpu.memory_space<vmem>> -> memref<32x512xf32, #tpu.memory_space<vmem>>
          %dma_wait3A_144 = arith.constant 0 : i32
          %dma_wait3A_145 = arith.constant 0 : i32
          %dma_wait3A_146 = tpu.memref_slice %arg4[%dma_wait3A_144, %dma_wait3A_145] : memref<32x1000000xf32, #tpu.memory_space<hbm>> -> memref<32x512xf32, #tpu.memory_space<hbm>>
          %dma_wait3A_147 = arith.constant 0 : i32
          %dma_wait3A_148 = arith.constant 0 : i32
          %dma_wait3A_149 = tpu.memref_slice %arg12[%and3A_105, %dma_wait3A_147, %dma_wait3A_148] : memref<2x32x1024xf32, #tpu.memory_space<vmem>> -> memref<1x32x1024xf32, #tpu.memory_space<vmem>>
          %dma_wait3A_150 = tpu.memref_squeeze %dma_wait3A_149 : memref<1x32x1024xf32, #tpu.memory_space<vmem>> -> memref<32x1024xf32, #tpu.memory_space<vmem>>
          %dma_wait3A_151 = arith.constant 0 : i32
          %dma_wait3A_152 = arith.constant 0 : i32
          %dma_wait3A_153 = tpu.memref_slice %dma_wait3A_150[%dma_wait3A_151, %dma_wait3A_152] : memref<32x1024xf32, #tpu.memory_space<vmem>> -> memref<32x512xf32, #tpu.memory_space<vmem>>
          %dma_wait3A_154 = arith.constant 0 : i32
          %dma_wait3A_155 = arith.constant 0 : i32
          %dma_wait3A_156 = tpu.memref_slice %arg4[%dma_wait3A_154, %dma_wait3A_155] : memref<32x1000000xf32, #tpu.memory_space<hbm>> -> memref<32x512xf32, #tpu.memory_space<hbm>>
          tpu.wait_dma2 semaphore(%arg15 : memref<!tpu.dma_semaphore, #tpu.memory_space<semaphore_mem>>) src(%dma_wait3A_156 : memref<32x512xf32, #tpu.memory_space<hbm>>) dst(%dma_wait3A_153 : memref<32x512xf32, #tpu.memory_space<vmem>>)
        } else {
        }
        %add3A_131 = arith.constant 32 : i32
        %add3A_132 = arith.addi %add3A_104, %add3A_131 : i32
        %le3A_133 = arith.constant 976 : i32
        %le3A_134 = arith.cmpi sle, %add3A_132, %le3A_133 : i32
        %convert_element_type3A_135 = arith.extui %le3A_134 : i1 to i32
        %cond3A_136 = arith.constant 0 : i32
        %cond3A_137 = arith.cmpi ne, %convert_element_type3A_135, %cond3A_136 : i32
        scf.if %cond3A_137 {
          %sub3A = arith.constant 1 : i32
          %sub3A_138 = arith.subi %sub3A, %and3A_105 : i32
          %lt3A_139 = arith.constant 976 : i32
          %lt3A_140 = arith.cmpi slt, %add3A_132, %lt3A_139 : i32
          %convert_element_type3A_141 = arith.extui %lt3A_140 : i1 to i32
          %cond3A_142 = arith.constant 0 : i32
          %cond3A_143 = arith.cmpi ne, %convert_element_type3A_141, %cond3A_142 : i32
          scf.if %cond3A_143 {
            %mul3A_149 = arith.constant 1024 : i32
            %mul3A_150 = arith.muli %add3A_132, %mul3A_149 : i32
            %dma_start3A_151 = arith.constant 0 : i32
            %dma_start3A_152 = arith.constant 0 : i32
            %dma_start3A_153 = tpu.memref_slice %arg12[%sub3A_138, %dma_start3A_151, %dma_start3A_152] : memref<2x32x1024xf32, #tpu.memory_space<vmem>> -> memref<1x32x1024xf32, #tpu.memory_space<vmem>>
            %dma_start3A_154 = tpu.memref_squeeze %dma_start3A_153 : memref<1x32x1024xf32, #tpu.memory_space<vmem>> -> memref<32x1024xf32, #tpu.memory_space<vmem>>
            %dma_start3A_155 = arith.constant 0 : i32
            %dma_start3A_156 = tpu.memref_slice %arg4[%dma_start3A_155, %mul3A_150] : memref<32x1000000xf32, #tpu.memory_space<hbm>> -> memref<32x1024xf32, #tpu.memory_space<hbm>>
            %dma_start3A_157 = arith.constant 0 : i32
            %dma_start3A_158 = arith.constant 0 : i32
            %dma_start3A_159 = tpu.memref_slice %arg12[%sub3A_138, %dma_start3A_157, %dma_start3A_158] : memref<2x32x1024xf32, #tpu.memory_space<vmem>> -> memref<1x32x1024xf32, #tpu.memory_space<vmem>>
            %dma_start3A_160 = tpu.memref_squeeze %dma_start3A_159 : memref<1x32x1024xf32, #tpu.memory_space<vmem>> -> memref<32x1024xf32, #tpu.memory_space<vmem>>
            %dma_start3A_161 = arith.constant 0 : i32
            %dma_start3A_162 = tpu.memref_slice %arg4[%dma_start3A_161, %mul3A_150] : memref<32x1000000xf32, #tpu.memory_space<hbm>> -> memref<32x1024xf32, #tpu.memory_space<hbm>>
            tpu.enqueue_dma source(%dma_start3A_162 : memref<32x1024xf32, #tpu.memory_space<hbm>>) target(%dma_start3A_160 : memref<32x1024xf32, #tpu.memory_space<vmem>>) target_semaphore(%arg15 : memref<!tpu.dma_semaphore, #tpu.memory_space<semaphore_mem>>)
          } else {
          }
          %eq3A_144 = arith.constant 976 : i32
          %eq3A_145 = arith.cmpi eq, %add3A_132, %eq3A_144 : i32
          %convert_element_type3A_146 = arith.extui %eq3A_145 : i1 to i32
          %cond3A_147 = arith.constant 0 : i32
          %cond3A_148 = arith.cmpi ne, %convert_element_type3A_146, %cond3A_147 : i32
          scf.if %cond3A_148 {
            %dma_start3A_149 = arith.constant 0 : i32
            %dma_start3A_150 = arith.constant 0 : i32
            %dma_start3A_151 = tpu.memref_slice %arg12[%sub3A_138, %dma_start3A_149, %dma_start3A_150] : memref<2x32x1024xf32, #tpu.memory_space<vmem>> -> memref<1x32x1024xf32, #tpu.memory_space<vmem>>
            %dma_start3A_152 = tpu.memref_squeeze %dma_start3A_151 : memref<1x32x1024xf32, #tpu.memory_space<vmem>> -> memref<32x1024xf32, #tpu.memory_space<vmem>>
            %dma_start3A_153 = arith.constant 0 : i32
            %dma_start3A_154 = arith.constant 0 : i32
            %dma_start3A_155 = tpu.memref_slice %dma_start3A_152[%dma_start3A_153, %dma_start3A_154] : memref<32x1024xf32, #tpu.memory_space<vmem>> -> memref<32x512xf32, #tpu.memory_space<vmem>>
            %dma_start3A_156 = arith.constant 0 : i32
            %dma_start3A_157 = arith.constant 999424 : i32
            %dma_start3A_158 = tpu.memref_slice %arg4[%dma_start3A_156, %dma_start3A_157] : memref<32x1000000xf32, #tpu.memory_space<hbm>> -> memref<32x512xf32, #tpu.memory_space<hbm>>
            %dma_start3A_159 = arith.constant 0 : i32
            %dma_start3A_160 = arith.constant 0 : i32
            %dma_start3A_161 = tpu.memref_slice %arg12[%sub3A_138, %dma_start3A_159, %dma_start3A_160] : memref<2x32x1024xf32, #tpu.memory_space<vmem>> -> memref<1x32x1024xf32, #tpu.memory_space<vmem>>
            %dma_start3A_162 = tpu.memref_squeeze %dma_start3A_161 : memref<1x32x1024xf32, #tpu.memory_space<vmem>> -> memref<32x1024xf32, #tpu.memory_space<vmem>>
            %dma_start3A_163 = arith.constant 0 : i32
            %dma_start3A_164 = arith.constant 0 : i32
            %dma_start3A_165 = tpu.memref_slice %dma_start3A_162[%dma_start3A_163, %dma_start3A_164] : memref<32x1024xf32, #tpu.memory_space<vmem>> -> memref<32x512xf32, #tpu.memory_space<vmem>>
            %dma_start3A_166 = arith.constant 0 : i32
            %dma_start3A_167 = arith.constant 999424 : i32
            %dma_start3A_168 = tpu.memref_slice %arg4[%dma_start3A_166, %dma_start3A_167] : memref<32x1000000xf32, #tpu.memory_space<hbm>> -> memref<32x512xf32, #tpu.memory_space<hbm>>
            tpu.enqueue_dma source(%dma_start3A_168 : memref<32x512xf32, #tpu.memory_space<hbm>>) target(%dma_start3A_165 : memref<32x512xf32, #tpu.memory_space<vmem>>) target_semaphore(%arg15 : memref<!tpu.dma_semaphore, #tpu.memory_space<semaphore_mem>>)
          } else {
          }
        } else {
        }
      } else {
      }
      %le3A_109 = arith.constant 976 : i32
      %le3A_110 = arith.cmpi sle, %add3A_104, %le3A_109 : i32
      %jit3A = arith.constant 0 : i32
      %select_n3A = arith.select %le3A_110, %div3A_36, %jit3A : i32
      %while3A_111 = arith.constant 0 : i32
      %while3A_112 = arith.subi %select_n3A, %while3A_111 : i32
      %while3A_113 = arith.addi %while3A_111, %while3A_112 : i32
      %while3A_114 = arith.constant 1 : i32
      %while3A_115 = arith.divsi %while3A_112, %while3A_114 : i32
      %while3A_116 = arith.muli %while3A_115, %while3A_114 : i32
      %while3A_117 = arith.addi %while3A_111, %while3A_116 : i32
      %while3A_118 = arith.constant 1 : i32
      %while3A_119 = scf.for %while3A_122 = %while3A_111 to %while3A_117 step %while3A_118 iter_args(%while3A_123 = %scan3A_101) -> (i32)  : i32 {
        %mul3A_124 = arith.constant 16 : i32
        %mul3A_125 = arith.muli %while3A_122, %mul3A_124 : i32
        %add3A_126 = vector.broadcast %mul3A_125 : i32 to vector<16xi32>
        %add3A_127 = arith.addi %add3A_126, %iota3A : vector<16xi32>
        %lt3A = vector.broadcast %scan3A_32 : i32 to vector<16xi32>
        %lt3A_128 = arith.cmpi slt, %add3A_127, %lt3A : vector<16xi32>
        %get3A = arith.index_cast %mul3A_125 : i32 to index
        %get3A_129 = tpu.vector_load %arg11[%get3A] {strides = array<i32>} : memref<16448xi32, #tpu.memory_space<vmem>>, vector<16xi32>,
        %jit3A_130 = arith.constant 0 : i32
        %broadcast_in_dim3A = vector.broadcast %jit3A_130 : i32 to vector<16xi32>
        %select_n3A_131 = arith.select %lt3A_128, %get3A_129, %broadcast_in_dim3A : vector<16xi1>, vector<16xi32>
        %gather3A = tpu.vector_load_idx %arg10[%select_n3A_131] : memref<16384xi32, #tpu.memory_space<vmem>>[vector<16xi32>], vector<16xi32>,
        %shift_right_logical3A = arith.constant 10 : i32
        %shift_right_logical3A_132 = vector.broadcast %shift_right_logical3A : i32 to vector<16xi32>
        %shift_right_logical3A_133 = arith.shrui %gather3A, %shift_right_logical3A_132 : vector<16xi32>
        %eq3A_134 = vector.broadcast %add3A_104 : i32 to vector<16xi32>
        %eq3A_135 = arith.cmpi eq, %shift_right_logical3A_133, %eq3A_134 : vector<16xi32>
        %and3A_136 = arith.andi %eq3A_135, %lt3A_128 : vector<16xi1>
        %convert_element_type3A_137 = arith.extui %and3A_136 : vector<16xi1> to vector<16xi32>
        %broadcast_in_dim3A_138 = arith.constant true
        %broadcast_in_dim3A_139 = vector.broadcast %broadcast_in_dim3A_138 : i1 to vector<16xi1>
        %masked_cumsum3A = tpu.scan <sum>, %convert_element_type3A_137 masked %broadcast_in_dim3A_139 : vector<16xi32>, vector<16xi1> -> vector<16xi32>
        %slice3A = vector.extract_strided_slice %masked_cumsum3A {offsets = [15], sizes = [1], strides = [1]} : vector<16xi32> to vector<1xi32>
        %squeeze3A = vector.extract %slice3A[0] : i32 from vector<1xi32>
        %add3A_140 = arith.addi %while3A_123, %squeeze3A : i32
        %gt3A = arith.constant 64 : i32
        %gt3A_141 = arith.cmpi sgt, %add3A_140, %gt3A : i32
        %convert_element_type3A_142 = arith.extui %gt3A_141 : i1 to i32
        %cond3A_143 = arith.constant 0 : i32
        %cond3A_144 = arith.cmpi ne, %convert_element_type3A_142, %cond3A_143 : i32
        scf.if %cond3A_144 {
          %while3A_153 = arith.constant 0 : i32
          %while3A_154 = arith.constant 0 : i32
          %while3A_155 = arith.subi %while3A_123, %while3A_153 : i32
          %while3A_156 = arith.addi %while3A_153, %while3A_155 : i32
          %while3A_157 = arith.constant 1 : i32
          %while3A_158 = arith.divsi %while3A_155, %while3A_157 : i32
          %while3A_159 = arith.muli %while3A_158, %while3A_157 : i32
          %while3A_160 = arith.addi %while3A_153, %while3A_159 : i32
          %while3A_161 = arith.constant 1 : i32
          %while3A_162 = scf.for %while3A_165 = %while3A_153 to %while3A_160 step %while3A_161 iter_args(%while3A_166 = %while3A_154) -> (i32)  : i32 {
            %dma_wait3A = arith.constant 0 : i32
            %dma_wait3A_167 = arith.constant 0 : i32
            %dma_wait3A_168 = tpu.memref_slice %arg13[%dma_wait3A, %dma_wait3A_167] : memref<64x32xf32, #tpu.memory_space<vmem>> -> memref<1x32xf32, #tpu.memory_space<vmem>>
            %dma_wait3A_169 = arith.constant 0 : i32
            %dma_wait3A_170 = arith.constant 0 : i32
            %dma_wait3A_171 = tpu.memref_slice %arg8[%dma_wait3A_169, %dma_wait3A_170] : memref<16384x32xf32, #tpu.memory_space<hbm>> -> memref<1x32xf32, #tpu.memory_space<hbm>>
            %dma_wait3A_172 = arith.constant 0 : i32
            %dma_wait3A_173 = arith.constant 0 : i32
            %dma_wait3A_174 = tpu.memref_slice %arg8[%dma_wait3A_172, %dma_wait3A_173] : memref<16384x32xf32, #tpu.memory_space<hbm>> -> memref<1x32xf32, #tpu.memory_space<hbm>>
            %dma_wait3A_175 = arith.constant 0 : i32
            %dma_wait3A_176 = arith.constant 0 : i32
            %dma_wait3A_177 = tpu.memref_slice %arg13[%dma_wait3A_175, %dma_wait3A_176] : memref<64x32xf32, #tpu.memory_space<vmem>> -> memref<1x32xf32, #tpu.memory_space<vmem>>
            tpu.wait_dma2 semaphore(%arg16 : memref<!tpu.dma_semaphore, #tpu.memory_space<semaphore_mem>>) src(%dma_wait3A_177 : memref<1x32xf32, #tpu.memory_space<vmem>>) dst(%dma_wait3A_174 : memref<1x32xf32, #tpu.memory_space<hbm>>)
            %while3A_178 = arith.constant 0 : i32
            scf.yield %while3A_178 : i32
          }
          %while3A_163 = arith.constant 1 : i32
          %while3A_164 = scf.for %while3A_165 = %while3A_160 to %while3A_156 step %while3A_163 iter_args(%while3A_166 = %while3A_162) -> (i32)  : i32 {
            %dma_wait3A = arith.constant 0 : i32
            %dma_wait3A_167 = arith.constant 0 : i32
            %dma_wait3A_168 = tpu.memref_slice %arg13[%dma_wait3A, %dma_wait3A_167] : memref<64x32xf32, #tpu.memory_space<vmem>> -> memref<1x32xf32, #tpu.memory_space<vmem>>
            %dma_wait3A_169 = arith.constant 0 : i32
            %dma_wait3A_170 = arith.constant 0 : i32
            %dma_wait3A_171 = tpu.memref_slice %arg8[%dma_wait3A_169, %dma_wait3A_170] : memref<16384x32xf32, #tpu.memory_space<hbm>> -> memref<1x32xf32, #tpu.memory_space<hbm>>
            %dma_wait3A_172 = arith.constant 0 : i32
            %dma_wait3A_173 = arith.constant 0 : i32
            %dma_wait3A_174 = tpu.memref_slice %arg8[%dma_wait3A_172, %dma_wait3A_173] : memref<16384x32xf32, #tpu.memory_space<hbm>> -> memref<1x32xf32, #tpu.memory_space<hbm>>
            %dma_wait3A_175 = arith.constant 0 : i32
            %dma_wait3A_176 = arith.constant 0 : i32
            %dma_wait3A_177 = tpu.memref_slice %arg13[%dma_wait3A_175, %dma_wait3A_176] : memref<64x32xf32, #tpu.memory_space<vmem>> -> memref<1x32xf32, #tpu.memory_space<vmem>>
            tpu.wait_dma2 semaphore(%arg16 : memref<!tpu.dma_semaphore, #tpu.memory_space<semaphore_mem>>) src(%dma_wait3A_177 : memref<1x32xf32, #tpu.memory_space<vmem>>) dst(%dma_wait3A_174 : memref<1x32xf32, #tpu.memory_space<hbm>>)
            %while3A_178 = arith.constant 0 : i32
            scf.yield %while3A_178 : i32
          }
        } else {
        }
        %jit3A_145 = arith.constant 0 : i32
        %select_n3A_146 = arith.select %gt3A_141, %jit3A_145, %while3A_123 : i32
        %gt3A_147 = arith.constant 0 : i32
        %gt3A_148 = arith.cmpi sgt, %squeeze3A, %gt3A_147 : i32
        %convert_element_type3A_149 = arith.extui %gt3A_148 : i1 to i32
        %cond3A_150 = arith.constant 0 : i32
        %cond3A_151 = arith.cmpi ne, %convert_element_type3A_149, %cond3A_150 : i32
        scf.if %cond3A_151 {
          %mul3A_153 = arith.constant 1024 : i32
          %mul3A_154 = arith.muli %add3A_104, %mul3A_153 : i32
          %sub3A = vector.broadcast %mul3A_154 : i32 to vector<16xi32>
          %sub3A_155 = arith.subi %gather3A, %sub3A : vector<16xi32>
          %swap3A = arith.constant 0 : index
          %swap3A_156 = tpu.vector_load %arg14[%swap3A] {strides = array<i32>} : memref<48xi32, #tpu.memory_space<vmem>>, vector<16xi32>,
          tpu.vector_store %arg14[%swap3A], %sub3A_155 {strides = array<i32>} : memref<48xi32, #tpu.memory_space<vmem>>, vector<16xi32>,
          %swap3A_157 = arith.constant 16 : index
          %swap3A_158 = tpu.vector_load %arg14[%swap3A_157] {strides = array<i32>} : memref<48xi32, #tpu.memory_space<vmem>>, vector<16xi32>,
          tpu.vector_store %arg14[%swap3A_157], %select_n3A_131 {strides = array<i32>} : memref<48xi32, #tpu.memory_space<vmem>>, vector<16xi32>,
          %add3A_159 = vector.broadcast %select_n3A_146 : i32 to vector<16xi32>
          %add3A_160 = arith.addi %add3A_159, %masked_cumsum3A : vector<16xi32>
          %sub3A_161 = arith.constant 1 : i32
          %sub3A_162 = vector.broadcast %sub3A_161 : i32 to vector<16xi32>
          %sub3A_163 = arith.subi %add3A_160, %sub3A_162 : vector<16xi32>
          %swap3A_164 = arith.constant 32 : index
          %swap3A_165 = tpu.vector_load %arg14[%swap3A_164] {strides = array<i32>} : memref<48xi32, #tpu.memory_space<vmem>>, vector<16xi32>,
          tpu.vector_store %arg14[%swap3A_164], %sub3A_163 {strides = array<i32>} : memref<48xi32, #tpu.memory_space<vmem>>, vector<16xi32>,
          %while3A_166 = arith.constant 0 : i32
          %while3A_167 = arith.subi %squeeze3A, %while3A_166 : i32
          %while3A_168 = arith.addi %while3A_166, %while3A_167 : i32
          %while3A_169 = arith.constant 1 : i32
          %while3A_170 = arith.divsi %while3A_167, %while3A_169 : i32
          %while3A_171 = arith.muli %while3A_170, %while3A_169 : i32
          %while3A_172 = arith.addi %while3A_166, %while3A_171 : i32
          %while3A_173 = arith.constant 1 : i32
          %while3A_174 = scf.for %while3A_177 = %while3A_166 to %while3A_172 step %while3A_173 iter_args(%while3A_178 = %convert_element_type3A_137) -> (vector<16xi32>)  : i32 {
            %eq3A_179 = arith.constant 1 : i32
            %eq3A_180 = vector.broadcast %eq3A_179 : i32 to vector<16xi32>
            %eq3A_181 = arith.cmpi eq, %while3A_178, %eq3A_180 : vector<16xi32>
            %all_reduce_ffs3A = tpu.all_reduce %eq3A_181 {dim = 0 : i64, kind = #tpu.reduction_kind<find_first_set>} : vector<16xi1> -> vector<16xi32>
            %slice3A_182 = vector.extract_strided_slice %all_reduce_ffs3A {offsets = [0], sizes = [1], strides = [1]} : vector<16xi32> to vector<1xi32>
            %squeeze3A_183 = vector.extract %slice3A_182[0] : i32 from vector<1xi32>
            %add3A_184 = vector.broadcast %squeeze3A_183 : i32 to vector<16xi32>
            %add3A_185 = arith.addi %add3A_184, %add3A_13 : vector<16xi32>
            %gather3A_186 = tpu.vector_load_idx %arg14[%add3A_185] : memref<48xi32, #tpu.memory_space<vmem>>[vector<16xi32>], vector<16xi32>,
            %slice3A_187 = vector.extract_strided_slice %gather3A_186 {offsets = [0], sizes = [1], strides = [1]} : vector<16xi32> to vector<1xi32>
            %squeeze3A_188 = vector.extract %slice3A_187[0] : i32 from vector<1xi32>
            %slice3A_189 = vector.extract_strided_slice %gather3A_186 {offsets = [1], sizes = [1], strides = [1]} : vector<16xi32> to vector<1xi32>
            %squeeze3A_190 = vector.extract %slice3A_189[0] : i32 from vector<1xi32>
            %slice3A_191 = vector.extract_strided_slice %gather3A_186 {offsets = [2], sizes = [1], strides = [1]} : vector<16xi32> to vector<1xi32>
            %squeeze3A_192 = vector.extract %slice3A_191[0] : i32 from vector<1xi32>
            %lt3A_193 = arith.constant 976 : i32
            %lt3A_194 = arith.cmpi slt, %add3A_104, %lt3A_193 : i32
            %lt3A_195 = arith.constant 512 : i32
            %lt3A_196 = arith.cmpi slt, %squeeze3A_188, %lt3A_195 : i32
            %or3A = arith.ori %lt3A_194, %lt3A_196 : i1
            %convert_element_type3A_197 = arith.extui %or3A : i1 to i32
            %cond3A_198 = arith.constant 0 : i32
            %cond3A_199 = arith.cmpi ne, %convert_element_type3A_197, %cond3A_198 : i32
            scf.if %cond3A_199 {
              %broadcast_in_dim3A_210 = vector.broadcast %squeeze3A_188 : i32 to vector<16xi32>
              %gather3A_211 = arith.constant 0 : i32
              %gather3A_212 = arith.constant 0 : i32
              %gather3A_213 = tpu.memref_slice %arg12[%and3A_105, %gather3A_211, %gather3A_212] : memref<2x32x1024xf32, #tpu.memory_space<vmem>> -> memref<1x32x1024xf32, #tpu.memory_space<vmem>>
              %gather3A_214 = tpu.memref_squeeze %gather3A_213 : memref<1x32x1024xf32, #tpu.memory_space<vmem>> -> memref<32x1024xf32, #tpu.memory_space<vmem>>
              %gather3A_215 = tpu.vector_load_idx %gather3A_214[%iota3A, %broadcast_in_dim3A_210] : memref<32x1024xf32, #tpu.memory_space<vmem>>[vector<16xi32>, vector<16xi32>], vector<16xf32>,
              %add3A_216 = arith.constant 16 : i32
              %add3A_217 = vector.broadcast %add3A_216 : i32 to vector<16xi32>
              %add3A_218 = arith.addi %iota3A, %add3A_217 : vector<16xi32>
              %gather3A_219 = arith.constant 0 : i32
              %gather3A_220 = arith.constant 0 : i32
              %gather3A_221 = tpu.memref_slice %arg12[%and3A_105, %gather3A_219, %gather3A_220] : memref<2x32x1024xf32, #tpu.memory_space<vmem>> -> memref<1x32x1024xf32, #tpu.memory_space<vmem>>
              %gather3A_222 = tpu.memref_squeeze %gather3A_221 : memref<1x32x1024xf32, #tpu.memory_space<vmem>> -> memref<32x1024xf32, #tpu.memory_space<vmem>>
              %gather3A_223 = tpu.vector_load_idx %gather3A_222[%add3A_218, %broadcast_in_dim3A_210] : memref<32x1024xf32, #tpu.memory_space<vmem>>[vector<16xi32>, vector<16xi32>], vector<16xf32>,
              %swap3A_224 = arith.constant 0 : i32
              %swap3A_225 = tpu.memref_slice %arg13[%squeeze3A_192, %swap3A_224] : memref<64x32xf32, #tpu.memory_space<vmem>> -> memref<1x32xf32, #tpu.memory_space<vmem>>
              %swap3A_226 = tpu.memref_squeeze %swap3A_225 : memref<1x32xf32, #tpu.memory_space<vmem>> -> memref<32xf32, #tpu.memory_space<vmem>>
              %swap3A_227 = arith.constant 0 : index
              %swap3A_228 = tpu.vector_load %swap3A_226[%swap3A_227] {strides = array<i32>} : memref<32xf32, #tpu.memory_space<vmem>>, vector<16xf32>,
              tpu.vector_store %swap3A_226[%swap3A_227], %gather3A_215 {strides = array<i32>} : memref<32xf32, #tpu.memory_space<vmem>>, vector<16xf32>,
              %swap3A_229 = arith.constant 0 : i32
              %swap3A_230 = tpu.memref_slice %arg13[%squeeze3A_192, %swap3A_229] : memref<64x32xf32, #tpu.memory_space<vmem>> -> memref<1x32xf32, #tpu.memory_space<vmem>>
              %swap3A_231 = tpu.memref_squeeze %swap3A_230 : memref<1x32xf32, #tpu.memory_space<vmem>> -> memref<32xf32, #tpu.memory_space<vmem>>
              %swap3A_232 = arith.constant 16 : index
              %swap3A_233 = tpu.vector_load %swap3A_231[%swap3A_232] {strides = array<i32>} : memref<32xf32, #tpu.memory_space<vmem>>, vector<16xf32>,
              tpu.vector_store %swap3A_231[%swap3A_232], %gather3A_223 {strides = array<i32>} : memref<32xf32, #tpu.memory_space<vmem>>, vector<16xf32>,
              %dma_start3A_234 = arith.constant 0 : i32
              %dma_start3A_235 = tpu.memref_slice %arg13[%squeeze3A_192, %dma_start3A_234] : memref<64x32xf32, #tpu.memory_space<vmem>> -> memref<1x32xf32, #tpu.memory_space<vmem>>
              %dma_start3A_236 = arith.constant 0 : i32
              %dma_start3A_237 = tpu.memref_slice %arg8[%squeeze3A_190, %dma_start3A_236] : memref<16384x32xf32, #tpu.memory_space<hbm>> -> memref<1x32xf32, #tpu.memory_space<hbm>>
              %dma_start3A_238 = arith.constant 0 : i32
              %dma_start3A_239 = tpu.memref_slice %arg8[%squeeze3A_190, %dma_start3A_238] : memref<16384x32xf32, #tpu.memory_space<hbm>> -> memref<1x32xf32, #tpu.memory_space<hbm>>
              %dma_start3A_240 = arith.constant 0 : i32
              %dma_start3A_241 = tpu.memref_slice %arg13[%squeeze3A_192, %dma_start3A_240] : memref<64x32xf32, #tpu.memory_space<vmem>> -> memref<1x32xf32, #tpu.memory_space<vmem>>
              tpu.enqueue_dma source(%dma_start3A_241 : memref<1x32xf32, #tpu.memory_space<vmem>>) target(%dma_start3A_239 : memref<1x32xf32, #tpu.memory_space<hbm>>) target_semaphore(%arg16 : memref<!tpu.dma_semaphore, #tpu.memory_space<semaphore_mem>>)
            } else {
            }
            %eq3A_200 = arith.constant 976 : i32
            %eq3A_201 = arith.cmpi eq, %add3A_104, %eq3A_200 : i32
            %ge3A = arith.constant 512 : i32
            %ge3A_202 = arith.cmpi sge, %squeeze3A_188, %ge3A : i32
            %and3A_203 = arith.andi %eq3A_201, %ge3A_202 : i1
            %convert_element_type3A_204 = arith.extui %and3A_203 : i1 to i32
            %cond3A_205 = arith.constant 0 : i32
            %cond3A_206 = arith.cmpi ne, %convert_element_type3A_204, %cond3A_205 : i32
            scf.if %cond3A_206 {
              %sub3A_210 = arith.constant 512 : i32
              %sub3A_211 = arith.subi %squeeze3A_188, %sub3A_210 : i32
              %dma_start3A_212 = arith.constant 0 : i32
              %dma_start3A_213 = tpu.memref_slice %arg13[%squeeze3A_192, %dma_start3A_212] : memref<64x32xf32, #tpu.memory_space<vmem>> -> memref<1x32xf32, #tpu.memory_space<vmem>>
              %dma_start3A_214 = arith.constant 0 : i32
              %dma_start3A_215 = tpu.memref_slice %arg6[%sub3A_211, %dma_start3A_214] : memref<64x32xf32, #tpu.memory_space<hbm>> -> memref<1x32xf32, #tpu.memory_space<hbm>>
              %dma_start3A_216 = arith.constant 0 : i32
              %dma_start3A_217 = tpu.memref_slice %arg13[%squeeze3A_192, %dma_start3A_216] : memref<64x32xf32, #tpu.memory_space<vmem>> -> memref<1x32xf32, #tpu.memory_space<vmem>>
              %dma_start3A_218 = arith.constant 0 : i32
              %dma_start3A_219 = tpu.memref_slice %arg6[%sub3A_211, %dma_start3A_218] : memref<64x32xf32, #tpu.memory_space<hbm>> -> memref<1x32xf32, #tpu.memory_space<hbm>>
              tpu.enqueue_dma source(%dma_start3A_219 : memref<1x32xf32, #tpu.memory_space<hbm>>) target(%dma_start3A_217 : memref<1x32xf32, #tpu.memory_space<vmem>>) target_semaphore(%arg15 : memref<!tpu.dma_semaphore, #tpu.memory_space<semaphore_mem>>)
              %dma_wait3A = arith.constant 0 : i32
              %dma_wait3A_220 = tpu.memref_slice %arg13[%squeeze3A_192, %dma_wait3A] : memref<64x32xf32, #tpu.memory_space<vmem>> -> memref<1x32xf32, #tpu.memory_space<vmem>>
              %dma_wait3A_221 = arith.constant 0 : i32
              %dma_wait3A_222 = tpu.memref_slice %arg6[%sub3A_211, %dma_wait3A_221] : memref<64x32xf32, #tpu.memory_space<hbm>> -> memref<1x32xf32, #tpu.memory_space<hbm>>
              %dma_wait3A_223 = arith.constant 0 : i32
              %dma_wait3A_224 = tpu.memref_slice %arg13[%squeeze3A_192, %dma_wait3A_223] : memref<64x32xf32, #tpu.memory_space<vmem>> -> memref<1x32xf32, #tpu.memory_space<vmem>>
              %dma_wait3A_225 = arith.constant 0 : i32
              %dma_wait3A_226 = tpu.memref_slice %arg6[%sub3A_211, %dma_wait3A_225] : memref<64x32xf32, #tpu.memory_space<hbm>> -> memref<1x32xf32, #tpu.memory_space<hbm>>
              tpu.wait_dma2 semaphore(%arg15 : memref<!tpu.dma_semaphore, #tpu.memory_space<semaphore_mem>>) src(%dma_wait3A_226 : memref<1x32xf32, #tpu.memory_space<hbm>>) dst(%dma_wait3A_224 : memref<1x32xf32, #tpu.memory_space<vmem>>)
              %dma_start3A_227 = arith.constant 0 : i32
              %dma_start3A_228 = tpu.memref_slice %arg13[%squeeze3A_192, %dma_start3A_227] : memref<64x32xf32, #tpu.memory_space<vmem>> -> memref<1x32xf32, #tpu.memory_space<vmem>>
              %dma_start3A_229 = arith.constant 0 : i32
              %dma_start3A_230 = tpu.memref_slice %arg8[%squeeze3A_190, %dma_start3A_229] : memref<16384x32xf32, #tpu.memory_space<hbm>> -> memref<1x32xf32, #tpu.memory_space<hbm>>
              %dma_start3A_231 = arith.constant 0 : i32
              %dma_start3A_232 = tpu.memref_slice %arg8[%squeeze3A_190, %dma_start3A_231] : memref<16384x32xf32, #tpu.memory_space<hbm>> -> memref<1x32xf32, #tpu.memory_space<hbm>>
              %dma_start3A_233 = arith.constant 0 : i32
              %dma_start3A_234 = tpu.memref_slice %arg13[%squeeze3A_192, %dma_start3A_233] : memref<64x32xf32, #tpu.memory_space<vmem>> -> memref<1x32xf32, #tpu.memory_space<vmem>>
              tpu.enqueue_dma source(%dma_start3A_234 : memref<1x32xf32, #tpu.memory_space<vmem>>) target(%dma_start3A_232 : memref<1x32xf32, #tpu.memory_space<hbm>>) target_semaphore(%arg16 : memref<!tpu.dma_semaphore, #tpu.memory_space<semaphore_mem>>)
            } else {
            }
            %ne3A = vector.broadcast %squeeze3A_183 : i32 to vector<16xi32>
            %ne3A_207 = arith.cmpi ne, %iota3A, %ne3A : vector<16xi32>
            %convert_element_type3A_208 = arith.extui %ne3A_207 : vector<16xi1> to vector<16xi32>
            %and3A_209 = arith.andi %while3A_178, %convert_element_type3A_208 : vector<16xi32>
            scf.yield %and3A_209 : vector<16xi32>
          }
          %while3A_175 = arith.constant 1 : i32
          %while3A_176 = scf.for %while3A_177 = %while3A_172 to %while3A_168 step %while3A_175 iter_args(%while3A_178 = %while3A_174) -> (vector<16xi32>)  : i32 {
            %eq3A_179 = arith.constant 1 : i32
            %eq3A_180 = vector.broadcast %eq3A_179 : i32 to vector<16xi32>
            %eq3A_181 = arith.cmpi eq, %while3A_178, %eq3A_180 : vector<16xi32>
            %all_reduce_ffs3A = tpu.all_reduce %eq3A_181 {dim = 0 : i64, kind = #tpu.reduction_kind<find_first_set>} : vector<16xi1> -> vector<16xi32>
            %slice3A_182 = vector.extract_strided_slice %all_reduce_ffs3A {offsets = [0], sizes = [1], strides = [1]} : vector<16xi32> to vector<1xi32>
            %squeeze3A_183 = vector.extract %slice3A_182[0] : i32 from vector<1xi32>
            %add3A_184 = vector.broadcast %squeeze3A_183 : i32 to vector<16xi32>
            %add3A_185 = arith.addi %add3A_184, %add3A_13 : vector<16xi32>
            %gather3A_186 = tpu.vector_load_idx %arg14[%add3A_185] : memref<48xi32, #tpu.memory_space<vmem>>[vector<16xi32>], vector<16xi32>,
            %slice3A_187 = vector.extract_strided_slice %gather3A_186 {offsets = [0], sizes = [1], strides = [1]} : vector<16xi32> to vector<1xi32>
            %squeeze3A_188 = vector.extract %slice3A_187[0] : i32 from vector<1xi32>
            %slice3A_189 = vector.extract_strided_slice %gather3A_186 {offsets = [1], sizes = [1], strides = [1]} : vector<16xi32> to vector<1xi32>
            %squeeze3A_190 = vector.extract %slice3A_189[0] : i32 from vector<1xi32>
            %slice3A_191 = vector.extract_strided_slice %gather3A_186 {offsets = [2], sizes = [1], strides = [1]} : vector<16xi32> to vector<1xi32>
            %squeeze3A_192 = vector.extract %slice3A_191[0] : i32 from vector<1xi32>
            %lt3A_193 = arith.constant 976 : i32
            %lt3A_194 = arith.cmpi slt, %add3A_104, %lt3A_193 : i32
            %lt3A_195 = arith.constant 512 : i32
            %lt3A_196 = arith.cmpi slt, %squeeze3A_188, %lt3A_195 : i32
            %or3A = arith.ori %lt3A_194, %lt3A_196 : i1
            %convert_element_type3A_197 = arith.extui %or3A : i1 to i32
            %cond3A_198 = arith.constant 0 : i32
            %cond3A_199 = arith.cmpi ne, %convert_element_type3A_197, %cond3A_198 : i32
            scf.if %cond3A_199 {
              %broadcast_in_dim3A_210 = vector.broadcast %squeeze3A_188 : i32 to vector<16xi32>
              %gather3A_211 = arith.constant 0 : i32
              %gather3A_212 = arith.constant 0 : i32
              %gather3A_213 = tpu.memref_slice %arg12[%and3A_105, %gather3A_211, %gather3A_212] : memref<2x32x1024xf32, #tpu.memory_space<vmem>> -> memref<1x32x1024xf32, #tpu.memory_space<vmem>>
              %gather3A_214 = tpu.memref_squeeze %gather3A_213 : memref<1x32x1024xf32, #tpu.memory_space<vmem>> -> memref<32x1024xf32, #tpu.memory_space<vmem>>
              %gather3A_215 = tpu.vector_load_idx %gather3A_214[%iota3A, %broadcast_in_dim3A_210] : memref<32x1024xf32, #tpu.memory_space<vmem>>[vector<16xi32>, vector<16xi32>], vector<16xf32>,
              %add3A_216 = arith.constant 16 : i32
              %add3A_217 = vector.broadcast %add3A_216 : i32 to vector<16xi32>
              %add3A_218 = arith.addi %iota3A, %add3A_217 : vector<16xi32>
              %gather3A_219 = arith.constant 0 : i32
              %gather3A_220 = arith.constant 0 : i32
              %gather3A_221 = tpu.memref_slice %arg12[%and3A_105, %gather3A_219, %gather3A_220] : memref<2x32x1024xf32, #tpu.memory_space<vmem>> -> memref<1x32x1024xf32, #tpu.memory_space<vmem>>
              %gather3A_222 = tpu.memref_squeeze %gather3A_221 : memref<1x32x1024xf32, #tpu.memory_space<vmem>> -> memref<32x1024xf32, #tpu.memory_space<vmem>>
              %gather3A_223 = tpu.vector_load_idx %gather3A_222[%add3A_218, %broadcast_in_dim3A_210] : memref<32x1024xf32, #tpu.memory_space<vmem>>[vector<16xi32>, vector<16xi32>], vector<16xf32>,
              %swap3A_224 = arith.constant 0 : i32
              %swap3A_225 = tpu.memref_slice %arg13[%squeeze3A_192, %swap3A_224] : memref<64x32xf32, #tpu.memory_space<vmem>> -> memref<1x32xf32, #tpu.memory_space<vmem>>
              %swap3A_226 = tpu.memref_squeeze %swap3A_225 : memref<1x32xf32, #tpu.memory_space<vmem>> -> memref<32xf32, #tpu.memory_space<vmem>>
              %swap3A_227 = arith.constant 0 : index
              %swap3A_228 = tpu.vector_load %swap3A_226[%swap3A_227] {strides = array<i32>} : memref<32xf32, #tpu.memory_space<vmem>>, vector<16xf32>,
              tpu.vector_store %swap3A_226[%swap3A_227], %gather3A_215 {strides = array<i32>} : memref<32xf32, #tpu.memory_space<vmem>>, vector<16xf32>,
              %swap3A_229 = arith.constant 0 : i32
              %swap3A_230 = tpu.memref_slice %arg13[%squeeze3A_192, %swap3A_229] : memref<64x32xf32, #tpu.memory_space<vmem>> -> memref<1x32xf32, #tpu.memory_space<vmem>>
              %swap3A_231 = tpu.memref_squeeze %swap3A_230 : memref<1x32xf32, #tpu.memory_space<vmem>> -> memref<32xf32, #tpu.memory_space<vmem>>
              %swap3A_232 = arith.constant 16 : index
              %swap3A_233 = tpu.vector_load %swap3A_231[%swap3A_232] {strides = array<i32>} : memref<32xf32, #tpu.memory_space<vmem>>, vector<16xf32>,
              tpu.vector_store %swap3A_231[%swap3A_232], %gather3A_223 {strides = array<i32>} : memref<32xf32, #tpu.memory_space<vmem>>, vector<16xf32>,
              %dma_start3A_234 = arith.constant 0 : i32
              %dma_start3A_235 = tpu.memref_slice %arg13[%squeeze3A_192, %dma_start3A_234] : memref<64x32xf32, #tpu.memory_space<vmem>> -> memref<1x32xf32, #tpu.memory_space<vmem>>
              %dma_start3A_236 = arith.constant 0 : i32
              %dma_start3A_237 = tpu.memref_slice %arg8[%squeeze3A_190, %dma_start3A_236] : memref<16384x32xf32, #tpu.memory_space<hbm>> -> memref<1x32xf32, #tpu.memory_space<hbm>>
              %dma_start3A_238 = arith.constant 0 : i32
              %dma_start3A_239 = tpu.memref_slice %arg8[%squeeze3A_190, %dma_start3A_238] : memref<16384x32xf32, #tpu.memory_space<hbm>> -> memref<1x32xf32, #tpu.memory_space<hbm>>
              %dma_start3A_240 = arith.constant 0 : i32
              %dma_start3A_241 = tpu.memref_slice %arg13[%squeeze3A_192, %dma_start3A_240] : memref<64x32xf32, #tpu.memory_space<vmem>> -> memref<1x32xf32, #tpu.memory_space<vmem>>
              tpu.enqueue_dma source(%dma_start3A_241 : memref<1x32xf32, #tpu.memory_space<vmem>>) target(%dma_start3A_239 : memref<1x32xf32, #tpu.memory_space<hbm>>) target_semaphore(%arg16 : memref<!tpu.dma_semaphore, #tpu.memory_space<semaphore_mem>>)
            } else {
            }
            %eq3A_200 = arith.constant 976 : i32
            %eq3A_201 = arith.cmpi eq, %add3A_104, %eq3A_200 : i32
            %ge3A = arith.constant 512 : i32
            %ge3A_202 = arith.cmpi sge, %squeeze3A_188, %ge3A : i32
            %and3A_203 = arith.andi %eq3A_201, %ge3A_202 : i1
            %convert_element_type3A_204 = arith.extui %and3A_203 : i1 to i32
            %cond3A_205 = arith.constant 0 : i32
            %cond3A_206 = arith.cmpi ne, %convert_element_type3A_204, %cond3A_205 : i32
            scf.if %cond3A_206 {
              %sub3A_210 = arith.constant 512 : i32
              %sub3A_211 = arith.subi %squeeze3A_188, %sub3A_210 : i32
              %dma_start3A_212 = arith.constant 0 : i32
              %dma_start3A_213 = tpu.memref_slice %arg13[%squeeze3A_192, %dma_start3A_212] : memref<64x32xf32, #tpu.memory_space<vmem>> -> memref<1x32xf32, #tpu.memory_space<vmem>>
              %dma_start3A_214 = arith.constant 0 : i32
              %dma_start3A_215 = tpu.memref_slice %arg6[%sub3A_211, %dma_start3A_214] : memref<64x32xf32, #tpu.memory_space<hbm>> -> memref<1x32xf32, #tpu.memory_space<hbm>>
              %dma_start3A_216 = arith.constant 0 : i32
              %dma_start3A_217 = tpu.memref_slice %arg13[%squeeze3A_192, %dma_start3A_216] : memref<64x32xf32, #tpu.memory_space<vmem>> -> memref<1x32xf32, #tpu.memory_space<vmem>>
              %dma_start3A_218 = arith.constant 0 : i32
              %dma_start3A_219 = tpu.memref_slice %arg6[%sub3A_211, %dma_start3A_218] : memref<64x32xf32, #tpu.memory_space<hbm>> -> memref<1x32xf32, #tpu.memory_space<hbm>>
              tpu.enqueue_dma source(%dma_start3A_219 : memref<1x32xf32, #tpu.memory_space<hbm>>) target(%dma_start3A_217 : memref<1x32xf32, #tpu.memory_space<vmem>>) target_semaphore(%arg15 : memref<!tpu.dma_semaphore, #tpu.memory_space<semaphore_mem>>)
              %dma_wait3A = arith.constant 0 : i32
              %dma_wait3A_220 = tpu.memref_slice %arg13[%squeeze3A_192, %dma_wait3A] : memref<64x32xf32, #tpu.memory_space<vmem>> -> memref<1x32xf32, #tpu.memory_space<vmem>>
              %dma_wait3A_221 = arith.constant 0 : i32
              %dma_wait3A_222 = tpu.memref_slice %arg6[%sub3A_211, %dma_wait3A_221] : memref<64x32xf32, #tpu.memory_space<hbm>> -> memref<1x32xf32, #tpu.memory_space<hbm>>
              %dma_wait3A_223 = arith.constant 0 : i32
              %dma_wait3A_224 = tpu.memref_slice %arg13[%squeeze3A_192, %dma_wait3A_223] : memref<64x32xf32, #tpu.memory_space<vmem>> -> memref<1x32xf32, #tpu.memory_space<vmem>>
              %dma_wait3A_225 = arith.constant 0 : i32
              %dma_wait3A_226 = tpu.memref_slice %arg6[%sub3A_211, %dma_wait3A_225] : memref<64x32xf32, #tpu.memory_space<hbm>> -> memref<1x32xf32, #tpu.memory_space<hbm>>
              tpu.wait_dma2 semaphore(%arg15 : memref<!tpu.dma_semaphore, #tpu.memory_space<semaphore_mem>>) src(%dma_wait3A_226 : memref<1x32xf32, #tpu.memory_space<hbm>>) dst(%dma_wait3A_224 : memref<1x32xf32, #tpu.memory_space<vmem>>)
              %dma_start3A_227 = arith.constant 0 : i32
              %dma_start3A_228 = tpu.memref_slice %arg13[%squeeze3A_192, %dma_start3A_227] : memref<64x32xf32, #tpu.memory_space<vmem>> -> memref<1x32xf32, #tpu.memory_space<vmem>>
              %dma_start3A_229 = arith.constant 0 : i32
              %dma_start3A_230 = tpu.memref_slice %arg8[%squeeze3A_190, %dma_start3A_229] : memref<16384x32xf32, #tpu.memory_space<hbm>> -> memref<1x32xf32, #tpu.memory_space<hbm>>
              %dma_start3A_231 = arith.constant 0 : i32
              %dma_start3A_232 = tpu.memref_slice %arg8[%squeeze3A_190, %dma_start3A_231] : memref<16384x32xf32, #tpu.memory_space<hbm>> -> memref<1x32xf32, #tpu.memory_space<hbm>>
              %dma_start3A_233 = arith.constant 0 : i32
              %dma_start3A_234 = tpu.memref_slice %arg13[%squeeze3A_192, %dma_start3A_233] : memref<64x32xf32, #tpu.memory_space<vmem>> -> memref<1x32xf32, #tpu.memory_space<vmem>>
              tpu.enqueue_dma source(%dma_start3A_234 : memref<1x32xf32, #tpu.memory_space<vmem>>) target(%dma_start3A_232 : memref<1x32xf32, #tpu.memory_space<hbm>>) target_semaphore(%arg16 : memref<!tpu.dma_semaphore, #tpu.memory_space<semaphore_mem>>)
            } else {
            }
            %ne3A = vector.broadcast %squeeze3A_183 : i32 to vector<16xi32>
            %ne3A_207 = arith.cmpi ne, %iota3A, %ne3A : vector<16xi32>
            %convert_element_type3A_208 = arith.extui %ne3A_207 : vector<16xi1> to vector<16xi32>
            %and3A_209 = arith.andi %while3A_178, %convert_element_type3A_208 : vector<16xi32>
            scf.yield %and3A_209 : vector<16xi32>
          }
        } else {
        }
        %add3A_152 = arith.addi %select_n3A_146, %squeeze3A : i32
        scf.yield %add3A_152 : i32
      }
      %while3A_120 = arith.constant 1 : i32
      %while3A_121 = scf.for %while3A_122 = %while3A_117 to %while3A_113 step %while3A_120 iter_args(%while3A_123 = %while3A_119) -> (i32)  : i32 {
        %mul3A_124 = arith.constant 16 : i32
        %mul3A_125 = arith.muli %while3A_122, %mul3A_124 : i32
        %add3A_126 = vector.broadcast %mul3A_125 : i32 to vector<16xi32>
        %add3A_127 = arith.addi %add3A_126, %iota3A : vector<16xi32>
        %lt3A = vector.broadcast %scan3A_32 : i32 to vector<16xi32>
        %lt3A_128 = arith.cmpi slt, %add3A_127, %lt3A : vector<16xi32>
        %get3A = arith.index_cast %mul3A_125 : i32 to index
        %get3A_129 = tpu.vector_load %arg11[%get3A] {strides = array<i32>} : memref<16448xi32, #tpu.memory_space<vmem>>, vector<16xi32>,
        %jit3A_130 = arith.constant 0 : i32
        %broadcast_in_dim3A = vector.broadcast %jit3A_130 : i32 to vector<16xi32>
        %select_n3A_131 = arith.select %lt3A_128, %get3A_129, %broadcast_in_dim3A : vector<16xi1>, vector<16xi32>
        %gather3A = tpu.vector_load_idx %arg10[%select_n3A_131] : memref<16384xi32, #tpu.memory_space<vmem>>[vector<16xi32>], vector<16xi32>,
        %shift_right_logical3A = arith.constant 10 : i32
        %shift_right_logical3A_132 = vector.broadcast %shift_right_logical3A : i32 to vector<16xi32>
        %shift_right_logical3A_133 = arith.shrui %gather3A, %shift_right_logical3A_132 : vector<16xi32>
        %eq3A_134 = vector.broadcast %add3A_104 : i32 to vector<16xi32>
        %eq3A_135 = arith.cmpi eq, %shift_right_logical3A_133, %eq3A_134 : vector<16xi32>
        %and3A_136 = arith.andi %eq3A_135, %lt3A_128 : vector<16xi1>
        %convert_element_type3A_137 = arith.extui %and3A_136 : vector<16xi1> to vector<16xi32>
        %broadcast_in_dim3A_138 = arith.constant true
        %broadcast_in_dim3A_139 = vector.broadcast %broadcast_in_dim3A_138 : i1 to vector<16xi1>
        %masked_cumsum3A = tpu.scan <sum>, %convert_element_type3A_137 masked %broadcast_in_dim3A_139 : vector<16xi32>, vector<16xi1> -> vector<16xi32>
        %slice3A = vector.extract_strided_slice %masked_cumsum3A {offsets = [15], sizes = [1], strides = [1]} : vector<16xi32> to vector<1xi32>
        %squeeze3A = vector.extract %slice3A[0] : i32 from vector<1xi32>
        %add3A_140 = arith.addi %while3A_123, %squeeze3A : i32
        %gt3A = arith.constant 64 : i32
        %gt3A_141 = arith.cmpi sgt, %add3A_140, %gt3A : i32
        %convert_element_type3A_142 = arith.extui %gt3A_141 : i1 to i32
        %cond3A_143 = arith.constant 0 : i32
        %cond3A_144 = arith.cmpi ne, %convert_element_type3A_142, %cond3A_143 : i32
        scf.if %cond3A_144 {
          %while3A_153 = arith.constant 0 : i32
          %while3A_154 = arith.constant 0 : i32
          %while3A_155 = arith.subi %while3A_123, %while3A_153 : i32
          %while3A_156 = arith.addi %while3A_153, %while3A_155 : i32
          %while3A_157 = arith.constant 1 : i32
          %while3A_158 = arith.divsi %while3A_155, %while3A_157 : i32
          %while3A_159 = arith.muli %while3A_158, %while3A_157 : i32
          %while3A_160 = arith.addi %while3A_153, %while3A_159 : i32
          %while3A_161 = arith.constant 1 : i32
          %while3A_162 = scf.for %while3A_165 = %while3A_153 to %while3A_160 step %while3A_161 iter_args(%while3A_166 = %while3A_154) -> (i32)  : i32 {
            %dma_wait3A = arith.constant 0 : i32
            %dma_wait3A_167 = arith.constant 0 : i32
            %dma_wait3A_168 = tpu.memref_slice %arg13[%dma_wait3A, %dma_wait3A_167] : memref<64x32xf32, #tpu.memory_space<vmem>> -> memref<1x32xf32, #tpu.memory_space<vmem>>
            %dma_wait3A_169 = arith.constant 0 : i32
            %dma_wait3A_170 = arith.constant 0 : i32
            %dma_wait3A_171 = tpu.memref_slice %arg8[%dma_wait3A_169, %dma_wait3A_170] : memref<16384x32xf32, #tpu.memory_space<hbm>> -> memref<1x32xf32, #tpu.memory_space<hbm>>
            %dma_wait3A_172 = arith.constant 0 : i32
            %dma_wait3A_173 = arith.constant 0 : i32
            %dma_wait3A_174 = tpu.memref_slice %arg8[%dma_wait3A_172, %dma_wait3A_173] : memref<16384x32xf32, #tpu.memory_space<hbm>> -> memref<1x32xf32, #tpu.memory_space<hbm>>
            %dma_wait3A_175 = arith.constant 0 : i32
            %dma_wait3A_176 = arith.constant 0 : i32
            %dma_wait3A_177 = tpu.memref_slice %arg13[%dma_wait3A_175, %dma_wait3A_176] : memref<64x32xf32, #tpu.memory_space<vmem>> -> memref<1x32xf32, #tpu.memory_space<vmem>>
            tpu.wait_dma2 semaphore(%arg16 : memref<!tpu.dma_semaphore, #tpu.memory_space<semaphore_mem>>) src(%dma_wait3A_177 : memref<1x32xf32, #tpu.memory_space<vmem>>) dst(%dma_wait3A_174 : memref<1x32xf32, #tpu.memory_space<hbm>>)
            %while3A_178 = arith.constant 0 : i32
            scf.yield %while3A_178 : i32
          }
          %while3A_163 = arith.constant 1 : i32
          %while3A_164 = scf.for %while3A_165 = %while3A_160 to %while3A_156 step %while3A_163 iter_args(%while3A_166 = %while3A_162) -> (i32)  : i32 {
            %dma_wait3A = arith.constant 0 : i32
            %dma_wait3A_167 = arith.constant 0 : i32
            %dma_wait3A_168 = tpu.memref_slice %arg13[%dma_wait3A, %dma_wait3A_167] : memref<64x32xf32, #tpu.memory_space<vmem>> -> memref<1x32xf32, #tpu.memory_space<vmem>>
            %dma_wait3A_169 = arith.constant 0 : i32
            %dma_wait3A_170 = arith.constant 0 : i32
            %dma_wait3A_171 = tpu.memref_slice %arg8[%dma_wait3A_169, %dma_wait3A_170] : memref<16384x32xf32, #tpu.memory_space<hbm>> -> memref<1x32xf32, #tpu.memory_space<hbm>>
            %dma_wait3A_172 = arith.constant 0 : i32
            %dma_wait3A_173 = arith.constant 0 : i32
            %dma_wait3A_174 = tpu.memref_slice %arg8[%dma_wait3A_172, %dma_wait3A_173] : memref<16384x32xf32, #tpu.memory_space<hbm>> -> memref<1x32xf32, #tpu.memory_space<hbm>>
            %dma_wait3A_175 = arith.constant 0 : i32
            %dma_wait3A_176 = arith.constant 0 : i32
            %dma_wait3A_177 = tpu.memref_slice %arg13[%dma_wait3A_175, %dma_wait3A_176] : memref<64x32xf32, #tpu.memory_space<vmem>> -> memref<1x32xf32, #tpu.memory_space<vmem>>
            tpu.wait_dma2 semaphore(%arg16 : memref<!tpu.dma_semaphore, #tpu.memory_space<semaphore_mem>>) src(%dma_wait3A_177 : memref<1x32xf32, #tpu.memory_space<vmem>>) dst(%dma_wait3A_174 : memref<1x32xf32, #tpu.memory_space<hbm>>)
            %while3A_178 = arith.constant 0 : i32
            scf.yield %while3A_178 : i32
          }
        } else {
        }
        %jit3A_145 = arith.constant 0 : i32
        %select_n3A_146 = arith.select %gt3A_141, %jit3A_145, %while3A_123 : i32
        %gt3A_147 = arith.constant 0 : i32
        %gt3A_148 = arith.cmpi sgt, %squeeze3A, %gt3A_147 : i32
        %convert_element_type3A_149 = arith.extui %gt3A_148 : i1 to i32
        %cond3A_150 = arith.constant 0 : i32
        %cond3A_151 = arith.cmpi ne, %convert_element_type3A_149, %cond3A_150 : i32
        scf.if %cond3A_151 {
          %mul3A_153 = arith.constant 1024 : i32
          %mul3A_154 = arith.muli %add3A_104, %mul3A_153 : i32
          %sub3A = vector.broadcast %mul3A_154 : i32 to vector<16xi32>
          %sub3A_155 = arith.subi %gather3A, %sub3A : vector<16xi32>
          %swap3A = arith.constant 0 : index
          %swap3A_156 = tpu.vector_load %arg14[%swap3A] {strides = array<i32>} : memref<48xi32, #tpu.memory_space<vmem>>, vector<16xi32>,
          tpu.vector_store %arg14[%swap3A], %sub3A_155 {strides = array<i32>} : memref<48xi32, #tpu.memory_space<vmem>>, vector<16xi32>,
          %swap3A_157 = arith.constant 16 : index
          %swap3A_158 = tpu.vector_load %arg14[%swap3A_157] {strides = array<i32>} : memref<48xi32, #tpu.memory_space<vmem>>, vector<16xi32>,
          tpu.vector_store %arg14[%swap3A_157], %select_n3A_131 {strides = array<i32>} : memref<48xi32, #tpu.memory_space<vmem>>, vector<16xi32>,
          %add3A_159 = vector.broadcast %select_n3A_146 : i32 to vector<16xi32>
          %add3A_160 = arith.addi %add3A_159, %masked_cumsum3A : vector<16xi32>
          %sub3A_161 = arith.constant 1 : i32
          %sub3A_162 = vector.broadcast %sub3A_161 : i32 to vector<16xi32>
          %sub3A_163 = arith.subi %add3A_160, %sub3A_162 : vector<16xi32>
          %swap3A_164 = arith.constant 32 : index
          %swap3A_165 = tpu.vector_load %arg14[%swap3A_164] {strides = array<i32>} : memref<48xi32, #tpu.memory_space<vmem>>, vector<16xi32>,
          tpu.vector_store %arg14[%swap3A_164], %sub3A_163 {strides = array<i32>} : memref<48xi32, #tpu.memory_space<vmem>>, vector<16xi32>,
          %while3A_166 = arith.constant 0 : i32
          %while3A_167 = arith.subi %squeeze3A, %while3A_166 : i32
          %while3A_168 = arith.addi %while3A_166, %while3A_167 : i32
          %while3A_169 = arith.constant 1 : i32
          %while3A_170 = arith.divsi %while3A_167, %while3A_169 : i32
          %while3A_171 = arith.muli %while3A_170, %while3A_169 : i32
          %while3A_172 = arith.addi %while3A_166, %while3A_171 : i32
          %while3A_173 = arith.constant 1 : i32
          %while3A_174 = scf.for %while3A_177 = %while3A_166 to %while3A_172 step %while3A_173 iter_args(%while3A_178 = %convert_element_type3A_137) -> (vector<16xi32>)  : i32 {
            %eq3A_179 = arith.constant 1 : i32
            %eq3A_180 = vector.broadcast %eq3A_179 : i32 to vector<16xi32>
            %eq3A_181 = arith.cmpi eq, %while3A_178, %eq3A_180 : vector<16xi32>
            %all_reduce_ffs3A = tpu.all_reduce %eq3A_181 {dim = 0 : i64, kind = #tpu.reduction_kind<find_first_set>} : vector<16xi1> -> vector<16xi32>
            %slice3A_182 = vector.extract_strided_slice %all_reduce_ffs3A {offsets = [0], sizes = [1], strides = [1]} : vector<16xi32> to vector<1xi32>
            %squeeze3A_183 = vector.extract %slice3A_182[0] : i32 from vector<1xi32>
            %add3A_184 = vector.broadcast %squeeze3A_183 : i32 to vector<16xi32>
            %add3A_185 = arith.addi %add3A_184, %add3A_13 : vector<16xi32>
            %gather3A_186 = tpu.vector_load_idx %arg14[%add3A_185] : memref<48xi32, #tpu.memory_space<vmem>>[vector<16xi32>], vector<16xi32>,
            %slice3A_187 = vector.extract_strided_slice %gather3A_186 {offsets = [0], sizes = [1], strides = [1]} : vector<16xi32> to vector<1xi32>
            %squeeze3A_188 = vector.extract %slice3A_187[0] : i32 from vector<1xi32>
            %slice3A_189 = vector.extract_strided_slice %gather3A_186 {offsets = [1], sizes = [1], strides = [1]} : vector<16xi32> to vector<1xi32>
            %squeeze3A_190 = vector.extract %slice3A_189[0] : i32 from vector<1xi32>
            %slice3A_191 = vector.extract_strided_slice %gather3A_186 {offsets = [2], sizes = [1], strides = [1]} : vector<16xi32> to vector<1xi32>
            %squeeze3A_192 = vector.extract %slice3A_191[0] : i32 from vector<1xi32>
            %lt3A_193 = arith.constant 976 : i32
            %lt3A_194 = arith.cmpi slt, %add3A_104, %lt3A_193 : i32
            %lt3A_195 = arith.constant 512 : i32
            %lt3A_196 = arith.cmpi slt, %squeeze3A_188, %lt3A_195 : i32
            %or3A = arith.ori %lt3A_194, %lt3A_196 : i1
            %convert_element_type3A_197 = arith.extui %or3A : i1 to i32
            %cond3A_198 = arith.constant 0 : i32
            %cond3A_199 = arith.cmpi ne, %convert_element_type3A_197, %cond3A_198 : i32
            scf.if %cond3A_199 {
              %broadcast_in_dim3A_210 = vector.broadcast %squeeze3A_188 : i32 to vector<16xi32>
              %gather3A_211 = arith.constant 0 : i32
              %gather3A_212 = arith.constant 0 : i32
              %gather3A_213 = tpu.memref_slice %arg12[%and3A_105, %gather3A_211, %gather3A_212] : memref<2x32x1024xf32, #tpu.memory_space<vmem>> -> memref<1x32x1024xf32, #tpu.memory_space<vmem>>
              %gather3A_214 = tpu.memref_squeeze %gather3A_213 : memref<1x32x1024xf32, #tpu.memory_space<vmem>> -> memref<32x1024xf32, #tpu.memory_space<vmem>>
              %gather3A_215 = tpu.vector_load_idx %gather3A_214[%iota3A, %broadcast_in_dim3A_210] : memref<32x1024xf32, #tpu.memory_space<vmem>>[vector<16xi32>, vector<16xi32>], vector<16xf32>,
              %add3A_216 = arith.constant 16 : i32
              %add3A_217 = vector.broadcast %add3A_216 : i32 to vector<16xi32>
              %add3A_218 = arith.addi %iota3A, %add3A_217 : vector<16xi32>
              %gather3A_219 = arith.constant 0 : i32
              %gather3A_220 = arith.constant 0 : i32
              %gather3A_221 = tpu.memref_slice %arg12[%and3A_105, %gather3A_219, %gather3A_220] : memref<2x32x1024xf32, #tpu.memory_space<vmem>> -> memref<1x32x1024xf32, #tpu.memory_space<vmem>>
              %gather3A_222 = tpu.memref_squeeze %gather3A_221 : memref<1x32x1024xf32, #tpu.memory_space<vmem>> -> memref<32x1024xf32, #tpu.memory_space<vmem>>
              %gather3A_223 = tpu.vector_load_idx %gather3A_222[%add3A_218, %broadcast_in_dim3A_210] : memref<32x1024xf32, #tpu.memory_space<vmem>>[vector<16xi32>, vector<16xi32>], vector<16xf32>,
              %swap3A_224 = arith.constant 0 : i32
              %swap3A_225 = tpu.memref_slice %arg13[%squeeze3A_192, %swap3A_224] : memref<64x32xf32, #tpu.memory_space<vmem>> -> memref<1x32xf32, #tpu.memory_space<vmem>>
              %swap3A_226 = tpu.memref_squeeze %swap3A_225 : memref<1x32xf32, #tpu.memory_space<vmem>> -> memref<32xf32, #tpu.memory_space<vmem>>
              %swap3A_227 = arith.constant 0 : index
              %swap3A_228 = tpu.vector_load %swap3A_226[%swap3A_227] {strides = array<i32>} : memref<32xf32, #tpu.memory_space<vmem>>, vector<16xf32>,
              tpu.vector_store %swap3A_226[%swap3A_227], %gather3A_215 {strides = array<i32>} : memref<32xf32, #tpu.memory_space<vmem>>, vector<16xf32>,
              %swap3A_229 = arith.constant 0 : i32
              %swap3A_230 = tpu.memref_slice %arg13[%squeeze3A_192, %swap3A_229] : memref<64x32xf32, #tpu.memory_space<vmem>> -> memref<1x32xf32, #tpu.memory_space<vmem>>
              %swap3A_231 = tpu.memref_squeeze %swap3A_230 : memref<1x32xf32, #tpu.memory_space<vmem>> -> memref<32xf32, #tpu.memory_space<vmem>>
              %swap3A_232 = arith.constant 16 : index
              %swap3A_233 = tpu.vector_load %swap3A_231[%swap3A_232] {strides = array<i32>} : memref<32xf32, #tpu.memory_space<vmem>>, vector<16xf32>,
              tpu.vector_store %swap3A_231[%swap3A_232], %gather3A_223 {strides = array<i32>} : memref<32xf32, #tpu.memory_space<vmem>>, vector<16xf32>,
              %dma_start3A_234 = arith.constant 0 : i32
              %dma_start3A_235 = tpu.memref_slice %arg13[%squeeze3A_192, %dma_start3A_234] : memref<64x32xf32, #tpu.memory_space<vmem>> -> memref<1x32xf32, #tpu.memory_space<vmem>>
              %dma_start3A_236 = arith.constant 0 : i32
              %dma_start3A_237 = tpu.memref_slice %arg8[%squeeze3A_190, %dma_start3A_236] : memref<16384x32xf32, #tpu.memory_space<hbm>> -> memref<1x32xf32, #tpu.memory_space<hbm>>
              %dma_start3A_238 = arith.constant 0 : i32
              %dma_start3A_239 = tpu.memref_slice %arg8[%squeeze3A_190, %dma_start3A_238] : memref<16384x32xf32, #tpu.memory_space<hbm>> -> memref<1x32xf32, #tpu.memory_space<hbm>>
              %dma_start3A_240 = arith.constant 0 : i32
              %dma_start3A_241 = tpu.memref_slice %arg13[%squeeze3A_192, %dma_start3A_240] : memref<64x32xf32, #tpu.memory_space<vmem>> -> memref<1x32xf32, #tpu.memory_space<vmem>>
              tpu.enqueue_dma source(%dma_start3A_241 : memref<1x32xf32, #tpu.memory_space<vmem>>) target(%dma_start3A_239 : memref<1x32xf32, #tpu.memory_space<hbm>>) target_semaphore(%arg16 : memref<!tpu.dma_semaphore, #tpu.memory_space<semaphore_mem>>)
            } else {
            }
            %eq3A_200 = arith.constant 976 : i32
            %eq3A_201 = arith.cmpi eq, %add3A_104, %eq3A_200 : i32
            %ge3A = arith.constant 512 : i32
            %ge3A_202 = arith.cmpi sge, %squeeze3A_188, %ge3A : i32
            %and3A_203 = arith.andi %eq3A_201, %ge3A_202 : i1
            %convert_element_type3A_204 = arith.extui %and3A_203 : i1 to i32
            %cond3A_205 = arith.constant 0 : i32
            %cond3A_206 = arith.cmpi ne, %convert_element_type3A_204, %cond3A_205 : i32
            scf.if %cond3A_206 {
              %sub3A_210 = arith.constant 512 : i32
              %sub3A_211 = arith.subi %squeeze3A_188, %sub3A_210 : i32
              %dma_start3A_212 = arith.constant 0 : i32
              %dma_start3A_213 = tpu.memref_slice %arg13[%squeeze3A_192, %dma_start3A_212] : memref<64x32xf32, #tpu.memory_space<vmem>> -> memref<1x32xf32, #tpu.memory_space<vmem>>
              %dma_start3A_214 = arith.constant 0 : i32
              %dma_start3A_215 = tpu.memref_slice %arg6[%sub3A_211, %dma_start3A_214] : memref<64x32xf32, #tpu.memory_space<hbm>> -> memref<1x32xf32, #tpu.memory_space<hbm>>
              %dma_start3A_216 = arith.constant 0 : i32
              %dma_start3A_217 = tpu.memref_slice %arg13[%squeeze3A_192, %dma_start3A_216] : memref<64x32xf32, #tpu.memory_space<vmem>> -> memref<1x32xf32, #tpu.memory_space<vmem>>
              %dma_start3A_218 = arith.constant 0 : i32
              %dma_start3A_219 = tpu.memref_slice %arg6[%sub3A_211, %dma_start3A_218] : memref<64x32xf32, #tpu.memory_space<hbm>> -> memref<1x32xf32, #tpu.memory_space<hbm>>
              tpu.enqueue_dma source(%dma_start3A_219 : memref<1x32xf32, #tpu.memory_space<hbm>>) target(%dma_start3A_217 : memref<1x32xf32, #tpu.memory_space<vmem>>) target_semaphore(%arg15 : memref<!tpu.dma_semaphore, #tpu.memory_space<semaphore_mem>>)
              %dma_wait3A = arith.constant 0 : i32
              %dma_wait3A_220 = tpu.memref_slice %arg13[%squeeze3A_192, %dma_wait3A] : memref<64x32xf32, #tpu.memory_space<vmem>> -> memref<1x32xf32, #tpu.memory_space<vmem>>
              %dma_wait3A_221 = arith.constant 0 : i32
              %dma_wait3A_222 = tpu.memref_slice %arg6[%sub3A_211, %dma_wait3A_221] : memref<64x32xf32, #tpu.memory_space<hbm>> -> memref<1x32xf32, #tpu.memory_space<hbm>>
              %dma_wait3A_223 = arith.constant 0 : i32
              %dma_wait3A_224 = tpu.memref_slice %arg13[%squeeze3A_192, %dma_wait3A_223] : memref<64x32xf32, #tpu.memory_space<vmem>> -> memref<1x32xf32, #tpu.memory_space<vmem>>
              %dma_wait3A_225 = arith.constant 0 : i32
              %dma_wait3A_226 = tpu.memref_slice %arg6[%sub3A_211, %dma_wait3A_225] : memref<64x32xf32, #tpu.memory_space<hbm>> -> memref<1x32xf32, #tpu.memory_space<hbm>>
              tpu.wait_dma2 semaphore(%arg15 : memref<!tpu.dma_semaphore, #tpu.memory_space<semaphore_mem>>) src(%dma_wait3A_226 : memref<1x32xf32, #tpu.memory_space<hbm>>) dst(%dma_wait3A_224 : memref<1x32xf32, #tpu.memory_space<vmem>>)
              %dma_start3A_227 = arith.constant 0 : i32
              %dma_start3A_228 = tpu.memref_slice %arg13[%squeeze3A_192, %dma_start3A_227] : memref<64x32xf32, #tpu.memory_space<vmem>> -> memref<1x32xf32, #tpu.memory_space<vmem>>
              %dma_start3A_229 = arith.constant 0 : i32
              %dma_start3A_230 = tpu.memref_slice %arg8[%squeeze3A_190, %dma_start3A_229] : memref<16384x32xf32, #tpu.memory_space<hbm>> -> memref<1x32xf32, #tpu.memory_space<hbm>>
              %dma_start3A_231 = arith.constant 0 : i32
              %dma_start3A_232 = tpu.memref_slice %arg8[%squeeze3A_190, %dma_start3A_231] : memref<16384x32xf32, #tpu.memory_space<hbm>> -> memref<1x32xf32, #tpu.memory_space<hbm>>
              %dma_start3A_233 = arith.constant 0 : i32
              %dma_start3A_234 = tpu.memref_slice %arg13[%squeeze3A_192, %dma_start3A_233] : memref<64x32xf32, #tpu.memory_space<vmem>> -> memref<1x32xf32, #tpu.memory_space<vmem>>
              tpu.enqueue_dma source(%dma_start3A_234 : memref<1x32xf32, #tpu.memory_space<vmem>>) target(%dma_start3A_232 : memref<1x32xf32, #tpu.memory_space<hbm>>) target_semaphore(%arg16 : memref<!tpu.dma_semaphore, #tpu.memory_space<semaphore_mem>>)
            } else {
            }
            %ne3A = vector.broadcast %squeeze3A_183 : i32 to vector<16xi32>
            %ne3A_207 = arith.cmpi ne, %iota3A, %ne3A : vector<16xi32>
            %convert_element_type3A_208 = arith.extui %ne3A_207 : vector<16xi1> to vector<16xi32>
            %and3A_209 = arith.andi %while3A_178, %convert_element_type3A_208 : vector<16xi32>
            scf.yield %and3A_209 : vector<16xi32>
          }
          %while3A_175 = arith.constant 1 : i32
          %while3A_176 = scf.for %while3A_177 = %while3A_172 to %while3A_168 step %while3A_175 iter_args(%while3A_178 = %while3A_174) -> (vector<16xi32>)  : i32 {
            %eq3A_179 = arith.constant 1 : i32
            %eq3A_180 = vector.broadcast %eq3A_179 : i32 to vector<16xi32>
            %eq3A_181 = arith.cmpi eq, %while3A_178, %eq3A_180 : vector<16xi32>
            %all_reduce_ffs3A = tpu.all_reduce %eq3A_181 {dim = 0 : i64, kind = #tpu.reduction_kind<find_first_set>} : vector<16xi1> -> vector<16xi32>
            %slice3A_182 = vector.extract_strided_slice %all_reduce_ffs3A {offsets = [0], sizes = [1], strides = [1]} : vector<16xi32> to vector<1xi32>
            %squeeze3A_183 = vector.extract %slice3A_182[0] : i32 from vector<1xi32>
            %add3A_184 = vector.broadcast %squeeze3A_183 : i32 to vector<16xi32>
            %add3A_185 = arith.addi %add3A_184, %add3A_13 : vector<16xi32>
            %gather3A_186 = tpu.vector_load_idx %arg14[%add3A_185] : memref<48xi32, #tpu.memory_space<vmem>>[vector<16xi32>], vector<16xi32>,
            %slice3A_187 = vector.extract_strided_slice %gather3A_186 {offsets = [0], sizes = [1], strides = [1]} : vector<16xi32> to vector<1xi32>
            %squeeze3A_188 = vector.extract %slice3A_187[0] : i32 from vector<1xi32>
            %slice3A_189 = vector.extract_strided_slice %gather3A_186 {offsets = [1], sizes = [1], strides = [1]} : vector<16xi32> to vector<1xi32>
            %squeeze3A_190 = vector.extract %slice3A_189[0] : i32 from vector<1xi32>
            %slice3A_191 = vector.extract_strided_slice %gather3A_186 {offsets = [2], sizes = [1], strides = [1]} : vector<16xi32> to vector<1xi32>
            %squeeze3A_192 = vector.extract %slice3A_191[0] : i32 from vector<1xi32>
            %lt3A_193 = arith.constant 976 : i32
            %lt3A_194 = arith.cmpi slt, %add3A_104, %lt3A_193 : i32
            %lt3A_195 = arith.constant 512 : i32
            %lt3A_196 = arith.cmpi slt, %squeeze3A_188, %lt3A_195 : i32
            %or3A = arith.ori %lt3A_194, %lt3A_196 : i1
            %convert_element_type3A_197 = arith.extui %or3A : i1 to i32
            %cond3A_198 = arith.constant 0 : i32
            %cond3A_199 = arith.cmpi ne, %convert_element_type3A_197, %cond3A_198 : i32
            scf.if %cond3A_199 {
              %broadcast_in_dim3A_210 = vector.broadcast %squeeze3A_188 : i32 to vector<16xi32>
              %gather3A_211 = arith.constant 0 : i32
              %gather3A_212 = arith.constant 0 : i32
              %gather3A_213 = tpu.memref_slice %arg12[%and3A_105, %gather3A_211, %gather3A_212] : memref<2x32x1024xf32, #tpu.memory_space<vmem>> -> memref<1x32x1024xf32, #tpu.memory_space<vmem>>
              %gather3A_214 = tpu.memref_squeeze %gather3A_213 : memref<1x32x1024xf32, #tpu.memory_space<vmem>> -> memref<32x1024xf32, #tpu.memory_space<vmem>>
              %gather3A_215 = tpu.vector_load_idx %gather3A_214[%iota3A, %broadcast_in_dim3A_210] : memref<32x1024xf32, #tpu.memory_space<vmem>>[vector<16xi32>, vector<16xi32>], vector<16xf32>,
              %add3A_216 = arith.constant 16 : i32
              %add3A_217 = vector.broadcast %add3A_216 : i32 to vector<16xi32>
              %add3A_218 = arith.addi %iota3A, %add3A_217 : vector<16xi32>
              %gather3A_219 = arith.constant 0 : i32
              %gather3A_220 = arith.constant 0 : i32
              %gather3A_221 = tpu.memref_slice %arg12[%and3A_105, %gather3A_219, %gather3A_220] : memref<2x32x1024xf32, #tpu.memory_space<vmem>> -> memref<1x32x1024xf32, #tpu.memory_space<vmem>>
              %gather3A_222 = tpu.memref_squeeze %gather3A_221 : memref<1x32x1024xf32, #tpu.memory_space<vmem>> -> memref<32x1024xf32, #tpu.memory_space<vmem>>
              %gather3A_223 = tpu.vector_load_idx %gather3A_222[%add3A_218, %broadcast_in_dim3A_210] : memref<32x1024xf32, #tpu.memory_space<vmem>>[vector<16xi32>, vector<16xi32>], vector<16xf32>,
              %swap3A_224 = arith.constant 0 : i32
              %swap3A_225 = tpu.memref_slice %arg13[%squeeze3A_192, %swap3A_224] : memref<64x32xf32, #tpu.memory_space<vmem>> -> memref<1x32xf32, #tpu.memory_space<vmem>>
              %swap3A_226 = tpu.memref_squeeze %swap3A_225 : memref<1x32xf32, #tpu.memory_space<vmem>> -> memref<32xf32, #tpu.memory_space<vmem>>
              %swap3A_227 = arith.constant 0 : index
              %swap3A_228 = tpu.vector_load %swap3A_226[%swap3A_227] {strides = array<i32>} : memref<32xf32, #tpu.memory_space<vmem>>, vector<16xf32>,
              tpu.vector_store %swap3A_226[%swap3A_227], %gather3A_215 {strides = array<i32>} : memref<32xf32, #tpu.memory_space<vmem>>, vector<16xf32>,
              %swap3A_229 = arith.constant 0 : i32
              %swap3A_230 = tpu.memref_slice %arg13[%squeeze3A_192, %swap3A_229] : memref<64x32xf32, #tpu.memory_space<vmem>> -> memref<1x32xf32, #tpu.memory_space<vmem>>
              %swap3A_231 = tpu.memref_squeeze %swap3A_230 : memref<1x32xf32, #tpu.memory_space<vmem>> -> memref<32xf32, #tpu.memory_space<vmem>>
              %swap3A_232 = arith.constant 16 : index
              %swap3A_233 = tpu.vector_load %swap3A_231[%swap3A_232] {strides = array<i32>} : memref<32xf32, #tpu.memory_space<vmem>>, vector<16xf32>,
              tpu.vector_store %swap3A_231[%swap3A_232], %gather3A_223 {strides = array<i32>} : memref<32xf32, #tpu.memory_space<vmem>>, vector<16xf32>,
              %dma_start3A_234 = arith.constant 0 : i32
              %dma_start3A_235 = tpu.memref_slice %arg13[%squeeze3A_192, %dma_start3A_234] : memref<64x32xf32, #tpu.memory_space<vmem>> -> memref<1x32xf32, #tpu.memory_space<vmem>>
              %dma_start3A_236 = arith.constant 0 : i32
              %dma_start3A_237 = tpu.memref_slice %arg8[%squeeze3A_190, %dma_start3A_236] : memref<16384x32xf32, #tpu.memory_space<hbm>> -> memref<1x32xf32, #tpu.memory_space<hbm>>
              %dma_start3A_238 = arith.constant 0 : i32
              %dma_start3A_239 = tpu.memref_slice %arg8[%squeeze3A_190, %dma_start3A_238] : memref<16384x32xf32, #tpu.memory_space<hbm>> -> memref<1x32xf32, #tpu.memory_space<hbm>>
              %dma_start3A_240 = arith.constant 0 : i32
              %dma_start3A_241 = tpu.memref_slice %arg13[%squeeze3A_192, %dma_start3A_240] : memref<64x32xf32, #tpu.memory_space<vmem>> -> memref<1x32xf32, #tpu.memory_space<vmem>>
              tpu.enqueue_dma source(%dma_start3A_241 : memref<1x32xf32, #tpu.memory_space<vmem>>) target(%dma_start3A_239 : memref<1x32xf32, #tpu.memory_space<hbm>>) target_semaphore(%arg16 : memref<!tpu.dma_semaphore, #tpu.memory_space<semaphore_mem>>)
            } else {
            }
            %eq3A_200 = arith.constant 976 : i32
            %eq3A_201 = arith.cmpi eq, %add3A_104, %eq3A_200 : i32
            %ge3A = arith.constant 512 : i32
            %ge3A_202 = arith.cmpi sge, %squeeze3A_188, %ge3A : i32
            %and3A_203 = arith.andi %eq3A_201, %ge3A_202 : i1
            %convert_element_type3A_204 = arith.extui %and3A_203 : i1 to i32
            %cond3A_205 = arith.constant 0 : i32
            %cond3A_206 = arith.cmpi ne, %convert_element_type3A_204, %cond3A_205 : i32
            scf.if %cond3A_206 {
              %sub3A_210 = arith.constant 512 : i32
              %sub3A_211 = arith.subi %squeeze3A_188, %sub3A_210 : i32
              %dma_start3A_212 = arith.constant 0 : i32
              %dma_start3A_213 = tpu.memref_slice %arg13[%squeeze3A_192, %dma_start3A_212] : memref<64x32xf32, #tpu.memory_space<vmem>> -> memref<1x32xf32, #tpu.memory_space<vmem>>
              %dma_start3A_214 = arith.constant 0 : i32
              %dma_start3A_215 = tpu.memref_slice %arg6[%sub3A_211, %dma_start3A_214] : memref<64x32xf32, #tpu.memory_space<hbm>> -> memref<1x32xf32, #tpu.memory_space<hbm>>
              %dma_start3A_216 = arith.constant 0 : i32
              %dma_start3A_217 = tpu.memref_slice %arg13[%squeeze3A_192, %dma_start3A_216] : memref<64x32xf32, #tpu.memory_space<vmem>> -> memref<1x32xf32, #tpu.memory_space<vmem>>
              %dma_start3A_218 = arith.constant 0 : i32
              %dma_start3A_219 = tpu.memref_slice %arg6[%sub3A_211, %dma_start3A_218] : memref<64x32xf32, #tpu.memory_space<hbm>> -> memref<1x32xf32, #tpu.memory_space<hbm>>
              tpu.enqueue_dma source(%dma_start3A_219 : memref<1x32xf32, #tpu.memory_space<hbm>>) target(%dma_start3A_217 : memref<1x32xf32, #tpu.memory_space<vmem>>) target_semaphore(%arg15 : memref<!tpu.dma_semaphore, #tpu.memory_space<semaphore_mem>>)
              %dma_wait3A = arith.constant 0 : i32
              %dma_wait3A_220 = tpu.memref_slice %arg13[%squeeze3A_192, %dma_wait3A] : memref<64x32xf32, #tpu.memory_space<vmem>> -> memref<1x32xf32, #tpu.memory_space<vmem>>
              %dma_wait3A_221 = arith.constant 0 : i32
              %dma_wait3A_222 = tpu.memref_slice %arg6[%sub3A_211, %dma_wait3A_221] : memref<64x32xf32, #tpu.memory_space<hbm>> -> memref<1x32xf32, #tpu.memory_space<hbm>>
              %dma_wait3A_223 = arith.constant 0 : i32
              %dma_wait3A_224 = tpu.memref_slice %arg13[%squeeze3A_192, %dma_wait3A_223] : memref<64x32xf32, #tpu.memory_space<vmem>> -> memref<1x32xf32, #tpu.memory_space<vmem>>
              %dma_wait3A_225 = arith.constant 0 : i32
              %dma_wait3A_226 = tpu.memref_slice %arg6[%sub3A_211, %dma_wait3A_225] : memref<64x32xf32, #tpu.memory_space<hbm>> -> memref<1x32xf32, #tpu.memory_space<hbm>>
              tpu.wait_dma2 semaphore(%arg15 : memref<!tpu.dma_semaphore, #tpu.memory_space<semaphore_mem>>) src(%dma_wait3A_226 : memref<1x32xf32, #tpu.memory_space<hbm>>) dst(%dma_wait3A_224 : memref<1x32xf32, #tpu.memory_space<vmem>>)
              %dma_start3A_227 = arith.constant 0 : i32
              %dma_start3A_228 = tpu.memref_slice %arg13[%squeeze3A_192, %dma_start3A_227] : memref<64x32xf32, #tpu.memory_space<vmem>> -> memref<1x32xf32, #tpu.memory_space<vmem>>
              %dma_start3A_229 = arith.constant 0 : i32
              %dma_start3A_230 = tpu.memref_slice %arg8[%squeeze3A_190, %dma_start3A_229] : memref<16384x32xf32, #tpu.memory_space<hbm>> -> memref<1x32xf32, #tpu.memory_space<hbm>>
              %dma_start3A_231 = arith.constant 0 : i32
              %dma_start3A_232 = tpu.memref_slice %arg8[%squeeze3A_190, %dma_start3A_231] : memref<16384x32xf32, #tpu.memory_space<hbm>> -> memref<1x32xf32, #tpu.memory_space<hbm>>
              %dma_start3A_233 = arith.constant 0 : i32
              %dma_start3A_234 = tpu.memref_slice %arg13[%squeeze3A_192, %dma_start3A_233] : memref<64x32xf32, #tpu.memory_space<vmem>> -> memref<1x32xf32, #tpu.memory_space<vmem>>
              tpu.enqueue_dma source(%dma_start3A_234 : memref<1x32xf32, #tpu.memory_space<vmem>>) target(%dma_start3A_232 : memref<1x32xf32, #tpu.memory_space<hbm>>) target_semaphore(%arg16 : memref<!tpu.dma_semaphore, #tpu.memory_space<semaphore_mem>>)
            } else {
            }
            %ne3A = vector.broadcast %squeeze3A_183 : i32 to vector<16xi32>
            %ne3A_207 = arith.cmpi ne, %iota3A, %ne3A : vector<16xi32>
            %convert_element_type3A_208 = arith.extui %ne3A_207 : vector<16xi1> to vector<16xi32>
            %and3A_209 = arith.andi %while3A_178, %convert_element_type3A_208 : vector<16xi32>
            scf.yield %and3A_209 : vector<16xi32>
          }
        } else {
        }
        %add3A_152 = arith.addi %select_n3A_146, %squeeze3A : i32
        scf.yield %add3A_152 : i32
      }
      scf.yield %while3A_121 : i32
    }
    %scan3A_43 = arith.constant 31 : i32
    %while3A = arith.constant 0 : i32
    %while3A_44 = arith.constant 0 : i32
    %while3A_45 = arith.subi %scan3A_42, %while3A : i32
    %while3A_46 = arith.addi %while3A, %while3A_45 : i32
    %while3A_47 = arith.constant 1 : i32
    %while3A_48 = arith.divsi %while3A_45, %while3A_47 : i32
    %while3A_49 = arith.muli %while3A_48, %while3A_47 : i32
    %while3A_50 = arith.addi %while3A, %while3A_49 : i32
    %while3A_51 = arith.constant 1 : i32
    %while3A_52 = scf.for %while3A_100 = %while3A to %while3A_50 step %while3A_51 iter_args(%while3A_101 = %while3A_44) -> (i32)  : i32 {
      %dma_wait3A = arith.constant 0 : i32
      %dma_wait3A_102 = arith.constant 0 : i32
      %dma_wait3A_103 = tpu.memref_slice %arg13[%dma_wait3A, %dma_wait3A_102] : memref<64x32xf32, #tpu.memory_space<vmem>> -> memref<1x32xf32, #tpu.memory_space<vmem>>
      %dma_wait3A_104 = arith.constant 0 : i32
      %dma_wait3A_105 = arith.constant 0 : i32
      %dma_wait3A_106 = tpu.memref_slice %arg8[%dma_wait3A_104, %dma_wait3A_105] : memref<16384x32xf32, #tpu.memory_space<hbm>> -> memref<1x32xf32, #tpu.memory_space<hbm>>
      %dma_wait3A_107 = arith.constant 0 : i32
      %dma_wait3A_108 = arith.constant 0 : i32
      %dma_wait3A_109 = tpu.memref_slice %arg8[%dma_wait3A_107, %dma_wait3A_108] : memref<16384x32xf32, #tpu.memory_space<hbm>> -> memref<1x32xf32, #tpu.memory_space<hbm>>
      %dma_wait3A_110 = arith.constant 0 : i32
      %dma_wait3A_111 = arith.constant 0 : i32
      %dma_wait3A_112 = tpu.memref_slice %arg13[%dma_wait3A_110, %dma_wait3A_111] : memref<64x32xf32, #tpu.memory_space<vmem>> -> memref<1x32xf32, #tpu.memory_space<vmem>>
      tpu.wait_dma2 semaphore(%arg16 : memref<!tpu.dma_semaphore, #tpu.memory_space<semaphore_mem>>) src(%dma_wait3A_112 : memref<1x32xf32, #tpu.memory_space<vmem>>) dst(%dma_wait3A_109 : memref<1x32xf32, #tpu.memory_space<hbm>>)
      %while3A_113 = arith.constant 0 : i32
      scf.yield %while3A_113 : i32
    }
    %while3A_53 = arith.constant 1 : i32
    %while3A_54 = scf.for %while3A_100 = %while3A_50 to %while3A_46 step %while3A_53 iter_args(%while3A_101 = %while3A_52) -> (i32)  : i32 {
      %dma_wait3A = arith.constant 0 : i32
      %dma_wait3A_102 = arith.constant 0 : i32
      %dma_wait3A_103 = tpu.memref_slice %arg13[%dma_wait3A, %dma_wait3A_102] : memref<64x32xf32, #tpu.memory_space<vmem>> -> memref<1x32xf32, #tpu.memory_space<vmem>>
      %dma_wait3A_104 = arith.constant 0 : i32
      %dma_wait3A_105 = arith.constant 0 : i32
      %dma_wait3A_106 = tpu.memref_slice %arg8[%dma_wait3A_104, %dma_wait3A_105] : memref<16384x32xf32, #tpu.memory_space<hbm>> -> memref<1x32xf32, #tpu.memory_space<hbm>>
      %dma_wait3A_107 = arith.constant 0 : i32
      %dma_wait3A_108 = arith.constant 0 : i32
      %dma_wait3A_109 = tpu.memref_slice %arg8[%dma_wait3A_107, %dma_wait3A_108] : memref<16384x32xf32, #tpu.memory_space<hbm>> -> memref<1x32xf32, #tpu.memory_space<hbm>>
      %dma_wait3A_110 = arith.constant 0 : i32
      %dma_wait3A_111 = arith.constant 0 : i32
      %dma_wait3A_112 = tpu.memref_slice %arg13[%dma_wait3A_110, %dma_wait3A_111] : memref<64x32xf32, #tpu.memory_space<vmem>> -> memref<1x32xf32, #tpu.memory_space<vmem>>
      tpu.wait_dma2 semaphore(%arg16 : memref<!tpu.dma_semaphore, #tpu.memory_space<semaphore_mem>>) src(%dma_wait3A_112 : memref<1x32xf32, #tpu.memory_space<vmem>>) dst(%dma_wait3A_109 : memref<1x32xf32, #tpu.memory_space<hbm>>)
      %while3A_113 = arith.constant 0 : i32
      scf.yield %while3A_113 : i32
    }
    "tpu.region"() ({
      %run_scoped3A = tpu.sem_alloc : memref<!tpu.dma_semaphore, #tpu.memory_space<semaphore_mem>>
      tpu.enqueue_dma source(%arg3 : memref<16384xi32, #tpu.memory_space<hbm>>) target(%arg10 : memref<16384xi32, #tpu.memory_space<vmem>>) target_semaphore(%run_scoped3A : memref<!tpu.dma_semaphore, #tpu.memory_space<semaphore_mem>>)
      tpu.wait_dma2 semaphore(%run_scoped3A : memref<!tpu.dma_semaphore, #tpu.memory_space<semaphore_mem>>) src(%arg3 : memref<16384xi32, #tpu.memory_space<hbm>>) dst(%arg10 : memref<16384xi32, #tpu.memory_space<vmem>>)
      tpu.yield
    }) : () -> ()
    %mul3A_55 = arith.constant 1024 : i32
    %mul3A_56 = arith.muli %add3A, %mul3A_55 : i32
    %dma_start3A_57 = arith.constant 0 : i32
    %dma_start3A_58 = arith.constant 0 : i32
    %dma_start3A_59 = arith.constant 0 : i32
    %dma_start3A_60 = tpu.memref_slice %arg12[%dma_start3A_57, %dma_start3A_58, %dma_start3A_59] : memref<2x32x1024xf32, #tpu.memory_space<vmem>> -> memref<1x32x1024xf32, #tpu.memory_space<vmem>>
    %dma_start3A_61 = tpu.memref_squeeze %dma_start3A_60 : memref<1x32x1024xf32, #tpu.memory_space<vmem>> -> memref<32x1024xf32, #tpu.memory_space<vmem>>
    %dma_start3A_62 = arith.constant 0 : i32
    %dma_start3A_63 = tpu.memref_slice %arg5[%dma_start3A_62, %mul3A_56] : memref<32x1000000xf32, #tpu.memory_space<hbm>> -> memref<32x1024xf32, #tpu.memory_space<hbm>>
    %dma_start3A_64 = arith.constant 0 : i32
    %dma_start3A_65 = arith.constant 0 : i32
    %dma_start3A_66 = tpu.memref_slice %arg12[%dma_start3A_57, %dma_start3A_64, %dma_start3A_65] : memref<2x32x1024xf32, #tpu.memory_space<vmem>> -> memref<1x32x1024xf32, #tpu.memory_space<vmem>>
    %dma_start3A_67 = tpu.memref_squeeze %dma_start3A_66 : memref<1x32x1024xf32, #tpu.memory_space<vmem>> -> memref<32x1024xf32, #tpu.memory_space<vmem>>
    %dma_start3A_68 = arith.constant 0 : i32
    %dma_start3A_69 = tpu.memref_slice %arg5[%dma_start3A_68, %mul3A_56] : memref<32x1000000xf32, #tpu.memory_space<hbm>> -> memref<32x1024xf32, #tpu.memory_space<hbm>>
    tpu.enqueue_dma source(%dma_start3A_69 : memref<32x1024xf32, #tpu.memory_space<hbm>>) target(%dma_start3A_67 : memref<32x1024xf32, #tpu.memory_space<vmem>>) target_semaphore(%arg15 : memref<!tpu.dma_semaphore, #tpu.memory_space<semaphore_mem>>)
    %scan3A_70 = arith.constant 0 : i32
    %scan3A_71 = arith.constant 0 : i32
    %scan3A_72 = arith.constant 512 : i32
    %scan3A_73 = arith.addi %scan3A_71, %scan3A_72 : i32
    %scan3A_74 = arith.constant 1 : i32
    %scan3A_75 = scf.for %scan3A_100 = %scan3A_71 to %scan3A_73 step %scan3A_74 iter_args(%scan3A_101 = %scan3A_70) -> (i32)  : i32 {
      %mul3A_102 = arith.constant 2 : i32
      %mul3A_103 = arith.muli %scan3A_100, %mul3A_102 : i32
      %mul3A_104 = arith.constant 16 : i32
      %mul3A_105 = arith.muli %mul3A_103, %mul3A_104 : i32
      %multiple_of3A = tpu.assume_multiple %mul3A_105, 16 : i32
      %get3A = arith.index_cast %multiple_of3A : i32 to index
      %get3A_106 = tpu.vector_load %arg10[%get3A] {strides = array<i32>} : memref<16384xi32, #tpu.memory_space<vmem>>, vector<16xi32>,
      %shift_right_logical3A = arith.constant 10 : i32
      %shift_right_logical3A_107 = vector.broadcast %shift_right_logical3A : i32 to vector<16xi32>
      %shift_right_logical3A_108 = arith.shrui %get3A_106, %shift_right_logical3A_107 : vector<16xi32>
      %and3A = arith.constant 31 : i32
      %and3A_109 = vector.broadcast %and3A : i32 to vector<16xi32>
      %and3A_110 = arith.andi %shift_right_logical3A_108, %and3A_109 : vector<16xi32>
      %eq3A_111 = vector.broadcast %add3A : i32 to vector<16xi32>
      %eq3A_112 = arith.cmpi eq, %and3A_110, %eq3A_111 : vector<16xi32>
      %add3A_113 = vector.broadcast %multiple_of3A : i32 to vector<16xi32>
      %add3A_114 = arith.addi %add3A_113, %iota3A : vector<16xi32>
      %convert_element_type3A_115 = arith.extui %eq3A_112 : vector<16xi1> to vector<16xi32>
      %broadcast_in_dim3A = arith.constant true
      %broadcast_in_dim3A_116 = vector.broadcast %broadcast_in_dim3A : i1 to vector<16xi1>
      %masked_cumsum3A = tpu.scan <sum>, %convert_element_type3A_115 masked %broadcast_in_dim3A_116 : vector<16xi32>, vector<16xi1> -> vector<16xi32>
      %add3A_117 = vector.broadcast %scan3A_101 : i32 to vector<16xi32>
      %add3A_118 = arith.addi %add3A_117, %masked_cumsum3A : vector<16xi32>
      %sub3A = arith.constant 1 : i32
      %sub3A_119 = vector.broadcast %sub3A : i32 to vector<16xi32>
      %sub3A_120 = arith.subi %add3A_118, %sub3A_119 : vector<16xi32>
      %jit3A = arith.constant 16399 : i32
      %broadcast_in_dim3A_121 = vector.broadcast %jit3A : i32 to vector<16xi32>
      %select_n3A = arith.select %eq3A_112, %sub3A_120, %broadcast_in_dim3A_121 : vector<16xi1>, vector<16xi32>
      tpu.vector_store_idx %arg11[%select_n3A], %add3A_114 : memref<16448xi32, #tpu.memory_space<vmem>>[vector<16xi32>], vector<16xi32>,
      %slice3A = vector.extract_strided_slice %masked_cumsum3A {offsets = [15], sizes = [1], strides = [1]} : vector<16xi32> to vector<1xi32>
      %squeeze3A = vector.extract %slice3A[0] : i32 from vector<1xi32>
      %add3A_122 = arith.addi %scan3A_101, %squeeze3A : i32
      %mul3A_123 = arith.constant 2 : i32
      %mul3A_124 = arith.muli %scan3A_100, %mul3A_123 : i32
      %add3A_125 = arith.constant 1 : i32
      %add3A_126 = arith.addi %mul3A_124, %add3A_125 : i32
      %mul3A_127 = arith.constant 16 : i32
      %mul3A_128 = arith.muli %add3A_126, %mul3A_127 : i32
      %multiple_of3A_129 = tpu.assume_multiple %mul3A_128, 16 : i32
      %get3A_130 = arith.index_cast %multiple_of3A_129 : i32 to index
      %get3A_131 = tpu.vector_load %arg10[%get3A_130] {strides = array<i32>} : memref<16384xi32, #tpu.memory_space<vmem>>, vector<16xi32>,
      %shift_right_logical3A_132 = arith.constant 10 : i32
      %shift_right_logical3A_133 = vector.broadcast %shift_right_logical3A_132 : i32 to vector<16xi32>
      %shift_right_logical3A_134 = arith.shrui %get3A_131, %shift_right_logical3A_133 : vector<16xi32>
      %and3A_135 = arith.constant 31 : i32
      %and3A_136 = vector.broadcast %and3A_135 : i32 to vector<16xi32>
      %and3A_137 = arith.andi %shift_right_logical3A_134, %and3A_136 : vector<16xi32>
      %eq3A_138 = vector.broadcast %add3A : i32 to vector<16xi32>
      %eq3A_139 = arith.cmpi eq, %and3A_137, %eq3A_138 : vector<16xi32>
      %add3A_140 = vector.broadcast %multiple_of3A_129 : i32 to vector<16xi32>
      %add3A_141 = arith.addi %add3A_140, %iota3A : vector<16xi32>
      %convert_element_type3A_142 = arith.extui %eq3A_139 : vector<16xi1> to vector<16xi32>
      %broadcast_in_dim3A_143 = arith.constant true
      %broadcast_in_dim3A_144 = vector.broadcast %broadcast_in_dim3A_143 : i1 to vector<16xi1>
      %masked_cumsum3A_145 = tpu.scan <sum>, %convert_element_type3A_142 masked %broadcast_in_dim3A_144 : vector<16xi32>, vector<16xi1> -> vector<16xi32>
      %add3A_146 = vector.broadcast %add3A_122 : i32 to vector<16xi32>
      %add3A_147 = arith.addi %add3A_146, %masked_cumsum3A_145 : vector<16xi32>
      %sub3A_148 = arith.constant 1 : i32
      %sub3A_149 = vector.broadcast %sub3A_148 : i32 to vector<16xi32>
      %sub3A_150 = arith.subi %add3A_147, %sub3A_149 : vector<16xi32>
      %jit3A_151 = arith.constant 16399 : i32
      %broadcast_in_dim3A_152 = vector.broadcast %jit3A_151 : i32 to vector<16xi32>
      %select_n3A_153 = arith.select %eq3A_139, %sub3A_150, %broadcast_in_dim3A_152 : vector<16xi1>, vector<16xi32>
      tpu.vector_store_idx %arg11[%select_n3A_153], %add3A_141 : memref<16448xi32, #tpu.memory_space<vmem>>[vector<16xi32>], vector<16xi32>,
      %slice3A_154 = vector.extract_strided_slice %masked_cumsum3A_145 {offsets = [15], sizes = [1], strides = [1]} : vector<16xi32> to vector<1xi32>
      %squeeze3A_155 = vector.extract %slice3A_154[0] : i32 from vector<1xi32>
      %add3A_156 = arith.addi %add3A_122, %squeeze3A_155 : i32
      scf.yield %add3A_156 : i32
    }
    %scan3A_76 = arith.constant 512 : i32
    %add3A_77 = arith.constant 15 : i32
    %add3A_78 = arith.addi %scan3A_75, %add3A_77 : i32
    %div3A_79 = arith.constant 16 : i32
    %div3A_80 = arith.divsi %add3A_78, %div3A_79 : i32
    %scan3A_81 = arith.constant 0 : i32
    %scan3A_82 = arith.constant 0 : i32
    %scan3A_83 = arith.constant 31 : i32
    %scan3A_84 = arith.addi %scan3A_82, %scan3A_83 : i32
    %scan3A_85 = arith.constant 1 : i32
    %scan3A_86 = scf.for %scan3A_100 = %scan3A_82 to %scan3A_84 step %scan3A_85 iter_args(%scan3A_101 = %scan3A_81) -> (i32)  : i32 {
      %mul3A_102 = arith.constant 32 : i32
      %mul3A_103 = arith.muli %scan3A_100, %mul3A_102 : i32
      %add3A_104 = arith.addi %add3A, %mul3A_103 : i32
      %and3A = arith.constant 1 : i32
      %and3A_105 = arith.andi %scan3A_100, %and3A : i32
      %le3A = arith.constant 976 : i32
      %le3A_106 = arith.cmpi sle, %add3A_104, %le3A : i32
      %convert_element_type3A_107 = arith.extui %le3A_106 : i1 to i32
      %cond3A = arith.constant 0 : i32
      %cond3A_108 = arith.cmpi ne, %convert_element_type3A_107, %cond3A : i32
      scf.if %cond3A_108 {
        %lt3A = arith.constant 976 : i32
        %lt3A_122 = arith.cmpi slt, %add3A_104, %lt3A : i32
        %convert_element_type3A_123 = arith.extui %lt3A_122 : i1 to i32
        %cond3A_124 = arith.constant 0 : i32
        %cond3A_125 = arith.cmpi ne, %convert_element_type3A_123, %cond3A_124 : i32
        scf.if %cond3A_125 {
          %dma_wait3A = arith.constant 0 : i32
          %dma_wait3A_138 = arith.constant 0 : i32
          %dma_wait3A_139 = tpu.memref_slice %arg12[%and3A_105, %dma_wait3A, %dma_wait3A_138] : memref<2x32x1024xf32, #tpu.memory_space<vmem>> -> memref<1x32x1024xf32, #tpu.memory_space<vmem>>
          %dma_wait3A_140 = tpu.memref_squeeze %dma_wait3A_139 : memref<1x32x1024xf32, #tpu.memory_space<vmem>> -> memref<32x1024xf32, #tpu.memory_space<vmem>>
          %dma_wait3A_141 = arith.constant 0 : i32
          %dma_wait3A_142 = arith.constant 0 : i32
          %dma_wait3A_143 = tpu.memref_slice %arg5[%dma_wait3A_141, %dma_wait3A_142] : memref<32x1000000xf32, #tpu.memory_space<hbm>> -> memref<32x1024xf32, #tpu.memory_space<hbm>>
          %dma_wait3A_144 = arith.constant 0 : i32
          %dma_wait3A_145 = arith.constant 0 : i32
          %dma_wait3A_146 = tpu.memref_slice %arg12[%and3A_105, %dma_wait3A_144, %dma_wait3A_145] : memref<2x32x1024xf32, #tpu.memory_space<vmem>> -> memref<1x32x1024xf32, #tpu.memory_space<vmem>>
          %dma_wait3A_147 = tpu.memref_squeeze %dma_wait3A_146 : memref<1x32x1024xf32, #tpu.memory_space<vmem>> -> memref<32x1024xf32, #tpu.memory_space<vmem>>
          %dma_wait3A_148 = arith.constant 0 : i32
          %dma_wait3A_149 = arith.constant 0 : i32
          %dma_wait3A_150 = tpu.memref_slice %arg5[%dma_wait3A_148, %dma_wait3A_149] : memref<32x1000000xf32, #tpu.memory_space<hbm>> -> memref<32x1024xf32, #tpu.memory_space<hbm>>
          tpu.wait_dma2 semaphore(%arg15 : memref<!tpu.dma_semaphore, #tpu.memory_space<semaphore_mem>>) src(%dma_wait3A_150 : memref<32x1024xf32, #tpu.memory_space<hbm>>) dst(%dma_wait3A_147 : memref<32x1024xf32, #tpu.memory_space<vmem>>)
        } else {
        }
        %eq3A_126 = arith.constant 976 : i32
        %eq3A_127 = arith.cmpi eq, %add3A_104, %eq3A_126 : i32
        %convert_element_type3A_128 = arith.extui %eq3A_127 : i1 to i32
        %cond3A_129 = arith.constant 0 : i32
        %cond3A_130 = arith.cmpi ne, %convert_element_type3A_128, %cond3A_129 : i32
        scf.if %cond3A_130 {
          %dma_wait3A = arith.constant 0 : i32
          %dma_wait3A_138 = arith.constant 0 : i32
          %dma_wait3A_139 = tpu.memref_slice %arg12[%and3A_105, %dma_wait3A, %dma_wait3A_138] : memref<2x32x1024xf32, #tpu.memory_space<vmem>> -> memref<1x32x1024xf32, #tpu.memory_space<vmem>>
          %dma_wait3A_140 = tpu.memref_squeeze %dma_wait3A_139 : memref<1x32x1024xf32, #tpu.memory_space<vmem>> -> memref<32x1024xf32, #tpu.memory_space<vmem>>
          %dma_wait3A_141 = arith.constant 0 : i32
          %dma_wait3A_142 = arith.constant 0 : i32
          %dma_wait3A_143 = tpu.memref_slice %dma_wait3A_140[%dma_wait3A_141, %dma_wait3A_142] : memref<32x1024xf32, #tpu.memory_space<vmem>> -> memref<32x512xf32, #tpu.memory_space<vmem>>
          %dma_wait3A_144 = arith.constant 0 : i32
          %dma_wait3A_145 = arith.constant 0 : i32
          %dma_wait3A_146 = tpu.memref_slice %arg5[%dma_wait3A_144, %dma_wait3A_145] : memref<32x1000000xf32, #tpu.memory_space<hbm>> -> memref<32x512xf32, #tpu.memory_space<hbm>>
          %dma_wait3A_147 = arith.constant 0 : i32
          %dma_wait3A_148 = arith.constant 0 : i32
          %dma_wait3A_149 = tpu.memref_slice %arg12[%and3A_105, %dma_wait3A_147, %dma_wait3A_148] : memref<2x32x1024xf32, #tpu.memory_space<vmem>> -> memref<1x32x1024xf32, #tpu.memory_space<vmem>>
          %dma_wait3A_150 = tpu.memref_squeeze %dma_wait3A_149 : memref<1x32x1024xf32, #tpu.memory_space<vmem>> -> memref<32x1024xf32, #tpu.memory_space<vmem>>
          %dma_wait3A_151 = arith.constant 0 : i32
          %dma_wait3A_152 = arith.constant 0 : i32
          %dma_wait3A_153 = tpu.memref_slice %dma_wait3A_150[%dma_wait3A_151, %dma_wait3A_152] : memref<32x1024xf32, #tpu.memory_space<vmem>> -> memref<32x512xf32, #tpu.memory_space<vmem>>
          %dma_wait3A_154 = arith.constant 0 : i32
          %dma_wait3A_155 = arith.constant 0 : i32
          %dma_wait3A_156 = tpu.memref_slice %arg5[%dma_wait3A_154, %dma_wait3A_155] : memref<32x1000000xf32, #tpu.memory_space<hbm>> -> memref<32x512xf32, #tpu.memory_space<hbm>>
          tpu.wait_dma2 semaphore(%arg15 : memref<!tpu.dma_semaphore, #tpu.memory_space<semaphore_mem>>) src(%dma_wait3A_156 : memref<32x512xf32, #tpu.memory_space<hbm>>) dst(%dma_wait3A_153 : memref<32x512xf32, #tpu.memory_space<vmem>>)
        } else {
        }
        %add3A_131 = arith.constant 32 : i32
        %add3A_132 = arith.addi %add3A_104, %add3A_131 : i32
        %le3A_133 = arith.constant 976 : i32
        %le3A_134 = arith.cmpi sle, %add3A_132, %le3A_133 : i32
        %convert_element_type3A_135 = arith.extui %le3A_134 : i1 to i32
        %cond3A_136 = arith.constant 0 : i32
        %cond3A_137 = arith.cmpi ne, %convert_element_type3A_135, %cond3A_136 : i32
        scf.if %cond3A_137 {
          %sub3A = arith.constant 1 : i32
          %sub3A_138 = arith.subi %sub3A, %and3A_105 : i32
          %lt3A_139 = arith.constant 976 : i32
          %lt3A_140 = arith.cmpi slt, %add3A_132, %lt3A_139 : i32
          %convert_element_type3A_141 = arith.extui %lt3A_140 : i1 to i32
          %cond3A_142 = arith.constant 0 : i32
          %cond3A_143 = arith.cmpi ne, %convert_element_type3A_141, %cond3A_142 : i32
          scf.if %cond3A_143 {
            %mul3A_149 = arith.constant 1024 : i32
            %mul3A_150 = arith.muli %add3A_132, %mul3A_149 : i32
            %dma_start3A_151 = arith.constant 0 : i32
            %dma_start3A_152 = arith.constant 0 : i32
            %dma_start3A_153 = tpu.memref_slice %arg12[%sub3A_138, %dma_start3A_151, %dma_start3A_152] : memref<2x32x1024xf32, #tpu.memory_space<vmem>> -> memref<1x32x1024xf32, #tpu.memory_space<vmem>>
            %dma_start3A_154 = tpu.memref_squeeze %dma_start3A_153 : memref<1x32x1024xf32, #tpu.memory_space<vmem>> -> memref<32x1024xf32, #tpu.memory_space<vmem>>
            %dma_start3A_155 = arith.constant 0 : i32
            %dma_start3A_156 = tpu.memref_slice %arg5[%dma_start3A_155, %mul3A_150] : memref<32x1000000xf32, #tpu.memory_space<hbm>> -> memref<32x1024xf32, #tpu.memory_space<hbm>>
            %dma_start3A_157 = arith.constant 0 : i32
            %dma_start3A_158 = arith.constant 0 : i32
            %dma_start3A_159 = tpu.memref_slice %arg12[%sub3A_138, %dma_start3A_157, %dma_start3A_158] : memref<2x32x1024xf32, #tpu.memory_space<vmem>> -> memref<1x32x1024xf32, #tpu.memory_space<vmem>>
            %dma_start3A_160 = tpu.memref_squeeze %dma_start3A_159 : memref<1x32x1024xf32, #tpu.memory_space<vmem>> -> memref<32x1024xf32, #tpu.memory_space<vmem>>
            %dma_start3A_161 = arith.constant 0 : i32
            %dma_start3A_162 = tpu.memref_slice %arg5[%dma_start3A_161, %mul3A_150] : memref<32x1000000xf32, #tpu.memory_space<hbm>> -> memref<32x1024xf32, #tpu.memory_space<hbm>>
            tpu.enqueue_dma source(%dma_start3A_162 : memref<32x1024xf32, #tpu.memory_space<hbm>>) target(%dma_start3A_160 : memref<32x1024xf32, #tpu.memory_space<vmem>>) target_semaphore(%arg15 : memref<!tpu.dma_semaphore, #tpu.memory_space<semaphore_mem>>)
          } else {
          }
          %eq3A_144 = arith.constant 976 : i32
          %eq3A_145 = arith.cmpi eq, %add3A_132, %eq3A_144 : i32
          %convert_element_type3A_146 = arith.extui %eq3A_145 : i1 to i32
          %cond3A_147 = arith.constant 0 : i32
          %cond3A_148 = arith.cmpi ne, %convert_element_type3A_146, %cond3A_147 : i32
          scf.if %cond3A_148 {
            %dma_start3A_149 = arith.constant 0 : i32
            %dma_start3A_150 = arith.constant 0 : i32
            %dma_start3A_151 = tpu.memref_slice %arg12[%sub3A_138, %dma_start3A_149, %dma_start3A_150] : memref<2x32x1024xf32, #tpu.memory_space<vmem>> -> memref<1x32x1024xf32, #tpu.memory_space<vmem>>
            %dma_start3A_152 = tpu.memref_squeeze %dma_start3A_151 : memref<1x32x1024xf32, #tpu.memory_space<vmem>> -> memref<32x1024xf32, #tpu.memory_space<vmem>>
            %dma_start3A_153 = arith.constant 0 : i32
            %dma_start3A_154 = arith.constant 0 : i32
            %dma_start3A_155 = tpu.memref_slice %dma_start3A_152[%dma_start3A_153, %dma_start3A_154] : memref<32x1024xf32, #tpu.memory_space<vmem>> -> memref<32x512xf32, #tpu.memory_space<vmem>>
            %dma_start3A_156 = arith.constant 0 : i32
            %dma_start3A_157 = arith.constant 999424 : i32
            %dma_start3A_158 = tpu.memref_slice %arg5[%dma_start3A_156, %dma_start3A_157] : memref<32x1000000xf32, #tpu.memory_space<hbm>> -> memref<32x512xf32, #tpu.memory_space<hbm>>
            %dma_start3A_159 = arith.constant 0 : i32
            %dma_start3A_160 = arith.constant 0 : i32
            %dma_start3A_161 = tpu.memref_slice %arg12[%sub3A_138, %dma_start3A_159, %dma_start3A_160] : memref<2x32x1024xf32, #tpu.memory_space<vmem>> -> memref<1x32x1024xf32, #tpu.memory_space<vmem>>
            %dma_start3A_162 = tpu.memref_squeeze %dma_start3A_161 : memref<1x32x1024xf32, #tpu.memory_space<vmem>> -> memref<32x1024xf32, #tpu.memory_space<vmem>>
            %dma_start3A_163 = arith.constant 0 : i32
            %dma_start3A_164 = arith.constant 0 : i32
            %dma_start3A_165 = tpu.memref_slice %dma_start3A_162[%dma_start3A_163, %dma_start3A_164] : memref<32x1024xf32, #tpu.memory_space<vmem>> -> memref<32x512xf32, #tpu.memory_space<vmem>>
            %dma_start3A_166 = arith.constant 0 : i32
            %dma_start3A_167 = arith.constant 999424 : i32
            %dma_start3A_168 = tpu.memref_slice %arg5[%dma_start3A_166, %dma_start3A_167] : memref<32x1000000xf32, #tpu.memory_space<hbm>> -> memref<32x512xf32, #tpu.memory_space<hbm>>
            tpu.enqueue_dma source(%dma_start3A_168 : memref<32x512xf32, #tpu.memory_space<hbm>>) target(%dma_start3A_165 : memref<32x512xf32, #tpu.memory_space<vmem>>) target_semaphore(%arg15 : memref<!tpu.dma_semaphore, #tpu.memory_space<semaphore_mem>>)
          } else {
          }
        } else {
        }
      } else {
      }
      %le3A_109 = arith.constant 976 : i32
      %le3A_110 = arith.cmpi sle, %add3A_104, %le3A_109 : i32
      %jit3A = arith.constant 0 : i32
      %select_n3A = arith.select %le3A_110, %div3A_80, %jit3A : i32
      %while3A_111 = arith.constant 0 : i32
      %while3A_112 = arith.subi %select_n3A, %while3A_111 : i32
      %while3A_113 = arith.addi %while3A_111, %while3A_112 : i32
      %while3A_114 = arith.constant 1 : i32
      %while3A_115 = arith.divsi %while3A_112, %while3A_114 : i32
      %while3A_116 = arith.muli %while3A_115, %while3A_114 : i32
      %while3A_117 = arith.addi %while3A_111, %while3A_116 : i32
      %while3A_118 = arith.constant 1 : i32
      %while3A_119 = scf.for %while3A_122 = %while3A_111 to %while3A_117 step %while3A_118 iter_args(%while3A_123 = %scan3A_101) -> (i32)  : i32 {
        %mul3A_124 = arith.constant 16 : i32
        %mul3A_125 = arith.muli %while3A_122, %mul3A_124 : i32
        %add3A_126 = vector.broadcast %mul3A_125 : i32 to vector<16xi32>
        %add3A_127 = arith.addi %add3A_126, %iota3A : vector<16xi32>
        %lt3A = vector.broadcast %scan3A_75 : i32 to vector<16xi32>
        %lt3A_128 = arith.cmpi slt, %add3A_127, %lt3A : vector<16xi32>
        %get3A = arith.index_cast %mul3A_125 : i32 to index
        %get3A_129 = tpu.vector_load %arg11[%get3A] {strides = array<i32>} : memref<16448xi32, #tpu.memory_space<vmem>>, vector<16xi32>,
        %jit3A_130 = arith.constant 0 : i32
        %broadcast_in_dim3A = vector.broadcast %jit3A_130 : i32 to vector<16xi32>
        %select_n3A_131 = arith.select %lt3A_128, %get3A_129, %broadcast_in_dim3A : vector<16xi1>, vector<16xi32>
        %gather3A = tpu.vector_load_idx %arg10[%select_n3A_131] : memref<16384xi32, #tpu.memory_space<vmem>>[vector<16xi32>], vector<16xi32>,
        %shift_right_logical3A = arith.constant 10 : i32
        %shift_right_logical3A_132 = vector.broadcast %shift_right_logical3A : i32 to vector<16xi32>
        %shift_right_logical3A_133 = arith.shrui %gather3A, %shift_right_logical3A_132 : vector<16xi32>
        %eq3A_134 = vector.broadcast %add3A_104 : i32 to vector<16xi32>
        %eq3A_135 = arith.cmpi eq, %shift_right_logical3A_133, %eq3A_134 : vector<16xi32>
        %and3A_136 = arith.andi %eq3A_135, %lt3A_128 : vector<16xi1>
        %convert_element_type3A_137 = arith.extui %and3A_136 : vector<16xi1> to vector<16xi32>
        %broadcast_in_dim3A_138 = arith.constant true
        %broadcast_in_dim3A_139 = vector.broadcast %broadcast_in_dim3A_138 : i1 to vector<16xi1>
        %masked_cumsum3A = tpu.scan <sum>, %convert_element_type3A_137 masked %broadcast_in_dim3A_139 : vector<16xi32>, vector<16xi1> -> vector<16xi32>
        %slice3A = vector.extract_strided_slice %masked_cumsum3A {offsets = [15], sizes = [1], strides = [1]} : vector<16xi32> to vector<1xi32>
        %squeeze3A = vector.extract %slice3A[0] : i32 from vector<1xi32>
        %add3A_140 = arith.addi %while3A_123, %squeeze3A : i32
        %gt3A = arith.constant 64 : i32
        %gt3A_141 = arith.cmpi sgt, %add3A_140, %gt3A : i32
        %convert_element_type3A_142 = arith.extui %gt3A_141 : i1 to i32
        %cond3A_143 = arith.constant 0 : i32
        %cond3A_144 = arith.cmpi ne, %convert_element_type3A_142, %cond3A_143 : i32
        scf.if %cond3A_144 {
          %while3A_153 = arith.constant 0 : i32
          %while3A_154 = arith.constant 0 : i32
          %while3A_155 = arith.subi %while3A_123, %while3A_153 : i32
          %while3A_156 = arith.addi %while3A_153, %while3A_155 : i32
          %while3A_157 = arith.constant 1 : i32
          %while3A_158 = arith.divsi %while3A_155, %while3A_157 : i32
          %while3A_159 = arith.muli %while3A_158, %while3A_157 : i32
          %while3A_160 = arith.addi %while3A_153, %while3A_159 : i32
          %while3A_161 = arith.constant 1 : i32
          %while3A_162 = scf.for %while3A_165 = %while3A_153 to %while3A_160 step %while3A_161 iter_args(%while3A_166 = %while3A_154) -> (i32)  : i32 {
            %dma_wait3A = arith.constant 0 : i32
            %dma_wait3A_167 = arith.constant 0 : i32
            %dma_wait3A_168 = tpu.memref_slice %arg13[%dma_wait3A, %dma_wait3A_167] : memref<64x32xf32, #tpu.memory_space<vmem>> -> memref<1x32xf32, #tpu.memory_space<vmem>>
            %dma_wait3A_169 = arith.constant 0 : i32
            %dma_wait3A_170 = arith.constant 0 : i32
            %dma_wait3A_171 = tpu.memref_slice %arg9[%dma_wait3A_169, %dma_wait3A_170] : memref<16384x32xf32, #tpu.memory_space<hbm>> -> memref<1x32xf32, #tpu.memory_space<hbm>>
            %dma_wait3A_172 = arith.constant 0 : i32
            %dma_wait3A_173 = arith.constant 0 : i32
            %dma_wait3A_174 = tpu.memref_slice %arg9[%dma_wait3A_172, %dma_wait3A_173] : memref<16384x32xf32, #tpu.memory_space<hbm>> -> memref<1x32xf32, #tpu.memory_space<hbm>>
            %dma_wait3A_175 = arith.constant 0 : i32
            %dma_wait3A_176 = arith.constant 0 : i32
            %dma_wait3A_177 = tpu.memref_slice %arg13[%dma_wait3A_175, %dma_wait3A_176] : memref<64x32xf32, #tpu.memory_space<vmem>> -> memref<1x32xf32, #tpu.memory_space<vmem>>
            tpu.wait_dma2 semaphore(%arg16 : memref<!tpu.dma_semaphore, #tpu.memory_space<semaphore_mem>>) src(%dma_wait3A_177 : memref<1x32xf32, #tpu.memory_space<vmem>>) dst(%dma_wait3A_174 : memref<1x32xf32, #tpu.memory_space<hbm>>)
            %while3A_178 = arith.constant 0 : i32
            scf.yield %while3A_178 : i32
          }
          %while3A_163 = arith.constant 1 : i32
          %while3A_164 = scf.for %while3A_165 = %while3A_160 to %while3A_156 step %while3A_163 iter_args(%while3A_166 = %while3A_162) -> (i32)  : i32 {
            %dma_wait3A = arith.constant 0 : i32
            %dma_wait3A_167 = arith.constant 0 : i32
            %dma_wait3A_168 = tpu.memref_slice %arg13[%dma_wait3A, %dma_wait3A_167] : memref<64x32xf32, #tpu.memory_space<vmem>> -> memref<1x32xf32, #tpu.memory_space<vmem>>
            %dma_wait3A_169 = arith.constant 0 : i32
            %dma_wait3A_170 = arith.constant 0 : i32
            %dma_wait3A_171 = tpu.memref_slice %arg9[%dma_wait3A_169, %dma_wait3A_170] : memref<16384x32xf32, #tpu.memory_space<hbm>> -> memref<1x32xf32, #tpu.memory_space<hbm>>
            %dma_wait3A_172 = arith.constant 0 : i32
            %dma_wait3A_173 = arith.constant 0 : i32
            %dma_wait3A_174 = tpu.memref_slice %arg9[%dma_wait3A_172, %dma_wait3A_173] : memref<16384x32xf32, #tpu.memory_space<hbm>> -> memref<1x32xf32, #tpu.memory_space<hbm>>
            %dma_wait3A_175 = arith.constant 0 : i32
            %dma_wait3A_176 = arith.constant 0 : i32
            %dma_wait3A_177 = tpu.memref_slice %arg13[%dma_wait3A_175, %dma_wait3A_176] : memref<64x32xf32, #tpu.memory_space<vmem>> -> memref<1x32xf32, #tpu.memory_space<vmem>>
            tpu.wait_dma2 semaphore(%arg16 : memref<!tpu.dma_semaphore, #tpu.memory_space<semaphore_mem>>) src(%dma_wait3A_177 : memref<1x32xf32, #tpu.memory_space<vmem>>) dst(%dma_wait3A_174 : memref<1x32xf32, #tpu.memory_space<hbm>>)
            %while3A_178 = arith.constant 0 : i32
            scf.yield %while3A_178 : i32
          }
        } else {
        }
        %jit3A_145 = arith.constant 0 : i32
        %select_n3A_146 = arith.select %gt3A_141, %jit3A_145, %while3A_123 : i32
        %gt3A_147 = arith.constant 0 : i32
        %gt3A_148 = arith.cmpi sgt, %squeeze3A, %gt3A_147 : i32
        %convert_element_type3A_149 = arith.extui %gt3A_148 : i1 to i32
        %cond3A_150 = arith.constant 0 : i32
        %cond3A_151 = arith.cmpi ne, %convert_element_type3A_149, %cond3A_150 : i32
        scf.if %cond3A_151 {
          %mul3A_153 = arith.constant 1024 : i32
          %mul3A_154 = arith.muli %add3A_104, %mul3A_153 : i32
          %sub3A = vector.broadcast %mul3A_154 : i32 to vector<16xi32>
          %sub3A_155 = arith.subi %gather3A, %sub3A : vector<16xi32>
          %swap3A = arith.constant 0 : index
          %swap3A_156 = tpu.vector_load %arg14[%swap3A] {strides = array<i32>} : memref<48xi32, #tpu.memory_space<vmem>>, vector<16xi32>,
          tpu.vector_store %arg14[%swap3A], %sub3A_155 {strides = array<i32>} : memref<48xi32, #tpu.memory_space<vmem>>, vector<16xi32>,
          %swap3A_157 = arith.constant 16 : index
          %swap3A_158 = tpu.vector_load %arg14[%swap3A_157] {strides = array<i32>} : memref<48xi32, #tpu.memory_space<vmem>>, vector<16xi32>,
          tpu.vector_store %arg14[%swap3A_157], %select_n3A_131 {strides = array<i32>} : memref<48xi32, #tpu.memory_space<vmem>>, vector<16xi32>,
          %add3A_159 = vector.broadcast %select_n3A_146 : i32 to vector<16xi32>
          %add3A_160 = arith.addi %add3A_159, %masked_cumsum3A : vector<16xi32>
          %sub3A_161 = arith.constant 1 : i32
          %sub3A_162 = vector.broadcast %sub3A_161 : i32 to vector<16xi32>
          %sub3A_163 = arith.subi %add3A_160, %sub3A_162 : vector<16xi32>
          %swap3A_164 = arith.constant 32 : index
          %swap3A_165 = tpu.vector_load %arg14[%swap3A_164] {strides = array<i32>} : memref<48xi32, #tpu.memory_space<vmem>>, vector<16xi32>,
          tpu.vector_store %arg14[%swap3A_164], %sub3A_163 {strides = array<i32>} : memref<48xi32, #tpu.memory_space<vmem>>, vector<16xi32>,
          %while3A_166 = arith.constant 0 : i32
          %while3A_167 = arith.subi %squeeze3A, %while3A_166 : i32
          %while3A_168 = arith.addi %while3A_166, %while3A_167 : i32
          %while3A_169 = arith.constant 1 : i32
          %while3A_170 = arith.divsi %while3A_167, %while3A_169 : i32
          %while3A_171 = arith.muli %while3A_170, %while3A_169 : i32
          %while3A_172 = arith.addi %while3A_166, %while3A_171 : i32
          %while3A_173 = arith.constant 1 : i32
          %while3A_174 = scf.for %while3A_177 = %while3A_166 to %while3A_172 step %while3A_173 iter_args(%while3A_178 = %convert_element_type3A_137) -> (vector<16xi32>)  : i32 {
            %eq3A_179 = arith.constant 1 : i32
            %eq3A_180 = vector.broadcast %eq3A_179 : i32 to vector<16xi32>
            %eq3A_181 = arith.cmpi eq, %while3A_178, %eq3A_180 : vector<16xi32>
            %all_reduce_ffs3A = tpu.all_reduce %eq3A_181 {dim = 0 : i64, kind = #tpu.reduction_kind<find_first_set>} : vector<16xi1> -> vector<16xi32>
            %slice3A_182 = vector.extract_strided_slice %all_reduce_ffs3A {offsets = [0], sizes = [1], strides = [1]} : vector<16xi32> to vector<1xi32>
            %squeeze3A_183 = vector.extract %slice3A_182[0] : i32 from vector<1xi32>
            %add3A_184 = vector.broadcast %squeeze3A_183 : i32 to vector<16xi32>
            %add3A_185 = arith.addi %add3A_184, %add3A_13 : vector<16xi32>
            %gather3A_186 = tpu.vector_load_idx %arg14[%add3A_185] : memref<48xi32, #tpu.memory_space<vmem>>[vector<16xi32>], vector<16xi32>,
            %slice3A_187 = vector.extract_strided_slice %gather3A_186 {offsets = [0], sizes = [1], strides = [1]} : vector<16xi32> to vector<1xi32>
            %squeeze3A_188 = vector.extract %slice3A_187[0] : i32 from vector<1xi32>
            %slice3A_189 = vector.extract_strided_slice %gather3A_186 {offsets = [1], sizes = [1], strides = [1]} : vector<16xi32> to vector<1xi32>
            %squeeze3A_190 = vector.extract %slice3A_189[0] : i32 from vector<1xi32>
            %slice3A_191 = vector.extract_strided_slice %gather3A_186 {offsets = [2], sizes = [1], strides = [1]} : vector<16xi32> to vector<1xi32>
            %squeeze3A_192 = vector.extract %slice3A_191[0] : i32 from vector<1xi32>
            %lt3A_193 = arith.constant 976 : i32
            %lt3A_194 = arith.cmpi slt, %add3A_104, %lt3A_193 : i32
            %lt3A_195 = arith.constant 512 : i32
            %lt3A_196 = arith.cmpi slt, %squeeze3A_188, %lt3A_195 : i32
            %or3A = arith.ori %lt3A_194, %lt3A_196 : i1
            %convert_element_type3A_197 = arith.extui %or3A : i1 to i32
            %cond3A_198 = arith.constant 0 : i32
            %cond3A_199 = arith.cmpi ne, %convert_element_type3A_197, %cond3A_198 : i32
            scf.if %cond3A_199 {
              %broadcast_in_dim3A_210 = vector.broadcast %squeeze3A_188 : i32 to vector<16xi32>
              %gather3A_211 = arith.constant 0 : i32
              %gather3A_212 = arith.constant 0 : i32
              %gather3A_213 = tpu.memref_slice %arg12[%and3A_105, %gather3A_211, %gather3A_212] : memref<2x32x1024xf32, #tpu.memory_space<vmem>> -> memref<1x32x1024xf32, #tpu.memory_space<vmem>>
              %gather3A_214 = tpu.memref_squeeze %gather3A_213 : memref<1x32x1024xf32, #tpu.memory_space<vmem>> -> memref<32x1024xf32, #tpu.memory_space<vmem>>
              %gather3A_215 = tpu.vector_load_idx %gather3A_214[%iota3A, %broadcast_in_dim3A_210] : memref<32x1024xf32, #tpu.memory_space<vmem>>[vector<16xi32>, vector<16xi32>], vector<16xf32>,
              %add3A_216 = arith.constant 16 : i32
              %add3A_217 = vector.broadcast %add3A_216 : i32 to vector<16xi32>
              %add3A_218 = arith.addi %iota3A, %add3A_217 : vector<16xi32>
              %gather3A_219 = arith.constant 0 : i32
              %gather3A_220 = arith.constant 0 : i32
              %gather3A_221 = tpu.memref_slice %arg12[%and3A_105, %gather3A_219, %gather3A_220] : memref<2x32x1024xf32, #tpu.memory_space<vmem>> -> memref<1x32x1024xf32, #tpu.memory_space<vmem>>
              %gather3A_222 = tpu.memref_squeeze %gather3A_221 : memref<1x32x1024xf32, #tpu.memory_space<vmem>> -> memref<32x1024xf32, #tpu.memory_space<vmem>>
              %gather3A_223 = tpu.vector_load_idx %gather3A_222[%add3A_218, %broadcast_in_dim3A_210] : memref<32x1024xf32, #tpu.memory_space<vmem>>[vector<16xi32>, vector<16xi32>], vector<16xf32>,
              %swap3A_224 = arith.constant 0 : i32
              %swap3A_225 = tpu.memref_slice %arg13[%squeeze3A_192, %swap3A_224] : memref<64x32xf32, #tpu.memory_space<vmem>> -> memref<1x32xf32, #tpu.memory_space<vmem>>
              %swap3A_226 = tpu.memref_squeeze %swap3A_225 : memref<1x32xf32, #tpu.memory_space<vmem>> -> memref<32xf32, #tpu.memory_space<vmem>>
              %swap3A_227 = arith.constant 0 : index
              %swap3A_228 = tpu.vector_load %swap3A_226[%swap3A_227] {strides = array<i32>} : memref<32xf32, #tpu.memory_space<vmem>>, vector<16xf32>,
              tpu.vector_store %swap3A_226[%swap3A_227], %gather3A_215 {strides = array<i32>} : memref<32xf32, #tpu.memory_space<vmem>>, vector<16xf32>,
              %swap3A_229 = arith.constant 0 : i32
              %swap3A_230 = tpu.memref_slice %arg13[%squeeze3A_192, %swap3A_229] : memref<64x32xf32, #tpu.memory_space<vmem>> -> memref<1x32xf32, #tpu.memory_space<vmem>>
              %swap3A_231 = tpu.memref_squeeze %swap3A_230 : memref<1x32xf32, #tpu.memory_space<vmem>> -> memref<32xf32, #tpu.memory_space<vmem>>
              %swap3A_232 = arith.constant 16 : index
              %swap3A_233 = tpu.vector_load %swap3A_231[%swap3A_232] {strides = array<i32>} : memref<32xf32, #tpu.memory_space<vmem>>, vector<16xf32>,
              tpu.vector_store %swap3A_231[%swap3A_232], %gather3A_223 {strides = array<i32>} : memref<32xf32, #tpu.memory_space<vmem>>, vector<16xf32>,
              %dma_start3A_234 = arith.constant 0 : i32
              %dma_start3A_235 = tpu.memref_slice %arg13[%squeeze3A_192, %dma_start3A_234] : memref<64x32xf32, #tpu.memory_space<vmem>> -> memref<1x32xf32, #tpu.memory_space<vmem>>
              %dma_start3A_236 = arith.constant 0 : i32
              %dma_start3A_237 = tpu.memref_slice %arg9[%squeeze3A_190, %dma_start3A_236] : memref<16384x32xf32, #tpu.memory_space<hbm>> -> memref<1x32xf32, #tpu.memory_space<hbm>>
              %dma_start3A_238 = arith.constant 0 : i32
              %dma_start3A_239 = tpu.memref_slice %arg9[%squeeze3A_190, %dma_start3A_238] : memref<16384x32xf32, #tpu.memory_space<hbm>> -> memref<1x32xf32, #tpu.memory_space<hbm>>
              %dma_start3A_240 = arith.constant 0 : i32
              %dma_start3A_241 = tpu.memref_slice %arg13[%squeeze3A_192, %dma_start3A_240] : memref<64x32xf32, #tpu.memory_space<vmem>> -> memref<1x32xf32, #tpu.memory_space<vmem>>
              tpu.enqueue_dma source(%dma_start3A_241 : memref<1x32xf32, #tpu.memory_space<vmem>>) target(%dma_start3A_239 : memref<1x32xf32, #tpu.memory_space<hbm>>) target_semaphore(%arg16 : memref<!tpu.dma_semaphore, #tpu.memory_space<semaphore_mem>>)
            } else {
            }
            %eq3A_200 = arith.constant 976 : i32
            %eq3A_201 = arith.cmpi eq, %add3A_104, %eq3A_200 : i32
            %ge3A = arith.constant 512 : i32
            %ge3A_202 = arith.cmpi sge, %squeeze3A_188, %ge3A : i32
            %and3A_203 = arith.andi %eq3A_201, %ge3A_202 : i1
            %convert_element_type3A_204 = arith.extui %and3A_203 : i1 to i32
            %cond3A_205 = arith.constant 0 : i32
            %cond3A_206 = arith.cmpi ne, %convert_element_type3A_204, %cond3A_205 : i32
            scf.if %cond3A_206 {
              %sub3A_210 = arith.constant 512 : i32
              %sub3A_211 = arith.subi %squeeze3A_188, %sub3A_210 : i32
              %dma_start3A_212 = arith.constant 0 : i32
              %dma_start3A_213 = tpu.memref_slice %arg13[%squeeze3A_192, %dma_start3A_212] : memref<64x32xf32, #tpu.memory_space<vmem>> -> memref<1x32xf32, #tpu.memory_space<vmem>>
              %dma_start3A_214 = arith.constant 0 : i32
              %dma_start3A_215 = tpu.memref_slice %arg7[%sub3A_211, %dma_start3A_214] : memref<64x32xf32, #tpu.memory_space<hbm>> -> memref<1x32xf32, #tpu.memory_space<hbm>>
              %dma_start3A_216 = arith.constant 0 : i32
              %dma_start3A_217 = tpu.memref_slice %arg13[%squeeze3A_192, %dma_start3A_216] : memref<64x32xf32, #tpu.memory_space<vmem>> -> memref<1x32xf32, #tpu.memory_space<vmem>>
              %dma_start3A_218 = arith.constant 0 : i32
              %dma_start3A_219 = tpu.memref_slice %arg7[%sub3A_211, %dma_start3A_218] : memref<64x32xf32, #tpu.memory_space<hbm>> -> memref<1x32xf32, #tpu.memory_space<hbm>>
              tpu.enqueue_dma source(%dma_start3A_219 : memref<1x32xf32, #tpu.memory_space<hbm>>) target(%dma_start3A_217 : memref<1x32xf32, #tpu.memory_space<vmem>>) target_semaphore(%arg15 : memref<!tpu.dma_semaphore, #tpu.memory_space<semaphore_mem>>)
              %dma_wait3A = arith.constant 0 : i32
              %dma_wait3A_220 = tpu.memref_slice %arg13[%squeeze3A_192, %dma_wait3A] : memref<64x32xf32, #tpu.memory_space<vmem>> -> memref<1x32xf32, #tpu.memory_space<vmem>>
              %dma_wait3A_221 = arith.constant 0 : i32
              %dma_wait3A_222 = tpu.memref_slice %arg7[%sub3A_211, %dma_wait3A_221] : memref<64x32xf32, #tpu.memory_space<hbm>> -> memref<1x32xf32, #tpu.memory_space<hbm>>
              %dma_wait3A_223 = arith.constant 0 : i32
              %dma_wait3A_224 = tpu.memref_slice %arg13[%squeeze3A_192, %dma_wait3A_223] : memref<64x32xf32, #tpu.memory_space<vmem>> -> memref<1x32xf32, #tpu.memory_space<vmem>>
              %dma_wait3A_225 = arith.constant 0 : i32
              %dma_wait3A_226 = tpu.memref_slice %arg7[%sub3A_211, %dma_wait3A_225] : memref<64x32xf32, #tpu.memory_space<hbm>> -> memref<1x32xf32, #tpu.memory_space<hbm>>
              tpu.wait_dma2 semaphore(%arg15 : memref<!tpu.dma_semaphore, #tpu.memory_space<semaphore_mem>>) src(%dma_wait3A_226 : memref<1x32xf32, #tpu.memory_space<hbm>>) dst(%dma_wait3A_224 : memref<1x32xf32, #tpu.memory_space<vmem>>)
              %dma_start3A_227 = arith.constant 0 : i32
              %dma_start3A_228 = tpu.memref_slice %arg13[%squeeze3A_192, %dma_start3A_227] : memref<64x32xf32, #tpu.memory_space<vmem>> -> memref<1x32xf32, #tpu.memory_space<vmem>>
              %dma_start3A_229 = arith.constant 0 : i32
              %dma_start3A_230 = tpu.memref_slice %arg9[%squeeze3A_190, %dma_start3A_229] : memref<16384x32xf32, #tpu.memory_space<hbm>> -> memref<1x32xf32, #tpu.memory_space<hbm>>
              %dma_start3A_231 = arith.constant 0 : i32
              %dma_start3A_232 = tpu.memref_slice %arg9[%squeeze3A_190, %dma_start3A_231] : memref<16384x32xf32, #tpu.memory_space<hbm>> -> memref<1x32xf32, #tpu.memory_space<hbm>>
              %dma_start3A_233 = arith.constant 0 : i32
              %dma_start3A_234 = tpu.memref_slice %arg13[%squeeze3A_192, %dma_start3A_233] : memref<64x32xf32, #tpu.memory_space<vmem>> -> memref<1x32xf32, #tpu.memory_space<vmem>>
              tpu.enqueue_dma source(%dma_start3A_234 : memref<1x32xf32, #tpu.memory_space<vmem>>) target(%dma_start3A_232 : memref<1x32xf32, #tpu.memory_space<hbm>>) target_semaphore(%arg16 : memref<!tpu.dma_semaphore, #tpu.memory_space<semaphore_mem>>)
            } else {
            }
            %ne3A = vector.broadcast %squeeze3A_183 : i32 to vector<16xi32>
            %ne3A_207 = arith.cmpi ne, %iota3A, %ne3A : vector<16xi32>
            %convert_element_type3A_208 = arith.extui %ne3A_207 : vector<16xi1> to vector<16xi32>
            %and3A_209 = arith.andi %while3A_178, %convert_element_type3A_208 : vector<16xi32>
            scf.yield %and3A_209 : vector<16xi32>
          }
          %while3A_175 = arith.constant 1 : i32
          %while3A_176 = scf.for %while3A_177 = %while3A_172 to %while3A_168 step %while3A_175 iter_args(%while3A_178 = %while3A_174) -> (vector<16xi32>)  : i32 {
            %eq3A_179 = arith.constant 1 : i32
            %eq3A_180 = vector.broadcast %eq3A_179 : i32 to vector<16xi32>
            %eq3A_181 = arith.cmpi eq, %while3A_178, %eq3A_180 : vector<16xi32>
            %all_reduce_ffs3A = tpu.all_reduce %eq3A_181 {dim = 0 : i64, kind = #tpu.reduction_kind<find_first_set>} : vector<16xi1> -> vector<16xi32>
            %slice3A_182 = vector.extract_strided_slice %all_reduce_ffs3A {offsets = [0], sizes = [1], strides = [1]} : vector<16xi32> to vector<1xi32>
            %squeeze3A_183 = vector.extract %slice3A_182[0] : i32 from vector<1xi32>
            %add3A_184 = vector.broadcast %squeeze3A_183 : i32 to vector<16xi32>
            %add3A_185 = arith.addi %add3A_184, %add3A_13 : vector<16xi32>
            %gather3A_186 = tpu.vector_load_idx %arg14[%add3A_185] : memref<48xi32, #tpu.memory_space<vmem>>[vector<16xi32>], vector<16xi32>,
            %slice3A_187 = vector.extract_strided_slice %gather3A_186 {offsets = [0], sizes = [1], strides = [1]} : vector<16xi32> to vector<1xi32>
            %squeeze3A_188 = vector.extract %slice3A_187[0] : i32 from vector<1xi32>
            %slice3A_189 = vector.extract_strided_slice %gather3A_186 {offsets = [1], sizes = [1], strides = [1]} : vector<16xi32> to vector<1xi32>
            %squeeze3A_190 = vector.extract %slice3A_189[0] : i32 from vector<1xi32>
            %slice3A_191 = vector.extract_strided_slice %gather3A_186 {offsets = [2], sizes = [1], strides = [1]} : vector<16xi32> to vector<1xi32>
            %squeeze3A_192 = vector.extract %slice3A_191[0] : i32 from vector<1xi32>
            %lt3A_193 = arith.constant 976 : i32
            %lt3A_194 = arith.cmpi slt, %add3A_104, %lt3A_193 : i32
            %lt3A_195 = arith.constant 512 : i32
            %lt3A_196 = arith.cmpi slt, %squeeze3A_188, %lt3A_195 : i32
            %or3A = arith.ori %lt3A_194, %lt3A_196 : i1
            %convert_element_type3A_197 = arith.extui %or3A : i1 to i32
            %cond3A_198 = arith.constant 0 : i32
            %cond3A_199 = arith.cmpi ne, %convert_element_type3A_197, %cond3A_198 : i32
            scf.if %cond3A_199 {
              %broadcast_in_dim3A_210 = vector.broadcast %squeeze3A_188 : i32 to vector<16xi32>
              %gather3A_211 = arith.constant 0 : i32
              %gather3A_212 = arith.constant 0 : i32
              %gather3A_213 = tpu.memref_slice %arg12[%and3A_105, %gather3A_211, %gather3A_212] : memref<2x32x1024xf32, #tpu.memory_space<vmem>> -> memref<1x32x1024xf32, #tpu.memory_space<vmem>>
              %gather3A_214 = tpu.memref_squeeze %gather3A_213 : memref<1x32x1024xf32, #tpu.memory_space<vmem>> -> memref<32x1024xf32, #tpu.memory_space<vmem>>
              %gather3A_215 = tpu.vector_load_idx %gather3A_214[%iota3A, %broadcast_in_dim3A_210] : memref<32x1024xf32, #tpu.memory_space<vmem>>[vector<16xi32>, vector<16xi32>], vector<16xf32>,
              %add3A_216 = arith.constant 16 : i32
              %add3A_217 = vector.broadcast %add3A_216 : i32 to vector<16xi32>
              %add3A_218 = arith.addi %iota3A, %add3A_217 : vector<16xi32>
              %gather3A_219 = arith.constant 0 : i32
              %gather3A_220 = arith.constant 0 : i32
              %gather3A_221 = tpu.memref_slice %arg12[%and3A_105, %gather3A_219, %gather3A_220] : memref<2x32x1024xf32, #tpu.memory_space<vmem>> -> memref<1x32x1024xf32, #tpu.memory_space<vmem>>
              %gather3A_222 = tpu.memref_squeeze %gather3A_221 : memref<1x32x1024xf32, #tpu.memory_space<vmem>> -> memref<32x1024xf32, #tpu.memory_space<vmem>>
              %gather3A_223 = tpu.vector_load_idx %gather3A_222[%add3A_218, %broadcast_in_dim3A_210] : memref<32x1024xf32, #tpu.memory_space<vmem>>[vector<16xi32>, vector<16xi32>], vector<16xf32>,
              %swap3A_224 = arith.constant 0 : i32
              %swap3A_225 = tpu.memref_slice %arg13[%squeeze3A_192, %swap3A_224] : memref<64x32xf32, #tpu.memory_space<vmem>> -> memref<1x32xf32, #tpu.memory_space<vmem>>
              %swap3A_226 = tpu.memref_squeeze %swap3A_225 : memref<1x32xf32, #tpu.memory_space<vmem>> -> memref<32xf32, #tpu.memory_space<vmem>>
              %swap3A_227 = arith.constant 0 : index
              %swap3A_228 = tpu.vector_load %swap3A_226[%swap3A_227] {strides = array<i32>} : memref<32xf32, #tpu.memory_space<vmem>>, vector<16xf32>,
              tpu.vector_store %swap3A_226[%swap3A_227], %gather3A_215 {strides = array<i32>} : memref<32xf32, #tpu.memory_space<vmem>>, vector<16xf32>,
              %swap3A_229 = arith.constant 0 : i32
              %swap3A_230 = tpu.memref_slice %arg13[%squeeze3A_192, %swap3A_229] : memref<64x32xf32, #tpu.memory_space<vmem>> -> memref<1x32xf32, #tpu.memory_space<vmem>>
              %swap3A_231 = tpu.memref_squeeze %swap3A_230 : memref<1x32xf32, #tpu.memory_space<vmem>> -> memref<32xf32, #tpu.memory_space<vmem>>
              %swap3A_232 = arith.constant 16 : index
              %swap3A_233 = tpu.vector_load %swap3A_231[%swap3A_232] {strides = array<i32>} : memref<32xf32, #tpu.memory_space<vmem>>, vector<16xf32>,
              tpu.vector_store %swap3A_231[%swap3A_232], %gather3A_223 {strides = array<i32>} : memref<32xf32, #tpu.memory_space<vmem>>, vector<16xf32>,
              %dma_start3A_234 = arith.constant 0 : i32
              %dma_start3A_235 = tpu.memref_slice %arg13[%squeeze3A_192, %dma_start3A_234] : memref<64x32xf32, #tpu.memory_space<vmem>> -> memref<1x32xf32, #tpu.memory_space<vmem>>
              %dma_start3A_236 = arith.constant 0 : i32
              %dma_start3A_237 = tpu.memref_slice %arg9[%squeeze3A_190, %dma_start3A_236] : memref<16384x32xf32, #tpu.memory_space<hbm>> -> memref<1x32xf32, #tpu.memory_space<hbm>>
              %dma_start3A_238 = arith.constant 0 : i32
              %dma_start3A_239 = tpu.memref_slice %arg9[%squeeze3A_190, %dma_start3A_238] : memref<16384x32xf32, #tpu.memory_space<hbm>> -> memref<1x32xf32, #tpu.memory_space<hbm>>
              %dma_start3A_240 = arith.constant 0 : i32
              %dma_start3A_241 = tpu.memref_slice %arg13[%squeeze3A_192, %dma_start3A_240] : memref<64x32xf32, #tpu.memory_space<vmem>> -> memref<1x32xf32, #tpu.memory_space<vmem>>
              tpu.enqueue_dma source(%dma_start3A_241 : memref<1x32xf32, #tpu.memory_space<vmem>>) target(%dma_start3A_239 : memref<1x32xf32, #tpu.memory_space<hbm>>) target_semaphore(%arg16 : memref<!tpu.dma_semaphore, #tpu.memory_space<semaphore_mem>>)
            } else {
            }
            %eq3A_200 = arith.constant 976 : i32
            %eq3A_201 = arith.cmpi eq, %add3A_104, %eq3A_200 : i32
            %ge3A = arith.constant 512 : i32
            %ge3A_202 = arith.cmpi sge, %squeeze3A_188, %ge3A : i32
            %and3A_203 = arith.andi %eq3A_201, %ge3A_202 : i1
            %convert_element_type3A_204 = arith.extui %and3A_203 : i1 to i32
            %cond3A_205 = arith.constant 0 : i32
            %cond3A_206 = arith.cmpi ne, %convert_element_type3A_204, %cond3A_205 : i32
            scf.if %cond3A_206 {
              %sub3A_210 = arith.constant 512 : i32
              %sub3A_211 = arith.subi %squeeze3A_188, %sub3A_210 : i32
              %dma_start3A_212 = arith.constant 0 : i32
              %dma_start3A_213 = tpu.memref_slice %arg13[%squeeze3A_192, %dma_start3A_212] : memref<64x32xf32, #tpu.memory_space<vmem>> -> memref<1x32xf32, #tpu.memory_space<vmem>>
              %dma_start3A_214 = arith.constant 0 : i32
              %dma_start3A_215 = tpu.memref_slice %arg7[%sub3A_211, %dma_start3A_214] : memref<64x32xf32, #tpu.memory_space<hbm>> -> memref<1x32xf32, #tpu.memory_space<hbm>>
              %dma_start3A_216 = arith.constant 0 : i32
              %dma_start3A_217 = tpu.memref_slice %arg13[%squeeze3A_192, %dma_start3A_216] : memref<64x32xf32, #tpu.memory_space<vmem>> -> memref<1x32xf32, #tpu.memory_space<vmem>>
              %dma_start3A_218 = arith.constant 0 : i32
              %dma_start3A_219 = tpu.memref_slice %arg7[%sub3A_211, %dma_start3A_218] : memref<64x32xf32, #tpu.memory_space<hbm>> -> memref<1x32xf32, #tpu.memory_space<hbm>>
              tpu.enqueue_dma source(%dma_start3A_219 : memref<1x32xf32, #tpu.memory_space<hbm>>) target(%dma_start3A_217 : memref<1x32xf32, #tpu.memory_space<vmem>>) target_semaphore(%arg15 : memref<!tpu.dma_semaphore, #tpu.memory_space<semaphore_mem>>)
              %dma_wait3A = arith.constant 0 : i32
              %dma_wait3A_220 = tpu.memref_slice %arg13[%squeeze3A_192, %dma_wait3A] : memref<64x32xf32, #tpu.memory_space<vmem>> -> memref<1x32xf32, #tpu.memory_space<vmem>>
              %dma_wait3A_221 = arith.constant 0 : i32
              %dma_wait3A_222 = tpu.memref_slice %arg7[%sub3A_211, %dma_wait3A_221] : memref<64x32xf32, #tpu.memory_space<hbm>> -> memref<1x32xf32, #tpu.memory_space<hbm>>
              %dma_wait3A_223 = arith.constant 0 : i32
              %dma_wait3A_224 = tpu.memref_slice %arg13[%squeeze3A_192, %dma_wait3A_223] : memref<64x32xf32, #tpu.memory_space<vmem>> -> memref<1x32xf32, #tpu.memory_space<vmem>>
              %dma_wait3A_225 = arith.constant 0 : i32
              %dma_wait3A_226 = tpu.memref_slice %arg7[%sub3A_211, %dma_wait3A_225] : memref<64x32xf32, #tpu.memory_space<hbm>> -> memref<1x32xf32, #tpu.memory_space<hbm>>
              tpu.wait_dma2 semaphore(%arg15 : memref<!tpu.dma_semaphore, #tpu.memory_space<semaphore_mem>>) src(%dma_wait3A_226 : memref<1x32xf32, #tpu.memory_space<hbm>>) dst(%dma_wait3A_224 : memref<1x32xf32, #tpu.memory_space<vmem>>)
              %dma_start3A_227 = arith.constant 0 : i32
              %dma_start3A_228 = tpu.memref_slice %arg13[%squeeze3A_192, %dma_start3A_227] : memref<64x32xf32, #tpu.memory_space<vmem>> -> memref<1x32xf32, #tpu.memory_space<vmem>>
              %dma_start3A_229 = arith.constant 0 : i32
              %dma_start3A_230 = tpu.memref_slice %arg9[%squeeze3A_190, %dma_start3A_229] : memref<16384x32xf32, #tpu.memory_space<hbm>> -> memref<1x32xf32, #tpu.memory_space<hbm>>
              %dma_start3A_231 = arith.constant 0 : i32
              %dma_start3A_232 = tpu.memref_slice %arg9[%squeeze3A_190, %dma_start3A_231] : memref<16384x32xf32, #tpu.memory_space<hbm>> -> memref<1x32xf32, #tpu.memory_space<hbm>>
              %dma_start3A_233 = arith.constant 0 : i32
              %dma_start3A_234 = tpu.memref_slice %arg13[%squeeze3A_192, %dma_start3A_233] : memref<64x32xf32, #tpu.memory_space<vmem>> -> memref<1x32xf32, #tpu.memory_space<vmem>>
              tpu.enqueue_dma source(%dma_start3A_234 : memref<1x32xf32, #tpu.memory_space<vmem>>) target(%dma_start3A_232 : memref<1x32xf32, #tpu.memory_space<hbm>>) target_semaphore(%arg16 : memref<!tpu.dma_semaphore, #tpu.memory_space<semaphore_mem>>)
            } else {
            }
            %ne3A = vector.broadcast %squeeze3A_183 : i32 to vector<16xi32>
            %ne3A_207 = arith.cmpi ne, %iota3A, %ne3A : vector<16xi32>
            %convert_element_type3A_208 = arith.extui %ne3A_207 : vector<16xi1> to vector<16xi32>
            %and3A_209 = arith.andi %while3A_178, %convert_element_type3A_208 : vector<16xi32>
            scf.yield %and3A_209 : vector<16xi32>
          }
        } else {
        }
        %add3A_152 = arith.addi %select_n3A_146, %squeeze3A : i32
        scf.yield %add3A_152 : i32
      }
      %while3A_120 = arith.constant 1 : i32
      %while3A_121 = scf.for %while3A_122 = %while3A_117 to %while3A_113 step %while3A_120 iter_args(%while3A_123 = %while3A_119) -> (i32)  : i32 {
        %mul3A_124 = arith.constant 16 : i32
        %mul3A_125 = arith.muli %while3A_122, %mul3A_124 : i32
        %add3A_126 = vector.broadcast %mul3A_125 : i32 to vector<16xi32>
        %add3A_127 = arith.addi %add3A_126, %iota3A : vector<16xi32>
        %lt3A = vector.broadcast %scan3A_75 : i32 to vector<16xi32>
        %lt3A_128 = arith.cmpi slt, %add3A_127, %lt3A : vector<16xi32>
        %get3A = arith.index_cast %mul3A_125 : i32 to index
        %get3A_129 = tpu.vector_load %arg11[%get3A] {strides = array<i32>} : memref<16448xi32, #tpu.memory_space<vmem>>, vector<16xi32>,
        %jit3A_130 = arith.constant 0 : i32
        %broadcast_in_dim3A = vector.broadcast %jit3A_130 : i32 to vector<16xi32>
        %select_n3A_131 = arith.select %lt3A_128, %get3A_129, %broadcast_in_dim3A : vector<16xi1>, vector<16xi32>
        %gather3A = tpu.vector_load_idx %arg10[%select_n3A_131] : memref<16384xi32, #tpu.memory_space<vmem>>[vector<16xi32>], vector<16xi32>,
        %shift_right_logical3A = arith.constant 10 : i32
        %shift_right_logical3A_132 = vector.broadcast %shift_right_logical3A : i32 to vector<16xi32>
        %shift_right_logical3A_133 = arith.shrui %gather3A, %shift_right_logical3A_132 : vector<16xi32>
        %eq3A_134 = vector.broadcast %add3A_104 : i32 to vector<16xi32>
        %eq3A_135 = arith.cmpi eq, %shift_right_logical3A_133, %eq3A_134 : vector<16xi32>
        %and3A_136 = arith.andi %eq3A_135, %lt3A_128 : vector<16xi1>
        %convert_element_type3A_137 = arith.extui %and3A_136 : vector<16xi1> to vector<16xi32>
        %broadcast_in_dim3A_138 = arith.constant true
        %broadcast_in_dim3A_139 = vector.broadcast %broadcast_in_dim3A_138 : i1 to vector<16xi1>
        %masked_cumsum3A = tpu.scan <sum>, %convert_element_type3A_137 masked %broadcast_in_dim3A_139 : vector<16xi32>, vector<16xi1> -> vector<16xi32>
        %slice3A = vector.extract_strided_slice %masked_cumsum3A {offsets = [15], sizes = [1], strides = [1]} : vector<16xi32> to vector<1xi32>
        %squeeze3A = vector.extract %slice3A[0] : i32 from vector<1xi32>
        %add3A_140 = arith.addi %while3A_123, %squeeze3A : i32
        %gt3A = arith.constant 64 : i32
        %gt3A_141 = arith.cmpi sgt, %add3A_140, %gt3A : i32
        %convert_element_type3A_142 = arith.extui %gt3A_141 : i1 to i32
        %cond3A_143 = arith.constant 0 : i32
        %cond3A_144 = arith.cmpi ne, %convert_element_type3A_142, %cond3A_143 : i32
        scf.if %cond3A_144 {
          %while3A_153 = arith.constant 0 : i32
          %while3A_154 = arith.constant 0 : i32
          %while3A_155 = arith.subi %while3A_123, %while3A_153 : i32
          %while3A_156 = arith.addi %while3A_153, %while3A_155 : i32
          %while3A_157 = arith.constant 1 : i32
          %while3A_158 = arith.divsi %while3A_155, %while3A_157 : i32
          %while3A_159 = arith.muli %while3A_158, %while3A_157 : i32
          %while3A_160 = arith.addi %while3A_153, %while3A_159 : i32
          %while3A_161 = arith.constant 1 : i32
          %while3A_162 = scf.for %while3A_165 = %while3A_153 to %while3A_160 step %while3A_161 iter_args(%while3A_166 = %while3A_154) -> (i32)  : i32 {
            %dma_wait3A = arith.constant 0 : i32
            %dma_wait3A_167 = arith.constant 0 : i32
            %dma_wait3A_168 = tpu.memref_slice %arg13[%dma_wait3A, %dma_wait3A_167] : memref<64x32xf32, #tpu.memory_space<vmem>> -> memref<1x32xf32, #tpu.memory_space<vmem>>
            %dma_wait3A_169 = arith.constant 0 : i32
            %dma_wait3A_170 = arith.constant 0 : i32
            %dma_wait3A_171 = tpu.memref_slice %arg9[%dma_wait3A_169, %dma_wait3A_170] : memref<16384x32xf32, #tpu.memory_space<hbm>> -> memref<1x32xf32, #tpu.memory_space<hbm>>
            %dma_wait3A_172 = arith.constant 0 : i32
            %dma_wait3A_173 = arith.constant 0 : i32
            %dma_wait3A_174 = tpu.memref_slice %arg9[%dma_wait3A_172, %dma_wait3A_173] : memref<16384x32xf32, #tpu.memory_space<hbm>> -> memref<1x32xf32, #tpu.memory_space<hbm>>
            %dma_wait3A_175 = arith.constant 0 : i32
            %dma_wait3A_176 = arith.constant 0 : i32
            %dma_wait3A_177 = tpu.memref_slice %arg13[%dma_wait3A_175, %dma_wait3A_176] : memref<64x32xf32, #tpu.memory_space<vmem>> -> memref<1x32xf32, #tpu.memory_space<vmem>>
            tpu.wait_dma2 semaphore(%arg16 : memref<!tpu.dma_semaphore, #tpu.memory_space<semaphore_mem>>) src(%dma_wait3A_177 : memref<1x32xf32, #tpu.memory_space<vmem>>) dst(%dma_wait3A_174 : memref<1x32xf32, #tpu.memory_space<hbm>>)
            %while3A_178 = arith.constant 0 : i32
            scf.yield %while3A_178 : i32
          }
          %while3A_163 = arith.constant 1 : i32
          %while3A_164 = scf.for %while3A_165 = %while3A_160 to %while3A_156 step %while3A_163 iter_args(%while3A_166 = %while3A_162) -> (i32)  : i32 {
            %dma_wait3A = arith.constant 0 : i32
            %dma_wait3A_167 = arith.constant 0 : i32
            %dma_wait3A_168 = tpu.memref_slice %arg13[%dma_wait3A, %dma_wait3A_167] : memref<64x32xf32, #tpu.memory_space<vmem>> -> memref<1x32xf32, #tpu.memory_space<vmem>>
            %dma_wait3A_169 = arith.constant 0 : i32
            %dma_wait3A_170 = arith.constant 0 : i32
            %dma_wait3A_171 = tpu.memref_slice %arg9[%dma_wait3A_169, %dma_wait3A_170] : memref<16384x32xf32, #tpu.memory_space<hbm>> -> memref<1x32xf32, #tpu.memory_space<hbm>>
            %dma_wait3A_172 = arith.constant 0 : i32
            %dma_wait3A_173 = arith.constant 0 : i32
            %dma_wait3A_174 = tpu.memref_slice %arg9[%dma_wait3A_172, %dma_wait3A_173] : memref<16384x32xf32, #tpu.memory_space<hbm>> -> memref<1x32xf32, #tpu.memory_space<hbm>>
            %dma_wait3A_175 = arith.constant 0 : i32
            %dma_wait3A_176 = arith.constant 0 : i32
            %dma_wait3A_177 = tpu.memref_slice %arg13[%dma_wait3A_175, %dma_wait3A_176] : memref<64x32xf32, #tpu.memory_space<vmem>> -> memref<1x32xf32, #tpu.memory_space<vmem>>
            tpu.wait_dma2 semaphore(%arg16 : memref<!tpu.dma_semaphore, #tpu.memory_space<semaphore_mem>>) src(%dma_wait3A_177 : memref<1x32xf32, #tpu.memory_space<vmem>>) dst(%dma_wait3A_174 : memref<1x32xf32, #tpu.memory_space<hbm>>)
            %while3A_178 = arith.constant 0 : i32
            scf.yield %while3A_178 : i32
          }
        } else {
        }
        %jit3A_145 = arith.constant 0 : i32
        %select_n3A_146 = arith.select %gt3A_141, %jit3A_145, %while3A_123 : i32
        %gt3A_147 = arith.constant 0 : i32
        %gt3A_148 = arith.cmpi sgt, %squeeze3A, %gt3A_147 : i32
        %convert_element_type3A_149 = arith.extui %gt3A_148 : i1 to i32
        %cond3A_150 = arith.constant 0 : i32
        %cond3A_151 = arith.cmpi ne, %convert_element_type3A_149, %cond3A_150 : i32
        scf.if %cond3A_151 {
          %mul3A_153 = arith.constant 1024 : i32
          %mul3A_154 = arith.muli %add3A_104, %mul3A_153 : i32
          %sub3A = vector.broadcast %mul3A_154 : i32 to vector<16xi32>
          %sub3A_155 = arith.subi %gather3A, %sub3A : vector<16xi32>
          %swap3A = arith.constant 0 : index
          %swap3A_156 = tpu.vector_load %arg14[%swap3A] {strides = array<i32>} : memref<48xi32, #tpu.memory_space<vmem>>, vector<16xi32>,
          tpu.vector_store %arg14[%swap3A], %sub3A_155 {strides = array<i32>} : memref<48xi32, #tpu.memory_space<vmem>>, vector<16xi32>,
          %swap3A_157 = arith.constant 16 : index
          %swap3A_158 = tpu.vector_load %arg14[%swap3A_157] {strides = array<i32>} : memref<48xi32, #tpu.memory_space<vmem>>, vector<16xi32>,
          tpu.vector_store %arg14[%swap3A_157], %select_n3A_131 {strides = array<i32>} : memref<48xi32, #tpu.memory_space<vmem>>, vector<16xi32>,
          %add3A_159 = vector.broadcast %select_n3A_146 : i32 to vector<16xi32>
          %add3A_160 = arith.addi %add3A_159, %masked_cumsum3A : vector<16xi32>
          %sub3A_161 = arith.constant 1 : i32
          %sub3A_162 = vector.broadcast %sub3A_161 : i32 to vector<16xi32>
          %sub3A_163 = arith.subi %add3A_160, %sub3A_162 : vector<16xi32>
          %swap3A_164 = arith.constant 32 : index
          %swap3A_165 = tpu.vector_load %arg14[%swap3A_164] {strides = array<i32>} : memref<48xi32, #tpu.memory_space<vmem>>, vector<16xi32>,
          tpu.vector_store %arg14[%swap3A_164], %sub3A_163 {strides = array<i32>} : memref<48xi32, #tpu.memory_space<vmem>>, vector<16xi32>,
          %while3A_166 = arith.constant 0 : i32
          %while3A_167 = arith.subi %squeeze3A, %while3A_166 : i32
          %while3A_168 = arith.addi %while3A_166, %while3A_167 : i32
          %while3A_169 = arith.constant 1 : i32
          %while3A_170 = arith.divsi %while3A_167, %while3A_169 : i32
          %while3A_171 = arith.muli %while3A_170, %while3A_169 : i32
          %while3A_172 = arith.addi %while3A_166, %while3A_171 : i32
          %while3A_173 = arith.constant 1 : i32
          %while3A_174 = scf.for %while3A_177 = %while3A_166 to %while3A_172 step %while3A_173 iter_args(%while3A_178 = %convert_element_type3A_137) -> (vector<16xi32>)  : i32 {
            %eq3A_179 = arith.constant 1 : i32
            %eq3A_180 = vector.broadcast %eq3A_179 : i32 to vector<16xi32>
            %eq3A_181 = arith.cmpi eq, %while3A_178, %eq3A_180 : vector<16xi32>
            %all_reduce_ffs3A = tpu.all_reduce %eq3A_181 {dim = 0 : i64, kind = #tpu.reduction_kind<find_first_set>} : vector<16xi1> -> vector<16xi32>
            %slice3A_182 = vector.extract_strided_slice %all_reduce_ffs3A {offsets = [0], sizes = [1], strides = [1]} : vector<16xi32> to vector<1xi32>
            %squeeze3A_183 = vector.extract %slice3A_182[0] : i32 from vector<1xi32>
            %add3A_184 = vector.broadcast %squeeze3A_183 : i32 to vector<16xi32>
            %add3A_185 = arith.addi %add3A_184, %add3A_13 : vector<16xi32>
            %gather3A_186 = tpu.vector_load_idx %arg14[%add3A_185] : memref<48xi32, #tpu.memory_space<vmem>>[vector<16xi32>], vector<16xi32>,
            %slice3A_187 = vector.extract_strided_slice %gather3A_186 {offsets = [0], sizes = [1], strides = [1]} : vector<16xi32> to vector<1xi32>
            %squeeze3A_188 = vector.extract %slice3A_187[0] : i32 from vector<1xi32>
            %slice3A_189 = vector.extract_strided_slice %gather3A_186 {offsets = [1], sizes = [1], strides = [1]} : vector<16xi32> to vector<1xi32>
            %squeeze3A_190 = vector.extract %slice3A_189[0] : i32 from vector<1xi32>
            %slice3A_191 = vector.extract_strided_slice %gather3A_186 {offsets = [2], sizes = [1], strides = [1]} : vector<16xi32> to vector<1xi32>
            %squeeze3A_192 = vector.extract %slice3A_191[0] : i32 from vector<1xi32>
            %lt3A_193 = arith.constant 976 : i32
            %lt3A_194 = arith.cmpi slt, %add3A_104, %lt3A_193 : i32
            %lt3A_195 = arith.constant 512 : i32
            %lt3A_196 = arith.cmpi slt, %squeeze3A_188, %lt3A_195 : i32
            %or3A = arith.ori %lt3A_194, %lt3A_196 : i1
            %convert_element_type3A_197 = arith.extui %or3A : i1 to i32
            %cond3A_198 = arith.constant 0 : i32
            %cond3A_199 = arith.cmpi ne, %convert_element_type3A_197, %cond3A_198 : i32
            scf.if %cond3A_199 {
              %broadcast_in_dim3A_210 = vector.broadcast %squeeze3A_188 : i32 to vector<16xi32>
              %gather3A_211 = arith.constant 0 : i32
              %gather3A_212 = arith.constant 0 : i32
              %gather3A_213 = tpu.memref_slice %arg12[%and3A_105, %gather3A_211, %gather3A_212] : memref<2x32x1024xf32, #tpu.memory_space<vmem>> -> memref<1x32x1024xf32, #tpu.memory_space<vmem>>
              %gather3A_214 = tpu.memref_squeeze %gather3A_213 : memref<1x32x1024xf32, #tpu.memory_space<vmem>> -> memref<32x1024xf32, #tpu.memory_space<vmem>>
              %gather3A_215 = tpu.vector_load_idx %gather3A_214[%iota3A, %broadcast_in_dim3A_210] : memref<32x1024xf32, #tpu.memory_space<vmem>>[vector<16xi32>, vector<16xi32>], vector<16xf32>,
              %add3A_216 = arith.constant 16 : i32
              %add3A_217 = vector.broadcast %add3A_216 : i32 to vector<16xi32>
              %add3A_218 = arith.addi %iota3A, %add3A_217 : vector<16xi32>
              %gather3A_219 = arith.constant 0 : i32
              %gather3A_220 = arith.constant 0 : i32
              %gather3A_221 = tpu.memref_slice %arg12[%and3A_105, %gather3A_219, %gather3A_220] : memref<2x32x1024xf32, #tpu.memory_space<vmem>> -> memref<1x32x1024xf32, #tpu.memory_space<vmem>>
              %gather3A_222 = tpu.memref_squeeze %gather3A_221 : memref<1x32x1024xf32, #tpu.memory_space<vmem>> -> memref<32x1024xf32, #tpu.memory_space<vmem>>
              %gather3A_223 = tpu.vector_load_idx %gather3A_222[%add3A_218, %broadcast_in_dim3A_210] : memref<32x1024xf32, #tpu.memory_space<vmem>>[vector<16xi32>, vector<16xi32>], vector<16xf32>,
              %swap3A_224 = arith.constant 0 : i32
              %swap3A_225 = tpu.memref_slice %arg13[%squeeze3A_192, %swap3A_224] : memref<64x32xf32, #tpu.memory_space<vmem>> -> memref<1x32xf32, #tpu.memory_space<vmem>>
              %swap3A_226 = tpu.memref_squeeze %swap3A_225 : memref<1x32xf32, #tpu.memory_space<vmem>> -> memref<32xf32, #tpu.memory_space<vmem>>
              %swap3A_227 = arith.constant 0 : index
              %swap3A_228 = tpu.vector_load %swap3A_226[%swap3A_227] {strides = array<i32>} : memref<32xf32, #tpu.memory_space<vmem>>, vector<16xf32>,
              tpu.vector_store %swap3A_226[%swap3A_227], %gather3A_215 {strides = array<i32>} : memref<32xf32, #tpu.memory_space<vmem>>, vector<16xf32>,
              %swap3A_229 = arith.constant 0 : i32
              %swap3A_230 = tpu.memref_slice %arg13[%squeeze3A_192, %swap3A_229] : memref<64x32xf32, #tpu.memory_space<vmem>> -> memref<1x32xf32, #tpu.memory_space<vmem>>
              %swap3A_231 = tpu.memref_squeeze %swap3A_230 : memref<1x32xf32, #tpu.memory_space<vmem>> -> memref<32xf32, #tpu.memory_space<vmem>>
              %swap3A_232 = arith.constant 16 : index
              %swap3A_233 = tpu.vector_load %swap3A_231[%swap3A_232] {strides = array<i32>} : memref<32xf32, #tpu.memory_space<vmem>>, vector<16xf32>,
              tpu.vector_store %swap3A_231[%swap3A_232], %gather3A_223 {strides = array<i32>} : memref<32xf32, #tpu.memory_space<vmem>>, vector<16xf32>,
              %dma_start3A_234 = arith.constant 0 : i32
              %dma_start3A_235 = tpu.memref_slice %arg13[%squeeze3A_192, %dma_start3A_234] : memref<64x32xf32, #tpu.memory_space<vmem>> -> memref<1x32xf32, #tpu.memory_space<vmem>>
              %dma_start3A_236 = arith.constant 0 : i32
              %dma_start3A_237 = tpu.memref_slice %arg9[%squeeze3A_190, %dma_start3A_236] : memref<16384x32xf32, #tpu.memory_space<hbm>> -> memref<1x32xf32, #tpu.memory_space<hbm>>
              %dma_start3A_238 = arith.constant 0 : i32
              %dma_start3A_239 = tpu.memref_slice %arg9[%squeeze3A_190, %dma_start3A_238] : memref<16384x32xf32, #tpu.memory_space<hbm>> -> memref<1x32xf32, #tpu.memory_space<hbm>>
              %dma_start3A_240 = arith.constant 0 : i32
              %dma_start3A_241 = tpu.memref_slice %arg13[%squeeze3A_192, %dma_start3A_240] : memref<64x32xf32, #tpu.memory_space<vmem>> -> memref<1x32xf32, #tpu.memory_space<vmem>>
              tpu.enqueue_dma source(%dma_start3A_241 : memref<1x32xf32, #tpu.memory_space<vmem>>) target(%dma_start3A_239 : memref<1x32xf32, #tpu.memory_space<hbm>>) target_semaphore(%arg16 : memref<!tpu.dma_semaphore, #tpu.memory_space<semaphore_mem>>)
            } else {
            }
            %eq3A_200 = arith.constant 976 : i32
            %eq3A_201 = arith.cmpi eq, %add3A_104, %eq3A_200 : i32
            %ge3A = arith.constant 512 : i32
            %ge3A_202 = arith.cmpi sge, %squeeze3A_188, %ge3A : i32
            %and3A_203 = arith.andi %eq3A_201, %ge3A_202 : i1
            %convert_element_type3A_204 = arith.extui %and3A_203 : i1 to i32
            %cond3A_205 = arith.constant 0 : i32
            %cond3A_206 = arith.cmpi ne, %convert_element_type3A_204, %cond3A_205 : i32
            scf.if %cond3A_206 {
              %sub3A_210 = arith.constant 512 : i32
              %sub3A_211 = arith.subi %squeeze3A_188, %sub3A_210 : i32
              %dma_start3A_212 = arith.constant 0 : i32
              %dma_start3A_213 = tpu.memref_slice %arg13[%squeeze3A_192, %dma_start3A_212] : memref<64x32xf32, #tpu.memory_space<vmem>> -> memref<1x32xf32, #tpu.memory_space<vmem>>
              %dma_start3A_214 = arith.constant 0 : i32
              %dma_start3A_215 = tpu.memref_slice %arg7[%sub3A_211, %dma_start3A_214] : memref<64x32xf32, #tpu.memory_space<hbm>> -> memref<1x32xf32, #tpu.memory_space<hbm>>
              %dma_start3A_216 = arith.constant 0 : i32
              %dma_start3A_217 = tpu.memref_slice %arg13[%squeeze3A_192, %dma_start3A_216] : memref<64x32xf32, #tpu.memory_space<vmem>> -> memref<1x32xf32, #tpu.memory_space<vmem>>
              %dma_start3A_218 = arith.constant 0 : i32
              %dma_start3A_219 = tpu.memref_slice %arg7[%sub3A_211, %dma_start3A_218] : memref<64x32xf32, #tpu.memory_space<hbm>> -> memref<1x32xf32, #tpu.memory_space<hbm>>
              tpu.enqueue_dma source(%dma_start3A_219 : memref<1x32xf32, #tpu.memory_space<hbm>>) target(%dma_start3A_217 : memref<1x32xf32, #tpu.memory_space<vmem>>) target_semaphore(%arg15 : memref<!tpu.dma_semaphore, #tpu.memory_space<semaphore_mem>>)
              %dma_wait3A = arith.constant 0 : i32
              %dma_wait3A_220 = tpu.memref_slice %arg13[%squeeze3A_192, %dma_wait3A] : memref<64x32xf32, #tpu.memory_space<vmem>> -> memref<1x32xf32, #tpu.memory_space<vmem>>
              %dma_wait3A_221 = arith.constant 0 : i32
              %dma_wait3A_222 = tpu.memref_slice %arg7[%sub3A_211, %dma_wait3A_221] : memref<64x32xf32, #tpu.memory_space<hbm>> -> memref<1x32xf32, #tpu.memory_space<hbm>>
              %dma_wait3A_223 = arith.constant 0 : i32
              %dma_wait3A_224 = tpu.memref_slice %arg13[%squeeze3A_192, %dma_wait3A_223] : memref<64x32xf32, #tpu.memory_space<vmem>> -> memref<1x32xf32, #tpu.memory_space<vmem>>
              %dma_wait3A_225 = arith.constant 0 : i32
              %dma_wait3A_226 = tpu.memref_slice %arg7[%sub3A_211, %dma_wait3A_225] : memref<64x32xf32, #tpu.memory_space<hbm>> -> memref<1x32xf32, #tpu.memory_space<hbm>>
              tpu.wait_dma2 semaphore(%arg15 : memref<!tpu.dma_semaphore, #tpu.memory_space<semaphore_mem>>) src(%dma_wait3A_226 : memref<1x32xf32, #tpu.memory_space<hbm>>) dst(%dma_wait3A_224 : memref<1x32xf32, #tpu.memory_space<vmem>>)
              %dma_start3A_227 = arith.constant 0 : i32
              %dma_start3A_228 = tpu.memref_slice %arg13[%squeeze3A_192, %dma_start3A_227] : memref<64x32xf32, #tpu.memory_space<vmem>> -> memref<1x32xf32, #tpu.memory_space<vmem>>
              %dma_start3A_229 = arith.constant 0 : i32
              %dma_start3A_230 = tpu.memref_slice %arg9[%squeeze3A_190, %dma_start3A_229] : memref<16384x32xf32, #tpu.memory_space<hbm>> -> memref<1x32xf32, #tpu.memory_space<hbm>>
              %dma_start3A_231 = arith.constant 0 : i32
              %dma_start3A_232 = tpu.memref_slice %arg9[%squeeze3A_190, %dma_start3A_231] : memref<16384x32xf32, #tpu.memory_space<hbm>> -> memref<1x32xf32, #tpu.memory_space<hbm>>
              %dma_start3A_233 = arith.constant 0 : i32
              %dma_start3A_234 = tpu.memref_slice %arg13[%squeeze3A_192, %dma_start3A_233] : memref<64x32xf32, #tpu.memory_space<vmem>> -> memref<1x32xf32, #tpu.memory_space<vmem>>
              tpu.enqueue_dma source(%dma_start3A_234 : memref<1x32xf32, #tpu.memory_space<vmem>>) target(%dma_start3A_232 : memref<1x32xf32, #tpu.memory_space<hbm>>) target_semaphore(%arg16 : memref<!tpu.dma_semaphore, #tpu.memory_space<semaphore_mem>>)
            } else {
            }
            %ne3A = vector.broadcast %squeeze3A_183 : i32 to vector<16xi32>
            %ne3A_207 = arith.cmpi ne, %iota3A, %ne3A : vector<16xi32>
            %convert_element_type3A_208 = arith.extui %ne3A_207 : vector<16xi1> to vector<16xi32>
            %and3A_209 = arith.andi %while3A_178, %convert_element_type3A_208 : vector<16xi32>
            scf.yield %and3A_209 : vector<16xi32>
          }
          %while3A_175 = arith.constant 1 : i32
          %while3A_176 = scf.for %while3A_177 = %while3A_172 to %while3A_168 step %while3A_175 iter_args(%while3A_178 = %while3A_174) -> (vector<16xi32>)  : i32 {
            %eq3A_179 = arith.constant 1 : i32
            %eq3A_180 = vector.broadcast %eq3A_179 : i32 to vector<16xi32>
            %eq3A_181 = arith.cmpi eq, %while3A_178, %eq3A_180 : vector<16xi32>
            %all_reduce_ffs3A = tpu.all_reduce %eq3A_181 {dim = 0 : i64, kind = #tpu.reduction_kind<find_first_set>} : vector<16xi1> -> vector<16xi32>
            %slice3A_182 = vector.extract_strided_slice %all_reduce_ffs3A {offsets = [0], sizes = [1], strides = [1]} : vector<16xi32> to vector<1xi32>
            %squeeze3A_183 = vector.extract %slice3A_182[0] : i32 from vector<1xi32>
            %add3A_184 = vector.broadcast %squeeze3A_183 : i32 to vector<16xi32>
            %add3A_185 = arith.addi %add3A_184, %add3A_13 : vector<16xi32>
            %gather3A_186 = tpu.vector_load_idx %arg14[%add3A_185] : memref<48xi32, #tpu.memory_space<vmem>>[vector<16xi32>], vector<16xi32>,
            %slice3A_187 = vector.extract_strided_slice %gather3A_186 {offsets = [0], sizes = [1], strides = [1]} : vector<16xi32> to vector<1xi32>
            %squeeze3A_188 = vector.extract %slice3A_187[0] : i32 from vector<1xi32>
            %slice3A_189 = vector.extract_strided_slice %gather3A_186 {offsets = [1], sizes = [1], strides = [1]} : vector<16xi32> to vector<1xi32>
            %squeeze3A_190 = vector.extract %slice3A_189[0] : i32 from vector<1xi32>
            %slice3A_191 = vector.extract_strided_slice %gather3A_186 {offsets = [2], sizes = [1], strides = [1]} : vector<16xi32> to vector<1xi32>
            %squeeze3A_192 = vector.extract %slice3A_191[0] : i32 from vector<1xi32>
            %lt3A_193 = arith.constant 976 : i32
            %lt3A_194 = arith.cmpi slt, %add3A_104, %lt3A_193 : i32
            %lt3A_195 = arith.constant 512 : i32
            %lt3A_196 = arith.cmpi slt, %squeeze3A_188, %lt3A_195 : i32
            %or3A = arith.ori %lt3A_194, %lt3A_196 : i1
            %convert_element_type3A_197 = arith.extui %or3A : i1 to i32
            %cond3A_198 = arith.constant 0 : i32
            %cond3A_199 = arith.cmpi ne, %convert_element_type3A_197, %cond3A_198 : i32
            scf.if %cond3A_199 {
              %broadcast_in_dim3A_210 = vector.broadcast %squeeze3A_188 : i32 to vector<16xi32>
              %gather3A_211 = arith.constant 0 : i32
              %gather3A_212 = arith.constant 0 : i32
              %gather3A_213 = tpu.memref_slice %arg12[%and3A_105, %gather3A_211, %gather3A_212] : memref<2x32x1024xf32, #tpu.memory_space<vmem>> -> memref<1x32x1024xf32, #tpu.memory_space<vmem>>
              %gather3A_214 = tpu.memref_squeeze %gather3A_213 : memref<1x32x1024xf32, #tpu.memory_space<vmem>> -> memref<32x1024xf32, #tpu.memory_space<vmem>>
              %gather3A_215 = tpu.vector_load_idx %gather3A_214[%iota3A, %broadcast_in_dim3A_210] : memref<32x1024xf32, #tpu.memory_space<vmem>>[vector<16xi32>, vector<16xi32>], vector<16xf32>,
              %add3A_216 = arith.constant 16 : i32
              %add3A_217 = vector.broadcast %add3A_216 : i32 to vector<16xi32>
              %add3A_218 = arith.addi %iota3A, %add3A_217 : vector<16xi32>
              %gather3A_219 = arith.constant 0 : i32
              %gather3A_220 = arith.constant 0 : i32
              %gather3A_221 = tpu.memref_slice %arg12[%and3A_105, %gather3A_219, %gather3A_220] : memref<2x32x1024xf32, #tpu.memory_space<vmem>> -> memref<1x32x1024xf32, #tpu.memory_space<vmem>>
              %gather3A_222 = tpu.memref_squeeze %gather3A_221 : memref<1x32x1024xf32, #tpu.memory_space<vmem>> -> memref<32x1024xf32, #tpu.memory_space<vmem>>
              %gather3A_223 = tpu.vector_load_idx %gather3A_222[%add3A_218, %broadcast_in_dim3A_210] : memref<32x1024xf32, #tpu.memory_space<vmem>>[vector<16xi32>, vector<16xi32>], vector<16xf32>,
              %swap3A_224 = arith.constant 0 : i32
              %swap3A_225 = tpu.memref_slice %arg13[%squeeze3A_192, %swap3A_224] : memref<64x32xf32, #tpu.memory_space<vmem>> -> memref<1x32xf32, #tpu.memory_space<vmem>>
              %swap3A_226 = tpu.memref_squeeze %swap3A_225 : memref<1x32xf32, #tpu.memory_space<vmem>> -> memref<32xf32, #tpu.memory_space<vmem>>
              %swap3A_227 = arith.constant 0 : index
              %swap3A_228 = tpu.vector_load %swap3A_226[%swap3A_227] {strides = array<i32>} : memref<32xf32, #tpu.memory_space<vmem>>, vector<16xf32>,
              tpu.vector_store %swap3A_226[%swap3A_227], %gather3A_215 {strides = array<i32>} : memref<32xf32, #tpu.memory_space<vmem>>, vector<16xf32>,
              %swap3A_229 = arith.constant 0 : i32
              %swap3A_230 = tpu.memref_slice %arg13[%squeeze3A_192, %swap3A_229] : memref<64x32xf32, #tpu.memory_space<vmem>> -> memref<1x32xf32, #tpu.memory_space<vmem>>
              %swap3A_231 = tpu.memref_squeeze %swap3A_230 : memref<1x32xf32, #tpu.memory_space<vmem>> -> memref<32xf32, #tpu.memory_space<vmem>>
              %swap3A_232 = arith.constant 16 : index
              %swap3A_233 = tpu.vector_load %swap3A_231[%swap3A_232] {strides = array<i32>} : memref<32xf32, #tpu.memory_space<vmem>>, vector<16xf32>,
              tpu.vector_store %swap3A_231[%swap3A_232], %gather3A_223 {strides = array<i32>} : memref<32xf32, #tpu.memory_space<vmem>>, vector<16xf32>,
              %dma_start3A_234 = arith.constant 0 : i32
              %dma_start3A_235 = tpu.memref_slice %arg13[%squeeze3A_192, %dma_start3A_234] : memref<64x32xf32, #tpu.memory_space<vmem>> -> memref<1x32xf32, #tpu.memory_space<vmem>>
              %dma_start3A_236 = arith.constant 0 : i32
              %dma_start3A_237 = tpu.memref_slice %arg9[%squeeze3A_190, %dma_start3A_236] : memref<16384x32xf32, #tpu.memory_space<hbm>> -> memref<1x32xf32, #tpu.memory_space<hbm>>
              %dma_start3A_238 = arith.constant 0 : i32
              %dma_start3A_239 = tpu.memref_slice %arg9[%squeeze3A_190, %dma_start3A_238] : memref<16384x32xf32, #tpu.memory_space<hbm>> -> memref<1x32xf32, #tpu.memory_space<hbm>>
              %dma_start3A_240 = arith.constant 0 : i32
              %dma_start3A_241 = tpu.memref_slice %arg13[%squeeze3A_192, %dma_start3A_240] : memref<64x32xf32, #tpu.memory_space<vmem>> -> memref<1x32xf32, #tpu.memory_space<vmem>>
              tpu.enqueue_dma source(%dma_start3A_241 : memref<1x32xf32, #tpu.memory_space<vmem>>) target(%dma_start3A_239 : memref<1x32xf32, #tpu.memory_space<hbm>>) target_semaphore(%arg16 : memref<!tpu.dma_semaphore, #tpu.memory_space<semaphore_mem>>)
            } else {
            }
            %eq3A_200 = arith.constant 976 : i32
            %eq3A_201 = arith.cmpi eq, %add3A_104, %eq3A_200 : i32
            %ge3A = arith.constant 512 : i32
            %ge3A_202 = arith.cmpi sge, %squeeze3A_188, %ge3A : i32
            %and3A_203 = arith.andi %eq3A_201, %ge3A_202 : i1
            %convert_element_type3A_204 = arith.extui %and3A_203 : i1 to i32
            %cond3A_205 = arith.constant 0 : i32
            %cond3A_206 = arith.cmpi ne, %convert_element_type3A_204, %cond3A_205 : i32
            scf.if %cond3A_206 {
              %sub3A_210 = arith.constant 512 : i32
              %sub3A_211 = arith.subi %squeeze3A_188, %sub3A_210 : i32
              %dma_start3A_212 = arith.constant 0 : i32
              %dma_start3A_213 = tpu.memref_slice %arg13[%squeeze3A_192, %dma_start3A_212] : memref<64x32xf32, #tpu.memory_space<vmem>> -> memref<1x32xf32, #tpu.memory_space<vmem>>
              %dma_start3A_214 = arith.constant 0 : i32
              %dma_start3A_215 = tpu.memref_slice %arg7[%sub3A_211, %dma_start3A_214] : memref<64x32xf32, #tpu.memory_space<hbm>> -> memref<1x32xf32, #tpu.memory_space<hbm>>
              %dma_start3A_216 = arith.constant 0 : i32
              %dma_start3A_217 = tpu.memref_slice %arg13[%squeeze3A_192, %dma_start3A_216] : memref<64x32xf32, #tpu.memory_space<vmem>> -> memref<1x32xf32, #tpu.memory_space<vmem>>
              %dma_start3A_218 = arith.constant 0 : i32
              %dma_start3A_219 = tpu.memref_slice %arg7[%sub3A_211, %dma_start3A_218] : memref<64x32xf32, #tpu.memory_space<hbm>> -> memref<1x32xf32, #tpu.memory_space<hbm>>
              tpu.enqueue_dma source(%dma_start3A_219 : memref<1x32xf32, #tpu.memory_space<hbm>>) target(%dma_start3A_217 : memref<1x32xf32, #tpu.memory_space<vmem>>) target_semaphore(%arg15 : memref<!tpu.dma_semaphore, #tpu.memory_space<semaphore_mem>>)
              %dma_wait3A = arith.constant 0 : i32
              %dma_wait3A_220 = tpu.memref_slice %arg13[%squeeze3A_192, %dma_wait3A] : memref<64x32xf32, #tpu.memory_space<vmem>> -> memref<1x32xf32, #tpu.memory_space<vmem>>
              %dma_wait3A_221 = arith.constant 0 : i32
              %dma_wait3A_222 = tpu.memref_slice %arg7[%sub3A_211, %dma_wait3A_221] : memref<64x32xf32, #tpu.memory_space<hbm>> -> memref<1x32xf32, #tpu.memory_space<hbm>>
              %dma_wait3A_223 = arith.constant 0 : i32
              %dma_wait3A_224 = tpu.memref_slice %arg13[%squeeze3A_192, %dma_wait3A_223] : memref<64x32xf32, #tpu.memory_space<vmem>> -> memref<1x32xf32, #tpu.memory_space<vmem>>
              %dma_wait3A_225 = arith.constant 0 : i32
              %dma_wait3A_226 = tpu.memref_slice %arg7[%sub3A_211, %dma_wait3A_225] : memref<64x32xf32, #tpu.memory_space<hbm>> -> memref<1x32xf32, #tpu.memory_space<hbm>>
              tpu.wait_dma2 semaphore(%arg15 : memref<!tpu.dma_semaphore, #tpu.memory_space<semaphore_mem>>) src(%dma_wait3A_226 : memref<1x32xf32, #tpu.memory_space<hbm>>) dst(%dma_wait3A_224 : memref<1x32xf32, #tpu.memory_space<vmem>>)
              %dma_start3A_227 = arith.constant 0 : i32
              %dma_start3A_228 = tpu.memref_slice %arg13[%squeeze3A_192, %dma_start3A_227] : memref<64x32xf32, #tpu.memory_space<vmem>> -> memref<1x32xf32, #tpu.memory_space<vmem>>
              %dma_start3A_229 = arith.constant 0 : i32
              %dma_start3A_230 = tpu.memref_slice %arg9[%squeeze3A_190, %dma_start3A_229] : memref<16384x32xf32, #tpu.memory_space<hbm>> -> memref<1x32xf32, #tpu.memory_space<hbm>>
              %dma_start3A_231 = arith.constant 0 : i32
              %dma_start3A_232 = tpu.memref_slice %arg9[%squeeze3A_190, %dma_start3A_231] : memref<16384x32xf32, #tpu.memory_space<hbm>> -> memref<1x32xf32, #tpu.memory_space<hbm>>
              %dma_start3A_233 = arith.constant 0 : i32
              %dma_start3A_234 = tpu.memref_slice %arg13[%squeeze3A_192, %dma_start3A_233] : memref<64x32xf32, #tpu.memory_space<vmem>> -> memref<1x32xf32, #tpu.memory_space<vmem>>
              tpu.enqueue_dma source(%dma_start3A_234 : memref<1x32xf32, #tpu.memory_space<vmem>>) target(%dma_start3A_232 : memref<1x32xf32, #tpu.memory_space<hbm>>) target_semaphore(%arg16 : memref<!tpu.dma_semaphore, #tpu.memory_space<semaphore_mem>>)
            } else {
            }
            %ne3A = vector.broadcast %squeeze3A_183 : i32 to vector<16xi32>
            %ne3A_207 = arith.cmpi ne, %iota3A, %ne3A : vector<16xi32>
            %convert_element_type3A_208 = arith.extui %ne3A_207 : vector<16xi1> to vector<16xi32>
            %and3A_209 = arith.andi %while3A_178, %convert_element_type3A_208 : vector<16xi32>
            scf.yield %and3A_209 : vector<16xi32>
          }
        } else {
        }
        %add3A_152 = arith.addi %select_n3A_146, %squeeze3A : i32
        scf.yield %add3A_152 : i32
      }
      scf.yield %while3A_121 : i32
    }
    %scan3A_87 = arith.constant 31 : i32
    %while3A_88 = arith.constant 0 : i32
    %while3A_89 = arith.constant 0 : i32
    %while3A_90 = arith.subi %scan3A_86, %while3A_88 : i32
    %while3A_91 = arith.addi %while3A_88, %while3A_90 : i32
    %while3A_92 = arith.constant 1 : i32
    %while3A_93 = arith.divsi %while3A_90, %while3A_92 : i32
    %while3A_94 = arith.muli %while3A_93, %while3A_92 : i32
    %while3A_95 = arith.addi %while3A_88, %while3A_94 : i32
    %while3A_96 = arith.constant 1 : i32
    %while3A_97 = scf.for %while3A_100 = %while3A_88 to %while3A_95 step %while3A_96 iter_args(%while3A_101 = %while3A_89) -> (i32)  : i32 {
      %dma_wait3A = arith.constant 0 : i32
      %dma_wait3A_102 = arith.constant 0 : i32
      %dma_wait3A_103 = tpu.memref_slice %arg13[%dma_wait3A, %dma_wait3A_102] : memref<64x32xf32, #tpu.memory_space<vmem>> -> memref<1x32xf32, #tpu.memory_space<vmem>>
      %dma_wait3A_104 = arith.constant 0 : i32
      %dma_wait3A_105 = arith.constant 0 : i32
      %dma_wait3A_106 = tpu.memref_slice %arg9[%dma_wait3A_104, %dma_wait3A_105] : memref<16384x32xf32, #tpu.memory_space<hbm>> -> memref<1x32xf32, #tpu.memory_space<hbm>>
      %dma_wait3A_107 = arith.constant 0 : i32
      %dma_wait3A_108 = arith.constant 0 : i32
      %dma_wait3A_109 = tpu.memref_slice %arg9[%dma_wait3A_107, %dma_wait3A_108] : memref<16384x32xf32, #tpu.memory_space<hbm>> -> memref<1x32xf32, #tpu.memory_space<hbm>>
      %dma_wait3A_110 = arith.constant 0 : i32
      %dma_wait3A_111 = arith.constant 0 : i32
      %dma_wait3A_112 = tpu.memref_slice %arg13[%dma_wait3A_110, %dma_wait3A_111] : memref<64x32xf32, #tpu.memory_space<vmem>> -> memref<1x32xf32, #tpu.memory_space<vmem>>
      tpu.wait_dma2 semaphore(%arg16 : memref<!tpu.dma_semaphore, #tpu.memory_space<semaphore_mem>>) src(%dma_wait3A_112 : memref<1x32xf32, #tpu.memory_space<vmem>>) dst(%dma_wait3A_109 : memref<1x32xf32, #tpu.memory_space<hbm>>)
      %while3A_113 = arith.constant 0 : i32
      scf.yield %while3A_113 : i32
    }
    %while3A_98 = arith.constant 1 : i32
    %while3A_99 = scf.for %while3A_100 = %while3A_95 to %while3A_91 step %while3A_98 iter_args(%while3A_101 = %while3A_97) -> (i32)  : i32 {
      %dma_wait3A = arith.constant 0 : i32
      %dma_wait3A_102 = arith.constant 0 : i32
      %dma_wait3A_103 = tpu.memref_slice %arg13[%dma_wait3A, %dma_wait3A_102] : memref<64x32xf32, #tpu.memory_space<vmem>> -> memref<1x32xf32, #tpu.memory_space<vmem>>
      %dma_wait3A_104 = arith.constant 0 : i32
      %dma_wait3A_105 = arith.constant 0 : i32
      %dma_wait3A_106 = tpu.memref_slice %arg9[%dma_wait3A_104, %dma_wait3A_105] : memref<16384x32xf32, #tpu.memory_space<hbm>> -> memref<1x32xf32, #tpu.memory_space<hbm>>
      %dma_wait3A_107 = arith.constant 0 : i32
      %dma_wait3A_108 = arith.constant 0 : i32
      %dma_wait3A_109 = tpu.memref_slice %arg9[%dma_wait3A_107, %dma_wait3A_108] : memref<16384x32xf32, #tpu.memory_space<hbm>> -> memref<1x32xf32, #tpu.memory_space<hbm>>
      %dma_wait3A_110 = arith.constant 0 : i32
      %dma_wait3A_111 = arith.constant 0 : i32
      %dma_wait3A_112 = tpu.memref_slice %arg13[%dma_wait3A_110, %dma_wait3A_111] : memref<64x32xf32, #tpu.memory_space<vmem>> -> memref<1x32xf32, #tpu.memory_space<vmem>>
      tpu.wait_dma2 semaphore(%arg16 : memref<!tpu.dma_semaphore, #tpu.memory_space<semaphore_mem>>) src(%dma_wait3A_112 : memref<1x32xf32, #tpu.memory_space<vmem>>) dst(%dma_wait3A_109 : memref<1x32xf32, #tpu.memory_space<hbm>>)
      %while3A_113 = arith.constant 0 : i32
      scf.yield %while3A_113 : i32
    }
    return
  }
}

module attributes {stable_mosaic.version = 14 : i64} {
  func.func @_mlp_body(%arg0: memref<16384x32xf32, #tpu.memory_space<vmem>>, %arg1: memref<16384x32xf32, #tpu.memory_space<vmem>>, %arg2: memref<32x32xf32, #tpu.memory_space<vmem>>, %arg3: memref<32x32xf32, #tpu.memory_space<vmem>>, %arg4: memref<1x32xf32, #tpu.memory_space<vmem>>, %arg5: memref<1x32xf32, #tpu.memory_space<vmem>>, %arg6: memref<1x32xf32, #tpu.memory_space<vmem>>, %arg7: memref<32x16xf32, #tpu.memory_space<vmem>>, %arg8: memref<1x16xf32, #tpu.memory_space<vmem>>, %arg9: memref<1x16xf32, #tpu.memory_space<vmem>>, %arg10: memref<1x16xf32, #tpu.memory_space<vmem>>, %arg11: memref<16x1xf32, #tpu.memory_space<vmem>>, %arg12: memref<16384x1xf32, #tpu.memory_space<vmem>>) attributes {dimension_semantics = [], scalar_prefetch = 0 : i64, scratch_operands = 0 : i64, tpu.core_type = #tpu.core_type<tc>} {
    %get3A = arith.constant 0 : index
    %get3A_0 = arith.constant 0 : index
    %get3A_1 = vector.load %arg0[%get3A, %get3A_0] : memref<16384x32xf32, #tpu.memory_space<vmem>>, vector<16384x32xf32>
    %get3A_2 = arith.constant 0 : index
    %get3A_3 = arith.constant 0 : index
    %get3A_4 = vector.load %arg2[%get3A_2, %get3A_3] : memref<32x32xf32, #tpu.memory_space<vmem>>, vector<32x32xf32>
    %dot_general3A = arith.constant dense<0.000000e+00> : vector<16384x32xf32>
    %dot_general3A_5 = tpu.matmul %get3A_1, %get3A_4, %dot_general3A {dimension_numbers = #tpu.dot_dimension_numbers<[1], [0], [0], [1], [0, 0, 1, 1], [], []>, transpose_lhs_hint = false} : vector<16384x32xf32>, vector<32x32xf32>, vector<16384x32xf32> -> vector<16384x32xf32>
    %get3A_6 = arith.constant 0 : index
    %get3A_7 = arith.constant 0 : index
    %get3A_8 = vector.load %arg1[%get3A_6, %get3A_7] : memref<16384x32xf32, #tpu.memory_space<vmem>>, vector<16384x32xf32>
    %get3A_9 = arith.constant 0 : index
    %get3A_10 = arith.constant 0 : index
    %get3A_11 = vector.load %arg3[%get3A_9, %get3A_10] : memref<32x32xf32, #tpu.memory_space<vmem>>, vector<32x32xf32>
    %dot_general3A_12 = arith.constant dense<0.000000e+00> : vector<16384x32xf32>
    %dot_general3A_13 = tpu.matmul %get3A_8, %get3A_11, %dot_general3A_12 {dimension_numbers = #tpu.dot_dimension_numbers<[1], [0], [0], [1], [0, 0, 1, 1], [], []>, transpose_lhs_hint = false} : vector<16384x32xf32>, vector<32x32xf32>, vector<16384x32xf32> -> vector<16384x32xf32>
    %add3A = arith.addf %dot_general3A_5, %dot_general3A_13 : vector<16384x32xf32>
    %get3A_14 = arith.constant 0 : index
    %get3A_15 = arith.constant 0 : index
    %get3A_16 = vector.load %arg4[%get3A_14, %get3A_15] : memref<1x32xf32, #tpu.memory_space<vmem>>, vector<1x32xf32>
    %add3A_17 = vector.broadcast %get3A_16 : vector<1x32xf32> to vector<16384x32xf32>
    %add3A_18 = arith.addf %add3A, %add3A_17 : vector<16384x32xf32>
    %max3A = arith.constant 0.000000e+00 : f32
    %max3A_19 = vector.broadcast %max3A : f32 to vector<16384x32xf32>
    %max3A_20 = arith.maximumf %add3A_18, %max3A_19 : vector<16384x32xf32>
    %get3A_21 = arith.constant 0 : index
    %get3A_22 = arith.constant 0 : index
    %get3A_23 = vector.load %arg5[%get3A_21, %get3A_22] : memref<1x32xf32, #tpu.memory_space<vmem>>, vector<1x32xf32>
    %get3A_24 = arith.constant 0 : index
    %get3A_25 = arith.constant 0 : index
    %get3A_26 = vector.load %arg6[%get3A_24, %get3A_25] : memref<1x32xf32, #tpu.memory_space<vmem>>, vector<1x32xf32>
    %reduce_sum3A = arith.constant dense<0.000000e+00> : vector<32xf32>
    %reduce_sum3A_27 = vector.multi_reduction <add>, %max3A_20, %reduce_sum3A [0] : vector<16384x32xf32> to vector<32xf32>
    %broadcast_in_dim3A = vector.shape_cast %reduce_sum3A_27 : vector<32xf32> to vector<1x32xf32>
    %div3A = arith.constant 1.638400e+04 : f32
    %div3A_28 = vector.broadcast %div3A : f32 to vector<1x32xf32>
    %div3A_29 = arith.divf %broadcast_in_dim3A, %div3A_28 : vector<1x32xf32>
    %sub3A = vector.broadcast %div3A_29 : vector<1x32xf32> to vector<16384x32xf32>
    %sub3A_30 = arith.subf %max3A_20, %sub3A : vector<16384x32xf32>
    %integer_pow3A = arith.mulf %sub3A_30, %sub3A_30 : vector<16384x32xf32>
    %reduce_sum3A_31 = arith.constant dense<0.000000e+00> : vector<32xf32>
    %reduce_sum3A_32 = vector.multi_reduction <add>, %integer_pow3A, %reduce_sum3A_31 [0] : vector<16384x32xf32> to vector<32xf32>
    %broadcast_in_dim3A_33 = vector.shape_cast %reduce_sum3A_32 : vector<32xf32> to vector<1x32xf32>
    %div3A_34 = arith.constant 1.638400e+04 : f32
    %div3A_35 = vector.broadcast %div3A_34 : f32 to vector<1x32xf32>
    %div3A_36 = arith.divf %broadcast_in_dim3A_33, %div3A_35 : vector<1x32xf32>
    %sub3A_37 = vector.broadcast %div3A_29 : vector<1x32xf32> to vector<16384x32xf32>
    %sub3A_38 = arith.subf %max3A_20, %sub3A_37 : vector<16384x32xf32>
    %add3A_39 = arith.constant 9.99999974E-6 : f32
    %add3A_40 = vector.broadcast %add3A_39 : f32 to vector<1x32xf32>
    %add3A_41 = arith.addf %div3A_36, %add3A_40 : vector<1x32xf32>
    %rsqrt3A = math.rsqrt %add3A_41 : vector<1x32xf32>
    %mul3A = vector.broadcast %rsqrt3A : vector<1x32xf32> to vector<16384x32xf32>
    %mul3A_42 = arith.mulf %sub3A_38, %mul3A : vector<16384x32xf32>
    %mul3A_43 = vector.broadcast %get3A_23 : vector<1x32xf32> to vector<16384x32xf32>
    %mul3A_44 = arith.mulf %mul3A_42, %mul3A_43 : vector<16384x32xf32>
    %add3A_45 = vector.broadcast %get3A_26 : vector<1x32xf32> to vector<16384x32xf32>
    %add3A_46 = arith.addf %mul3A_44, %add3A_45 : vector<16384x32xf32>
    %get3A_47 = arith.constant 0 : index
    %get3A_48 = arith.constant 0 : index
    %get3A_49 = vector.load %arg7[%get3A_47, %get3A_48] : memref<32x16xf32, #tpu.memory_space<vmem>>, vector<32x16xf32>
    %dot_general3A_50 = arith.constant dense<0.000000e+00> : vector<16384x16xf32>
    %dot_general3A_51 = tpu.matmul %add3A_46, %get3A_49, %dot_general3A_50 {dimension_numbers = #tpu.dot_dimension_numbers<[1], [0], [0], [1], [0, 0, 1, 1], [], []>, transpose_lhs_hint = false} : vector<16384x32xf32>, vector<32x16xf32>, vector<16384x16xf32> -> vector<16384x16xf32>
    %get3A_52 = arith.constant 0 : index
    %get3A_53 = arith.constant 0 : index
    %get3A_54 = vector.load %arg8[%get3A_52, %get3A_53] : memref<1x16xf32, #tpu.memory_space<vmem>>, vector<1x16xf32>
    %add3A_55 = vector.broadcast %get3A_54 : vector<1x16xf32> to vector<16384x16xf32>
    %add3A_56 = arith.addf %dot_general3A_51, %add3A_55 : vector<16384x16xf32>
    %max3A_57 = arith.constant 0.000000e+00 : f32
    %max3A_58 = vector.broadcast %max3A_57 : f32 to vector<16384x16xf32>
    %max3A_59 = arith.maximumf %add3A_56, %max3A_58 : vector<16384x16xf32>
    %get3A_60 = arith.constant 0 : index
    %get3A_61 = arith.constant 0 : index
    %get3A_62 = vector.load %arg9[%get3A_60, %get3A_61] : memref<1x16xf32, #tpu.memory_space<vmem>>, vector<1x16xf32>
    %get3A_63 = arith.constant 0 : index
    %get3A_64 = arith.constant 0 : index
    %get3A_65 = vector.load %arg10[%get3A_63, %get3A_64] : memref<1x16xf32, #tpu.memory_space<vmem>>, vector<1x16xf32>
    %reduce_sum3A_66 = arith.constant dense<0.000000e+00> : vector<16xf32>
    %reduce_sum3A_67 = vector.multi_reduction <add>, %max3A_59, %reduce_sum3A_66 [0] : vector<16384x16xf32> to vector<16xf32>
    %broadcast_in_dim3A_68 = vector.shape_cast %reduce_sum3A_67 : vector<16xf32> to vector<1x16xf32>
    %div3A_69 = arith.constant 1.638400e+04 : f32
    %div3A_70 = vector.broadcast %div3A_69 : f32 to vector<1x16xf32>
    %div3A_71 = arith.divf %broadcast_in_dim3A_68, %div3A_70 : vector<1x16xf32>
    %sub3A_72 = vector.broadcast %div3A_71 : vector<1x16xf32> to vector<16384x16xf32>
    %sub3A_73 = arith.subf %max3A_59, %sub3A_72 : vector<16384x16xf32>
    %integer_pow3A_74 = arith.mulf %sub3A_73, %sub3A_73 : vector<16384x16xf32>
    %reduce_sum3A_75 = arith.constant dense<0.000000e+00> : vector<16xf32>
    %reduce_sum3A_76 = vector.multi_reduction <add>, %integer_pow3A_74, %reduce_sum3A_75 [0] : vector<16384x16xf32> to vector<16xf32>
    %broadcast_in_dim3A_77 = vector.shape_cast %reduce_sum3A_76 : vector<16xf32> to vector<1x16xf32>
    %div3A_78 = arith.constant 1.638400e+04 : f32
    %div3A_79 = vector.broadcast %div3A_78 : f32 to vector<1x16xf32>
    %div3A_80 = arith.divf %broadcast_in_dim3A_77, %div3A_79 : vector<1x16xf32>
    %sub3A_81 = vector.broadcast %div3A_71 : vector<1x16xf32> to vector<16384x16xf32>
    %sub3A_82 = arith.subf %max3A_59, %sub3A_81 : vector<16384x16xf32>
    %add3A_83 = arith.constant 9.99999974E-6 : f32
    %add3A_84 = vector.broadcast %add3A_83 : f32 to vector<1x16xf32>
    %add3A_85 = arith.addf %div3A_80, %add3A_84 : vector<1x16xf32>
    %rsqrt3A_86 = math.rsqrt %add3A_85 : vector<1x16xf32>
    %mul3A_87 = vector.broadcast %rsqrt3A_86 : vector<1x16xf32> to vector<16384x16xf32>
    %mul3A_88 = arith.mulf %sub3A_82, %mul3A_87 : vector<16384x16xf32>
    %mul3A_89 = vector.broadcast %get3A_62 : vector<1x16xf32> to vector<16384x16xf32>
    %mul3A_90 = arith.mulf %mul3A_88, %mul3A_89 : vector<16384x16xf32>
    %add3A_91 = vector.broadcast %get3A_65 : vector<1x16xf32> to vector<16384x16xf32>
    %add3A_92 = arith.addf %mul3A_90, %add3A_91 : vector<16384x16xf32>
    %get3A_93 = arith.constant 0 : index
    %get3A_94 = arith.constant 0 : index
    %get3A_95 = vector.load %arg11[%get3A_93, %get3A_94] : memref<16x1xf32, #tpu.memory_space<vmem>>, vector<16x1xf32>
    %dot_general3A_96 = arith.constant dense<0.000000e+00> : vector<16384x1xf32>
    %dot_general3A_97 = tpu.matmul %add3A_92, %get3A_95, %dot_general3A_96 {dimension_numbers = #tpu.dot_dimension_numbers<[1], [0], [0], [1], [0, 0, 1, 1], [], []>, transpose_lhs_hint = false} : vector<16384x16xf32>, vector<16x1xf32>, vector<16384x1xf32> -> vector<16384x1xf32>
    %logistic3A = arith.negf %dot_general3A_97 : vector<16384x1xf32>
    %logistic3A_98 = math.exp %logistic3A : vector<16384x1xf32>
    %logistic3A_99 = arith.constant 1.000000e+00 : f32
    %logistic3A_100 = vector.broadcast %logistic3A_99 : f32 to vector<16384x1xf32>
    %logistic3A_101 = arith.addf %logistic3A_100, %logistic3A_98 : vector<16384x1xf32>
    %logistic3A_102 = arith.divf %logistic3A_100, %logistic3A_101 : vector<16384x1xf32>
    %swap3A = arith.constant 0 : index
    %swap3A_103 = arith.constant 0 : index
    %swap3A_104 = vector.load %arg12[%swap3A, %swap3A_103] : memref<16384x1xf32, #tpu.memory_space<vmem>>, vector<16384x1xf32>
    tpu.vector_store %arg12[%swap3A, %swap3A_103], %logistic3A_102 {strides = array<i32>} : memref<16384x1xf32, #tpu.memory_space<vmem>>, vector<16384x1xf32>,
    return
  }
}

</mosaic_0001>

<sc_bundles>
// kernel: kernel.4.cloned.1.call-start
scs
__scs_entry_jumppad:
0x0: {  	(pc) =	sbr.rel $0x88, $3  }
0x1: {  	(tag) =	ssettag $0x0;
	lr =	simm.s32 $0x1  }
0x2: {  	[smem:$0x3F94] =	sst lr;
	_ =	strace $0xD0000000  }
0x3: {  	_ = 	snop  }
0x4: {  	_ = 	snop  }
0x5: {  	_ = 	snop  }
0x6: {  	_ = 	snop  }
0x7: {  	_ = 	snop  }
__scs_overlays_trampoline_lowered:
0x8: {  	[smem:$0x3FA3] =	sst s0  }
0x9: {  	[smem:$0x3FA4] =	sst s1  }
0xa: {  	[smem:$0x3FA5] =	sst s2  }
0xb: {  	[smem:$0x3FA6] =	sst s3  }
0xc: {  	[smem:$0x3FA7] =	sst s4  }
0xd: {  	[smem:$0x3FA8] =	sst s5  }
0xe: {  	[smem:$0x3FA9] =	sst s6  }
0xf: {  	[smem:$0x3FAA] =	sst s7  }
0x10: {  	[smem:$0x3FAB] =	sst s8  }
0x11: {  	[smem:$0x3FAC] =	sst s9;
	s0 =	simm.s32 @!p0 $0x0  }
0x12: {  	s1 =	sld [smem:$0x3F92];
	s0 =	simm.s32 @p0 $0x1  }
0x13: {  	[smem:$0x3FAD] =	sst s0;
	s0 =	simm.s32 @!p1 $0x0  }
0x14: {  	s2 =	sld [smem:$0x3F91];
	s0 =	simm.s32 @p1 $0x1  }
0x15: {  	[smem:$0x3FAE] =	sst s0;
	s0 =	simm.s32 @!p2 $0x0  }
0x16: {  	s3 =	sld [smem:$0x3FDB];
	s0 =	simm.s32 @p2 $0x1  }
0x17: {  	s4 =	simm.s32 $0x1BF5;
	[smem:$0x3FB0] =	sst s0  }
0x18: {  	s0 =	sld [smem:$0x3F93];
	_ =	swait.ge [sflag:s4], $0x0  }
0x19: {  	s7 =	sld [smem:$0x3F94]  }
0x1a: {  	s8 =	sadd.s32 $0xFFFFE003, lr  }
0x1b: {  	s9 =	sadd.s32 $0xFFFFFEF7, lr;
	s5 =	simm.s32 $0xFFFFFFFF;
	p2 =	slt.u32 s8, $0xFFFFF086  }
0x1c: {  	p1 =	slt.u32 s9, $0xF7A;
	s5 =	simm.s32 @!p2 $0x0  }
0x1d: {  	s5 =	simm.s32 @p1 $0x1;
	p0 =	seq.s32 s7, s2  }
0x1e: {  	s7 =	smul.u32 @!p0 $0xF7A, s2;
	p2 =	seq.s32 @!p0 s5, $0x0  }
0x1f: {  	s9 =	smul.u32 $0xF7A, s1;
	s8 =	simm.s32 @!p0 $0x1BF5;
	p2 =	por !p2, p0  }
0x20: {  	[sflag:s8] =	ssyncset.s32 @!p0 $0xFFFFF086;
	s6 =	sadd.s32 @!p0 s3, s7;
	s7 =	simm.s32 @!p0 $0x108  }
0x21: {  	s3 =	sadd.s32 s3, s9;
	s6 =	sadd.s32 @!p0 $0x88, s6;
	s7 =	simm.s32 @p2 $0x1082  }
0x22: {  	[simem:s7], [sflag:s8] =	dma.local @!p0 [hbm:s6], $0xF7A  }
0x23: {  	s9 =	sor.u32 $0xD0000000, s2;
	s6 =	simm.s32 $0x108;
	_ =	swait.ge @!p0 [sflag:s8], $0x0  }
0x24: {  	s3 =	sadd.s32 $0x88, s3;
	s6 =	simm.s32 @!p1 $0x1082;
	[sflag:s4] =	ssyncset.s32 $0xFFFFF086  }
0x25: {  	[simem:s6], [sflag:s4] =	dma.local [hbm:s3], $0xF7A  }
0x26: {  	[smem:$0x3F94] =	sst s1;
	(tag) =	ssettag s2;
	_ =	strace s9  }
0x27: {  	s1 =	sld [smem:$0x3FA4]  }
0x28: {  	s2 =	sld [smem:$0x3FA5]  }
0x29: {  	s4 =	sld [smem:$0x3FA7]  }
0x2a: {  	p0 =	seq.s32 s5, $0x0;
	s5 =	sld [smem:$0x3FA8]  }
0x2b: {  	s6 =	sld [smem:$0x3FA9]  }
0x2c: {  	s7 =	sld [smem:$0x3FAA]  }
0x2d: {  	s3 =	simm.s32 $0x108;
	s8 =	sld [smem:$0x3FAB]  }
0x2e: {  	s3 =	simm.s32 @!p0 $0x1082;
	s9 =	sld [smem:$0x3FAC]  }
0x2f: {  	lr =	sadd.s32 s0, s3;
	s0 =	sld [smem:$0x3FA3]  }
0x30: {  	s3 =	sld [smem:$0x3FA6]  }
0x31: {  	[smem:$0x3FAF] =	sst s10  }
0x32: {  	s10 =	sld [smem:$0x3FAD];
	_ =	sdelay $0x3  }
0x33: {  	p0 =	seq.s32 s10, $0x1;
	s10 =	sld [smem:$0x3FAF];
	_ =	sdelay $0x3  }
0x34: {  	[smem:$0x3FAF] =	sst s10  }
0x35: {  	s10 =	sld [smem:$0x3FAE];
	_ =	sdelay $0x3  }
0x36: {  	p1 =	seq.s32 s10, $0x1;
	s10 =	sld [smem:$0x3FAF];
	_ =	sdelay $0x3  }
0x37: {  	[smem:$0x3FAF] =	sst s10  }
0x38: {  	s10 =	sld [smem:$0x3FB0]  }
0x39: {  	_ = 	snop;
	(pc) =	sbr.ind lr, $3  }
0x3a: {  	_ = 	snop  }
0x3b: {  	_ = 	snop  }
0x3c: {  	p2 =	seq.s32 s10, $0x1;
	s10 =	sld [smem:$0x3FAF]  }
0x3d: {  	_ =	shalt  }
0x3e: {  	_ =	shalt  }
0x3f: {  	_ =	shalt  }
0x40: {  	_ =	shalt  }
0x41: {  	_ =	shalt  }
0x42: {  	_ =	shalt  }
0x43: {  	_ =	shalt  }
0x44: {  	_ =	shalt  }
0x45: {  	_ =	shalt  }
0x46: {  	_ =	shalt  }
0x47: {  	_ =	shalt  }
0x48: {  	_ =	shalt  }
0x49: {  	_ =	shalt  }
0x4a: {  	_ =	shalt  }
0x4b: {  	_ =	shalt  }
0x4c: {  	_ =	shalt  }
0x4d: {  	_ =	shalt  }
0x4e: {  	_ =	shalt  }
0x4f: {  	_ =	shalt  }
0x50: {  	_ =	shalt  }
0x51: {  	_ =	shalt  }
0x52: {  	_ =	shalt  }
0x53: {  	_ =	shalt  }
0x54: {  	_ =	shalt  }
0x55: {  	_ =	shalt  }
0x56: {  	_ =	shalt  }
0x57: {  	_ =	shalt  }
0x58: {  	_ =	shalt  }
0x59: {  	_ =	shalt  }
0x5a: {  	_ =	shalt  }
0x5b: {  	_ =	shalt  }
0x5c: {  	_ =	shalt  }
0x5d: {  	_ =	shalt  }
0x5e: {  	_ =	shalt  }
0x5f: {  	_ =	shalt  }
0x60: {  	_ =	shalt  }
0x61: {  	_ =	shalt  }
0x62: {  	_ =	shalt  }
0x63: {  	_ =	shalt  }
0x64: {  	_ =	shalt  }
0x65: {  	_ =	shalt  }
0x66: {  	_ =	shalt  }
0x67: {  	_ =	shalt  }
0x68: {  	_ =	shalt  }
0x69: {  	_ =	shalt  }
0x6a: {  	_ =	shalt  }
0x6b: {  	_ =	shalt  }
0x6c: {  	_ =	shalt  }
0x6d: {  	_ =	shalt  }
0x6e: {  	_ =	shalt  }
0x6f: {  	_ =	shalt  }
0x70: {  	_ =	shalt  }
0x71: {  	_ =	shalt  }
0x72: {  	_ =	shalt  }
0x73: {  	_ =	shalt  }
0x74: {  	_ =	shalt  }
0x75: {  	_ =	shalt  }
0x76: {  	_ =	shalt  }
0x77: {  	_ =	shalt  }
0x78: {  	_ =	shalt  }
0x79: {  	_ =	shalt  }
0x7a: {  	_ =	shalt  }
0x7b: {  	_ =	shalt  }
0x7c: {  	_ =	shalt  }
0x7d: {  	_ =	shalt  }
0x7e: {  	_ =	shalt  }
0x7f: {  	_ =	shalt  }
0x80: {  	_ =	shalt  }
0x81: {  	_ =	shalt  }
0x82: {  	_ =	shalt  }
0x83: {  	_ =	shalt  }
0x84: {  	_ =	shalt  }
0x85: {  	_ =	shalt  }
0x86: {  	_ =	shalt  }
0x87: {  	_ =	shalt  }
.Lfunc_end0:
.L_simem_size_0:
called_computation_lowered:
.L_overlay_start_0:
0x88: {  	s2 =	sld [smem:$0x3FD9]  }
0x89: {  	s3 =	sld [smem:$0x3FFE];
	_ =	sdelay $0x1  }
0x8a: {  	s1 =	srdreg.scid  }
0x8b: {  	s0 =	sand.u32 $0x1, s1  }
0x8c: {  	s17 =	sshll.u32 s0, $0xA;
	s2 =	sadd.s32 s3, s2  }
0x8d: {  	s2 =	sadd.s32 s2, s17  }
0x8e: {  	[smem:$0x3FBB] =	sst s2  }
0x8f: {  	_ = 	snop  }
0x90: {  	s2 =	sld [smem:$0x3FC9]  }
0x91: {  	s18 =	sld [smem:$0x3FC8]  }
0x92: {  	s4 =	sld [smem:$0x3FC7]  }
0x93: {  	s5 =	sld [smem:$0x3FC6]  }
0x94: {  	s6 =	sld [smem:$0x3FD0];
	(tm) =	ssettm $0x1  }
0x95: {  	s7 =	sld [smem:$0x3FFB];
	_ =	sdelay $0x3  }
0x96: {  	_ =	strace s7  }
0x97: {  	s7 =	sld [smem:$0x3FFC];
	_ =	sdelay $0x3  }
0x98: {  	_ =	strace s7  }
0x99: {  	s7 =	sld [smem:$0x3FFD];
	_ =	sdelay $0x3  }
0x9a: {  	_ =	strace s7  }
0x9b: {  	_ =	strace $0x8FFFFFFF  }
0x9c: {  	s19 =	sld [smem:$0x3FDB];
	_ =	sdelay $0x1  }
0x9d: {  	s8 =	simm.s32 $_scs_section_size  }
0x9e: {  	s9 =	simm.s32 $_size__tile_overlayer_lowered;
	s10 =	simm.s32 $_tile_overlayer_lowered  }
0x9f: {  	s22 =	simm.s32 $0x1BFF;
	s21 =	sshll.u32 s10, $0x1;
	s7 =	sadd.s32 s8, s19  }
0xa0: {  	s11 =	simm.s32 $0x0;
	s20 =	sshll.u32 s9, $0x1;
	s9 =	sadd.s32 s21, s7  }
0xa1: {  	[timem:s11], [sflag:s22] =	dma.local [hbm:s9], s20  }
0xa2: {  	_ =	swait.ge [sflag:s22], s20  }
0xa3: {  	s8 =	ssub.s32 $0x0, s20;
	[sflag:s22] =	ssyncset.done $0x0  }
0xa4: {  	[sflag:s22] =	ssyncadd.s32 s8;
	_ =	sdelay $0x1  }
0xa5: {  	s23 =	simm.s32 $0x1B8B  }
0xa6: {  	_ =	swait.ge [sflag:s23], $0x1  }
0xa7: {  	[sflag:s23] =	ssyncset.done $0x0  }
0xa8: {  	s25 =	simm.s32 $0x1B8E;
	s24 =	sld [smem:$0x3FFE];
	[sflag:s23] =	ssyncadd.s32 $0xFFFFFFFF  }
0xa9: {  	s26 =	simm.s32 $execute0_lowered;
	[smem:$0x3FD2] =	sst s25  }
0xaa: {  	s9 =	sshll.u32 s26, $0x1;
	_ =	strace $0x80000046;
	[dreg:$0x1] =	wrdreg $0xFFFFFFFF  }
0xab: {  	s28 =	simm.s32 $_size_execute0_lowered;
	s7 =	sadd.s32 s7, s9;
	[dreg:$0x0] =	wrdreg $0x0  }
0xac: {  	s9 =	sshll.u32 s28, $0x1;
	[dreg:$0x2] =	wrdreg s7  }
0xad: {  	[dreg:$0x3] =	wrdreg s9  }
0xae: {  	[dreg:$0x4] =	wrdreg $0xC0  }
0xaf: {  	_ =	task [dreg:s11], $0x5FFFF  }
0xb0: {  	[dreg:$0x1] =	wrdreg $0xFFFFFFFF  }
0xb1: {  	[dreg:$0x0] =	wrdreg $0x60  }
0xb2: {  	[dreg:$0x2] =	wrdreg s2  }
0xb3: {  	[dreg:$0x3] =	wrdreg s18  }
0xb4: {  	[dreg:$0x4] =	wrdreg s4  }
0xb5: {  	[dreg:$0x5] =	wrdreg s5  }
0xb6: {  	[dreg:$0x6] =	wrdreg s6  }
0xb7: {  	[dreg:$0x7] =	wrdreg s24  }
0xb8: {  	[dreg:$0x8] =	wrdreg $0x9  }
0xb9: {  	_ =	task.clear_ibuf [dreg:s11], $0x9FFFF;
	_ =	strace $0x90000046  }
0xba: {  	s29 =	simm.s32 $0x9;
	_ =	strace $0x80000048  }
0xbb: {  	_ =	swait.ge [sflag:s29], $0x1  }
0xbc: {  	[sflag:s29] =	ssyncadd.s32 $0xFFFFFFFF  }
0xbd: {  	_ =	strace $0x90000048  }
0xbe: {  	_ =	sfence  }
0xbf: {  	s30 =	sld [smem:$0x0];
	_ =	sdelay $0x2  }
0xc0: {  	s31 =	sshll.u32 s1, $0xD;
	s1 =	sshrl.u32 s1, $0x2  }
0xc1: {  	s3 =	sand.u32 $0x4000, s31;
	s1 =	sadd.s32 s1, s30  }
0xc2: {  	s0 =	sor.u32 s3, s0;
	s1 =	sshll.u32 s1, $0x11  }
0xc3: {  	s0 =	sor.u32 s1, s0  }
0xc4: {  	s0 =	sadd.s32 $0x8F2B, s0  }
0xc5: {  	[sflag:s0] =	ssyncadd.remote.s32 $0x1  }
0xc6: {  	_ =	sfence.sel $0xFFFF  }
0xc7: {  	[dreg:$0x0] =	wrdreg $0xFFFFFFFF;
	(pc) =	sbr.abs _section_cstart, $3  }
0xc8: {  	[dreg:$0x1] =	wrdreg $0xFFFFFFFF  }
0xc9: {  	_ =	task.clear_ibuf [dreg:s11], $0x2FFFF;
	_ =	strace $0x9FFFFFFF  }
0xca: {  	(tm) =	ssettm $0x7FFFFFFF  }
0xcb: {  	_ =	shalt  }
tec
execute0_lowered:
.L_overlay_start_1:
0x0: {  	(tag) =	ssettag $0x1  }
0x1: {  	v1 =	vlaneseq.u32;
	v3 =	vimm.s32 $0x201000;
	v2 =	vimm.s32 $0x0  }
0x2: {  	vm0 =	vcmask $0x1300;
	v4 =	vimm.s32 $0x2380;
	vm1 =	vcmask $0x300  }
0x3: {  	v5 =	vimm.s32 $0x6380;
	vm2 =	vcmask $0x704;
	vm15 =	vcmask $0xB08  }
0x4: {  	vm4 =	vcmask $0xF0C;
	v4 =	vsel vm1, $0x0, v4;
	v5 =	vsel vm1, $0x4000, v5  }
0x5: {  	vm5 =	vcmask $0x1310;
	v4 =	vsel vm2, $0x80, v4;
	v5 =	vsel vm2, $0x4080, v5  }
0x6: {  	vm6 =	vcmask $0x1714;
	v4 =	vsel vm15, $0x100, v4;
	v5 =	vsel vm15, $0x4100, v5  }
0x7: {  	s4 =	rddreg [dreg:$0x2];
	vm7 =	vcmask $0x1B18;
	v4 =	vsel vm4, $0x180, v4;
	v5 =	vsel vm4, $0x4180, v5  }
0x8: {  	s0 =	srdreg.scid;
	s5 =	rddreg [dreg:$0x3];
	vm8 =	vcmask $0x1F1C;
	v4 =	vsel vm5, $0x200, v4;
	v5 =	vsel vm5, $0x4200, v5  }
0x9: {  	s1 =	stileid.u32;
	s6 =	rddreg [dreg:$0x4];
	vm9 =	vcmask $0x2320;
	v4 =	vsel vm6, $0x280, v4;
	v5 =	vsel vm6, $0x4280, v5  }
0xa: {  	s2 =	rddreg [dreg:$0x5];
	s8 =	simm.s32 $0x0;
	vm10 =	vcmask $0x2724;
	s17 =	simm.s32 $0x3;
	v4 =	vsel vm7, $0x300, v4;
	v5 =	vsel vm7, $0x4300, v5  }
0xb: {  	vm11 =	vcmask $0x2B28;
	s20 =	simm.s32 $0x8080;
	s21 =	simm.s32 $0x4000;
	s22 =	simm.s32 $0x2;
	v4 =	vsel vm8, $0x380, v4;
	v5 =	vsel vm8, $0x4380, v5  }
0xc: {  	vm12 =	vcmask $0x2F2C;
	s23 =	simm.s32 $0x1A080;
	s24 =	simm.s32 $0x0;
	s0 =	sand.u32 $0x1, s0;
	v4 =	vsel vm9, $0x2000, v4;
	v5 =	vsel vm9, $0x6000, v5  }
0xd: {  	vm13 =	vcmask $0x3330;
	s1 =	sshll.u32 s1, $0x1;
	[smem:$0x7FF] =	sst s8;
	s9 =	sadd.s32 $0x1E00, s2;
	v4 =	vsel vm10, $0x2080, v4;
	v5 =	vsel vm10, $0x6080, v5  }
.Ltmp0:
0xe: {  	vm14 =	vcmask $0x3734;
	s10 =	sadd.s32 $0x2200, s2;
	s11 =	sadd.s32 $0x42200, s2;
	v4 =	vsel vm11, $0x2100, v4;
	v5 =	vsel vm11, $0x6100, v5;
	(pc) =	sbr.rel .LBB2_1-.Ltmp0, $4  }
0xf: {  	v3 =	vunpack.c.0.s8.s32 v3;
	s13 =	sadd.s32 $0xF4000, s4;
	s1 =	sor.u32 s0, s1;
	s0 =	ssub.s32 $0x2, s0;
	v4 =	vsel vm12, $0x2180, v4;
	v5 =	vsel vm12, $0x6180, v5  }
0x10: {  	s15 =	sadd.s32 $0xF4000, s5;
	v0 =	vmov s1;
	s3 =	sshrl.u32 s0, $0x1;
	s7 =	sshll.u32 s1, $0xA;
	v4 =	vsel vm13, $0x2200, v4;
	v5 =	vsel vm13, $0x6200, v5  }
0x11: {  	_ =	strace $0x80000047;
	vm15 =	vcmask $0x3B38;
	s0 =	ssub.s32 s0, s3;
	s31 =	sadd.s32 s4, s7;
	v4 =	vsel vm14, $0x2280, v4;
	v5 =	vsel vm14, $0x6280, v5  }
0x12: {  	v3 =	vnsel vm0, $0x0, v3;
	s14 =	sadd.s32 s5, s7;
	[dreg:$0x7] =	wrdreg s31;
	s16 =	smax.u32 s0, $0x1;
	v4 =	vsel vm15, $0x2300, v4;
	v5 =	vsel vm15, $0x6300, v5  }
.LBB2_38:
0x13: {  	[sflag:s22] =	ssyncadd.s32 $0xFFFFFF80  }
.LBB2_39:
0x14: {  	s24 =	sadd.s32 $0x1, s24  }
0x15: {  	p0 =	sne.s32 s24, s16  }
.Ltmp1:
0x16: {  	_ = 	snop;
	(pc) =	sbr.rel @!p0 .LBB2_40-.Ltmp1, $1  }
0x17: {  	_ =	sdelay $0x3  }
.LBB2_1:
0x18: {  	s0 =	rddreg [dreg:$0x0]  }
0x19: {  	[tilespmem:s8], [sflag:$0x3] =	stream.linear.gather [hbm4b:s0+s8], $0x4000, $0x38;
	[tilespmem:$0x1A100] =	vst v63  }
0x1a: {  	_ =	swait.ge [sflag:s17], $0x4000  }
0x1b: {  	s2 =	simm.s32 $0x7A1400;
	s3 =	simm.s32 $0x2000;
	[sflag:s17] =	ssyncset.done $0x0  }
0x1c: {  	s29 =	simm.s32 $0x10;
	s26 =	rddreg [dreg:$0x7];
	[sflag:s17] =	ssyncadd.s32 $0xFFFFC000  }
0x1d: {  	[tilespmem:s20], [sflag:$0x1] =	stream.strided.gather [hbm4b:s26+s3], $0x8000, s2, s3, $0x38;
	[tilespmem:$0x1A100] =	vst v63  }
0x1e: {  	v6 =	vld [tilespmem:s29+$0xFFFFFFF0];
	_ =	sdelay $0x4  }
0x1f: {  	v6 =	vshrl.u32 v6, $0xA  }
0x20: {  	v6 =	vand.u32 $0x1F, v6  }
0x21: {  	vm0 =	veq.s32 v6, v0  }
0x22: {  	v6 =	vsel vm0, $0x1, v2  }
0x23: {  	(xrf0) =	vadd.scan.msk.s32 $0xffff, v6;
	_ =	sdelay $0x2  }
0x24: {  	v6 =	vmov s8  }
0x25: {  	v6 =	vadd.s32 $0xFFFFFFFF, v6  }
0x26: {  	v6 =	vbroadcast v6, $0x0  }
0x27: {  	v7, _, _ =	vpop (xrf0)  }
0x28: {  	v6 =	vadd.s32 v7, v6  }
0x29: {  	v6 =	vnsel vm0, $0x400F, v6  }
0x2a: {  	(v2sf) =	vpush v7, $0xF;
	_ =	sdelay $0x2  }
0x2b: {  	v7 =	vor.u32 s8, v1  }
0x2c: {  	[tilespmem:v6+s21+$0x0] =	vst.idx.msk $0xffff, v7  }
0x2d: {  	v6 =	vld [tilespmem:s29+$0x0];
	_ =	sdelay $0x4  }
0x2e: {  	v6 =	vshrl.u32 v6, $0xA  }
0x2f: {  	v6 =	vand.u32 $0x1F, v6  }
0x30: {  	vm0 =	veq.s32 v6, v0  }
0x31: {  	v6 =	vsel vm0, $0x1, v2  }
0x32: {  	(xrf0) =	vadd.scan.msk.s32 $0xffff, v6  }
0x33: {  	s30 =	spop (v2sf)  }
0x34: {  	s28 =	sadd.s32 $0x0, s30  }
0x35: {  	v6 =	vmov s28  }
0x36: {  	v6 =	vadd.s32 $0xFFFFFFFF, v6  }
0x37: {  	v6 =	vbroadcast v6, $0x0  }
0x38: {  	v7, _, _ =	vpop (xrf0)  }
0x39: {  	v6 =	vadd.s32 v7, v6;
	(v2sf) =	vpush v7, $0xF  }
0x3a: {  	v6 =	vnsel vm0, $0x400F, v6;
	_ =	sdelay $0x2  }
0x3b: {  	s31 =	simm.s32 $0x10  }
0x3c: {  	v7 =	vor.u32 s31, v1  }
0x3d: {  	s25 =	simm.s32 $0x30;
	[tilespmem:v6+s21+$0x0] =	vst.idx.msk $0xffff, v7  }
0x3e: {  	v6 =	vld [tilespmem:s25+$0xFFFFFFF0];
	_ =	sdelay $0x4  }
0x3f: {  	v6 =	vshrl.u32 v6, $0xA  }
0x40: {  	v6 =	vand.u32 $0x1F, v6  }
0x41: {  	vm0 =	veq.s32 v6, v0  }
0x42: {  	s7 =	simm.s32 $0x40;
	s26 =	simm.s32 $0x20;
	v6 =	vsel vm0, $0x1, v2;
	s0 =	spop (v2sf)  }
.LBB2_2:
0x43: {  	p0 =	sne.s32 s7, $0x3FE0  }
0x44: {  	(xrf0) =	vadd.scan.msk.s32 $0xffff, v6;
	s0 =	sadd.s32 s28, s0;
	s2 =	smov.u32 s7;
	s7 =	sadd.s32 $0x20, s7  }
0x45: {  	v6 =	vmov s0  }
0x46: {  	v6 =	vadd.s32 $0xFFFFFFFF, v6;
	_ =	sdelay $0x2  }
0x47: {  	v6 =	vbroadcast v6, $0x0  }
0x48: {  	v7, _, _ =	vpop (xrf0)  }
0x49: {  	v6 =	vadd.s32 v7, v6;
	(v2sf) =	vpush v7, $0xF  }
0x4a: {  	v6 =	vnsel vm0, $0x400F, v6;
	_ =	sdelay $0x3  }
0x4b: {  	v7 =	vor.u32 s26, v1  }
0x4c: {  	[tilespmem:v6+s21+$0x0] =	vst.idx.msk $0xffff, v7  }
0x4d: {  	v6 =	vld [tilespmem:s25+$0x0];
	_ =	sdelay $0x4  }
0x4e: {  	v6 =	vshrl.u32 v6, $0xA  }
0x4f: {  	v6 =	vand.u32 $0x1F, v6  }
0x50: {  	vm0 =	veq.s32 v6, v0  }
0x51: {  	v6 =	vsel vm0, $0x1, v2;
	s3 =	spop (v2sf)  }
0x52: {  	(xrf0) =	vadd.scan.msk.s32 $0xffff, v6;
	_ =	sdelay $0x1  }
0x53: {  	s28 =	sadd.s32 s0, s3  }
0x54: {  	v6 =	vmov s28  }
0x55: {  	v6 =	vadd.s32 $0xFFFFFFFF, v6  }
0x56: {  	v6 =	vbroadcast v6, $0x0  }
0x57: {  	v7, _, _ =	vpop (xrf0)  }
0x58: {  	v6 =	vadd.s32 v7, v6;
	(v2sf) =	vpush v7, $0xF  }
0x59: {  	v6 =	vnsel vm0, $0x400F, v6;
	_ =	sdelay $0x2  }
0x5a: {  	s0 =	sadd.s32 $0x10, s26;
	s26 =	smov.u32 s2  }
0x5b: {  	v7 =	vor.u32 s0, v1  }
0x5c: {  	s25 =	sadd.s32 $0x20, s25;
	[tilespmem:v6+s21+$0x0] =	vst.idx.msk $0xffff, v7  }
0x5d: {  	v6 =	vld [tilespmem:s25+$0xFFFFFFF0];
	_ =	sdelay $0x3  }
.Ltmp2:
0x5e: {  	(pc) =	sbr.rel @p0 .LBB2_2-.Ltmp2, $4  }
0x5f: {  	v6 =	vshrl.u32 v6, $0xA  }
0x60: {  	v6 =	vand.u32 $0x1F, v6  }
0x61: {  	vm0 =	veq.s32 v6, v0  }
0x62: {  	v6 =	vsel vm0, $0x1, v2;
	s0 =	spop (v2sf)  }
0x63: {  	(xrf0) =	vadd.scan.msk.s32 $0xffff, v6;
	_ =	sdelay $0x1  }
0x64: {  	s0 =	sadd.s32 s28, s0  }
0x65: {  	v6 =	vmov s0  }
0x66: {  	v6 =	vadd.s32 $0xFFFFFFFF, v6  }
0x67: {  	v6 =	vbroadcast v6, $0x0  }
0x68: {  	v7, _, _ =	vpop (xrf0)  }
0x69: {  	v6 =	vadd.s32 v7, v6  }
0x6a: {  	v6 =	vnsel vm0, $0x400F, v6;
	_ =	sdelay $0x3  }
0x6b: {  	v8 =	vor.u32 s26, v1  }
0x6c: {  	[tilespmem:v6+s21+$0x0] =	vst.idx.msk $0xffff, v8  }
0x6d: {  	v6 =	vld [tilespmem:s25+$0x0];
	_ =	sdelay $0x4  }
0x6e: {  	v6 =	vshrl.u32 v6, $0xA  }
0x6f: {  	v6 =	vand.u32 $0x1F, v6  }
0x70: {  	vm15 =	veq.s32 v6, v0  }
0x71: {  	v6 =	vsel vm15, $0x1, v2  }
0x72: {  	(xrf0) =	vadd.scan.msk.s32 $0xffff, v6  }
0x73: {  	(v2sf) =	vpush v7, $0xF;
	_ =	sdelay $0x4  }
0x74: {  	v6, _, _ =	vpop (xrf0)  }
0x75: {  	(v2sf) =	vpush v6, $0xF;
	_ =	sdelay $0x8  }
0x76: {  	s2 =	spop (v2sf)  }
0x77: {  	s0 =	sadd.s32 s0, s2  }
0x78: {  	v7 =	vmov s0  }
0x79: {  	v7 =	vadd.s32 $0xFFFFFFFF, v7  }
0x7a: {  	v7 =	vbroadcast v7, $0x0;
	_ =	sdelay $0x1  }
0x7b: {  	v6 =	vadd.s32 v6, v7;
	s30 =	spop (v2sf)  }
0x7c: {  	v6 =	vnsel vm15, $0x400F, v6;
	s0 =	sadd.s32 s0, s30  }
.Ltmp3:
0x7d: {  	s25 =	sadd.s32 $0xF, s0;
	(pc) =	sbr.rel .LBB2_4-.Ltmp3, $4  }
0x7e: {  	s31 =	sshra.s32 s25, $0x1F  }
0x7f: {  	s3 =	sadd.s32 $0x10, s26;
	s2 =	sshrl.u32 s31, $0x1C  }
0x80: {  	v7 =	vor.u32 s3, v1;
	s2 =	sadd.s32 s2, s25  }
0x81: {  	s26 =	simm.s32 $0x0;
	s29 =	simm.s32 $0x0;
	[tilespmem:v6+s21+$0x0] =	vst.idx.msk $0xffff, v7;
	v6 =	vmov s0;
	s28 =	sshra.s32 s2, $0x4  }
.LBB2_5:
0x82: {  	s26 =	smov.u32 @p0 s26  }
.LBB2_15:
0x83: {  	s29 =	sadd.s32 $0x1, s29  }
0x84: {  	p0 =	seq.s32 s29, $0x1F  }
.Ltmp4:
0x85: {  	_ = 	snop;
	(pc) =	sbr.rel @p0 .LBB2_16-.Ltmp4, $1  }
0x86: {  	_ =	sdelay $0x3  }
.LBB2_4:
0x87: {  	s0 =	sshll.u32 s29, $0x5  }
0x88: {  	s0 =	sor.u32 s1, s0  }
0x89: {  	p0 =	sgt.u32 s0, $0x3D0  }
0x8a: {  	p1 =	sne.s32 @!p0 s0, $0x3D0  }
0x8b: {  	p2 =	por !p1, p0  }
0x8c: {  	p3 =	sgt.u32 @!p2 s0, $0x3B0  }
0x8d: {  	p4 =	por @!p0 p3, !p1  }
0x8e: {  	s2 =	sadd.s32 @!p2 $0x20, s0;
	p5 =	por p4, p0  }
0x8f: {  	s3 =	simm.s32 @!p2 $0x1;
	p4 =	seq.s32 @!p5 s2, $0x3D0  }
0x90: {  	s7 =	sand.u32 $0x1, s29;
	_ =	swait.ge @!p2 [sflag:s3], $0x8000;
	p6 =	por @!p2 !p4, p3  }
0x91: {  	[sflag:s3] =	ssyncset.done @!p2 $0x0;
	s18 =	sshll.u32 @!p5 s7, $0xF;
	p6 =	por @!p0 p6, !p1  }
0x92: {  	[sflag:s3] =	ssyncadd.s32 @!p2 $0xFFFF8000;
	s18 =	sxor.u32 @!p5 $0x8000, s18;
	p6 =	por p6, p0  }
0x93: {  	p2 =	por @!p2 p4, p3;
	s30 =	sadd.s32 @!p5 $0x8080, s18;
	s3 =	simm.s32 @!p6 $0x0  }
0x94: {  	[tilespmem:s30], [sflag:$0x1] =	stream.linear.gather @!p6 [hbm4b:s13+s3], $0x1000, $0x38;
	[tilespmem:$0x1A100] =	vst v63  }
0x95: {  	p2 =	por @!p0 p2, !p1;
	s31 =	sadd.s32 @!p6 $0xF4280, s13;
	s12 =	sadd.s32 @!p6 $0xA080, s18  }
0x96: {  	[tilespmem:s12], [sflag:$0x1] =	stream.linear.gather @!p6 [hbm4b:s31+s3], $0x1000, $0x38;
	[tilespmem:$0x1A100] =	vst v63  }
0x97: {  	p2 =	por p2, p0;
	s12 =	sadd.s32 @!p6 $0x1E8500, s13;
	s31 =	sadd.s32 @!p6 $0xC080, s18  }
0x98: {  	[tilespmem:s31], [sflag:$0x1] =	stream.linear.gather @!p6 [hbm4b:s12+s3], $0x1000, $0x38;
	[tilespmem:$0x1A100] =	vst v63  }
0x99: {  	s2 =	sshll.u32 @!p2 s2, $0xA;
	s18 =	sadd.s32 @!p6 $0xE080, s18;
	s12 =	sadd.s32 @!p6 $0x2DC780, s13  }
0x9a: {  	[tilespmem:s18], [sflag:$0x1] =	stream.linear.gather @!p6 [hbm4b:s12+s3], $0x1000, $0x38;
	[tilespmem:$0x1A100] =	vst v63  }
0x9b: {  	s2 =	sadd.s32 @!p2 s4, s2;
	s3 =	simm.s32 @!p2 $0x2000;
	s12 =	simm.s32 @!p2 $0x7A1400  }
0x9c: {  	[tilespmem:s30], [sflag:$0x1] =	stream.strided.gather @!p2 [hbm4b:s2+s3], $0x8000, s12, s3, $0x38;
	[tilespmem:$0x1A100] =	vst v63  }
0x9d: {  	p2 =	slt.s32 @!p0 s25, $0x10  }
0x9e: {  	p2 =	por p0, p2  }
.Ltmp5:
0x9f: {  	p1 =	por p1, p0;
	(pc) =	sbr.rel @p2 .LBB2_5-.Ltmp5, $4  }
0xa0: {  	s2 =	simm.s32 @!p1 $0x1  }
0xa1: {  	_ =	swait.ge @!p1 [sflag:s2], $0x4000  }
0xa2: {  	[sflag:s2] =	ssyncset.done @!p1 $0x0  }
0xa3: {  	[sflag:s2] =	ssyncadd.s32 @!p1 $0xFFFFC000  }
.Ltmp6:
0xa4: {  	(pc) =	sbr.rel .LBB2_7-.Ltmp6, $3  }
0xa5: {  	_ =	sdelay $0x1  }
0xa6: {  	s2 =	sshll.u32 s0, $0xA;
	s3 =	sshll.u32 s7, $0xF  }
0xa7: {  	v7 =	vmov s0;
	s31 =	simm.s32 $0x0;
	p0 =	sne.s32 s0, $0x3D0;
	v8 =	vmov s2;
	s30 =	sadd.s32 $0x8080, s3  }
.LBB2_14:
0xa8: {  	s31 =	sadd.s32 $0x1, s31  }
0xa9: {  	p1 =	sne.s32 s31, s28  }
.Ltmp7:
0xaa: {  	_ = 	snop;
	(pc) =	sbr.rel @!p1 .LBB2_15-.Ltmp7, $2  }
0xab: {  	_ =	sdelay $0x2  }
0xac: {  	s26 =	sadd.s32 s0, s26  }
.LBB2_7:
0xad: {  	s0 =	sshll.u32 s31, $0x4  }
0xae: {  	v9 =	vld [tilespmem:s0+$0x4000];
	_ =	sdelay $0x2  }
0xaf: {  	v10 =	vor.u32 s0, v1  }
0xb0: {  	vm0 =	vlt.s32 v10, v6  }
0xb1: {  	v10 =	vnsel vm0, $0x0, v9;
	_ =	sdelay $0x4  }
0xb2: {  	v11 =	vld.idx.msk [tilespmem:v10+s8+$0x0], $0xffff;
	_ =	sdelay $0x4  }
0xb3: {  	v9 =	vshrl.u32 v11, $0xA  }
0xb4: {  	vm1 =	veq.s32 v9, v7  }
0xb5: {  	vm0 =	vmand vm0, vm1  }
0xb6: {  	v9 =	vsel vm0, $0x1, v2  }
0xb7: {  	(xrf0) =	vadd.scan.msk.s32 $0xffff, v9;
	_ =	sdelay $0x5  }
0xb8: {  	v12, _, _ =	vpop (xrf0)  }
0xb9: {  	(v2sf) =	vpush v12, $0xF;
	_ =	sdelay $0xe  }
0xba: {  	s0 =	spop (v2sf)  }
0xbb: {  	s2 =	sadd.s32 s26, s0  }
0xbc: {  	p1 =	slt.s32 s2, $0x41  }
0xbd: {  	p2 =	slt.s32 @!p1 s26, $0x1  }
0xbe: {  	p2 =	por p1, p2  }
.Ltmp8:
0xbf: {  	_ = 	snop;
	(pc) =	sbr.rel @p2 .LBB2_8-.Ltmp8, $1  }
0xc0: {  	_ =	sdelay $0x3  }
.LBB2_9:
0xc1: {  	p1 =	sne.s32 s26, $0x1  }
.Ltmp9:
0xc2: {  	_ = 	snop;
	(pc) =	sbr.rel @p1 .LBB2_9-.Ltmp9, $4  }
0xc3: {  	_ = 	snop  }
0xc4: {  	_ =	swait.ge [sflag:s22], $0x80  }
0xc5: {  	[sflag:s22] =	ssyncset.done $0x0  }
0xc6: {  	s26 =	sadd.s32 $0xFFFFFFFF, s26;
	[sflag:s22] =	ssyncadd.s32 $0xFFFFFF80  }
.Ltmp10:
0xc7: {  	(pc) =	sbr.rel .LBB2_11-.Ltmp10, $2  }
0xc8: {  	_ =	sdelay $0x2  }
0xc9: {  	s26 =	simm.s32 $0x0  }
.LBB2_8:
0xca: {  	s26 =	simm.s32 @!p1 $0x0  }
.LBB2_11:
0xcb: {  	p1 =	slt.s32 s0, $0x1  }
.Ltmp11:
0xcc: {  	_ = 	snop;
	(pc) =	sbr.rel @p1 .LBB2_14-.Ltmp11, $1  }
0xcd: {  	_ =	sdelay $0x3  }
0xce: {  	v13 =	vmov s26  }
0xcf: {  	v13 =	vadd.s32 $0xFFFFFFFF, v13  }
0xd0: {  	v13 =	vbroadcast v13, $0x0  }
0xd1: {  	v11 =	vsub.s32 v11, v8;
	[tilespmem:$0x1A090] =	vst v10  }
0xd2: {  	[tilespmem:$0x1A080] =	vst v11;
	v10 =	vadd.s32 v12, v13  }
0xd3: {  	s7 =	smov.u32 s0;
	[tilespmem:$0x1A0A0] =	vst v10  }
.LBB2_13:
0xd4: {  	vm0 =	vne.s32 v9, $0x0  }
0xd5: {  	v10 =	vmctz.xlane vm0;
	_ =	sdelay $0x1  }
0xd6: {  	v10 =	vbroadcast v10, $0x0;
	_ =	sdelay $0x1  }
0xd7: {  	v11 =	vadd.s32 v3, v10;
	_ =	sdelay $0x4  }
0xd8: {  	v11 =	vld.idx.msk [tilespmem:v11+s23+$0x0], $0xffff;
	_ =	sdelay $0x4  }
0xd9: {  	(v2sf) =	vpush v11, $0x0;
	_ =	sdelay $0xd  }
0xda: {  	(v2sf) =	vpush v11, $0x1  }
0xdb: {  	(v2sf) =	vpush v11, $0x2;
	s3 =	spop (v2sf)  }
0xdc: {  	p1 =	sgt.s32 @!p0 s3, $0x1FF  }
0xdd: {  	p1 =	por p0, !p1  }
0xde: {  	v11 =	vbroadcast @p1 v11, $0x0;
	_ =	sdelay $0x1  }
0xdf: {  	v12 =	vshll.u32 @p1 v11, $0x3  }
0xe0: {  	v11 =	vand.u32 @p1 $0x7F, v11;
	v12 =	vand.u32 @p1 $0xFFFFFC00, v12  }
0xe1: {  	v11 =	vor.u32 @p1 v11, v12  }
0xe2: {  	v12 =	vadd.s32 @p1 v4, v11  }
0xe3: {  	v11 =	vadd.s32 @p1 v5, v11;
	_ =	sdelay $0x3  }
0xe4: {  	v12 =	vld.idx.msk @p1 [tilespmem:v12+s30+$0x0], $0xffff  }
0xe5: {  	s2 =	spop (v2sf);
	v11 =	vld.idx.msk @p1 [tilespmem:v11+s30+$0x0], $0xffff  }
0xe6: {  	s18 =	spop (v2sf)  }
0xe7: {  	s12 =	sshll.u32 @p1 s18, $0x9  }
0xe8: {  	s19 =	sshll.u32 @p1 s2, $0x4;
	s12 =	sshra.s32 @p1 s12, $0x2  }
0xe9: {  	s19 =	sand.u32 @p1 $0x1FFFFFF0, s19;
	[tilespmem:s12+$0x18080] =	vst @p1 v12  }
0xea: {  	s19 =	sadd.s32 @p1 s10, s19;
	[tilespmem:s12+$0x18090] =	vst @p1 v11;
	s12 =	sadd.s32 @p1 $0x18080, s12  }
0xeb: {  	[hbm4b:s19+s8] =	stream.linear.scatter @p1 [tilespmem:s12], [sflag:$0x2], $0x80, $0x38;
	[tilespmem:$0x1A100] =	vst v63  }
0xec: {  	p1 =	slt.s32 @!p0 s3, $0x200  }
0xed: {  	p1 =	por p1, p0  }
0xee: {  	s3 =	sshll.u32 @!p1 s3, $0x7  }
0xef: {  	s12 =	sshll.u32 @!p1 s18, $0x9;
	s3 =	sadd.s32 @!p1 $0xFFFF0000, s3  }
0xf0: {  	s12 =	sshra.s32 @!p1 s12, $0x2;
	s3 =	sshrl.u32 @!p1 s3, $0x3  }
0xf1: {  	s18 =	simm.s32 @!p1 $0x0;
	s12 =	sadd.s32 @!p1 $0x18080, s12;
	s3 =	sadd.s32 @!p1 s6, s3  }
0xf2: {  	[tilespmem:s12], [sflag:$0x1] =	stream.linear.gather @!p1 [hbm4b:s3+s18], $0x80, $0x38;
	[tilespmem:$0x1A100] =	vst v63  }
0xf3: {  	s3 =	simm.s32 @!p1 $0x1  }
0xf4: {  	s2 =	sshll.u32 @!p1 s2, $0x4;
	_ =	swait.ge @!p1 [sflag:s3], $0x80  }
0xf5: {  	s2 =	sand.u32 @!p1 $0x1FFFFFF0, s2;
	[sflag:s3] =	ssyncset.done @!p1 $0x0  }
0xf6: {  	s7 =	sadd.s32 $0xFFFFFFFF, s7;
	s2 =	sadd.s32 @!p1 s10, s2;
	[sflag:s3] =	ssyncadd.s32 @!p1 $0xFFFFFF80  }
0xf7: {  	[hbm4b:s2+s18] =	stream.linear.scatter @!p1 [tilespmem:s12], [sflag:$0x2], $0x80, $0x38;
	[tilespmem:$0x1A100] =	vst v63  }
0xf8: {  	p1 =	sne.s32 s7, $0x0  }
.Ltmp12:
0xf9: {  	_ = 	snop;
	(pc) =	sbr.rel @p1 .LBB2_13-.Ltmp12, $3  }
0xfa: {  	_ =	sdelay $0x1  }
0xfb: {  	vm15 =	veq.s32 v10, v1  }
0xfc: {  	v9 =	vsel vm15, $0x0, v9  }
.Ltmp13:
0xfd: {  	_ = 	snop;
	(pc) =	sbr.rel .LBB2_14-.Ltmp13, $1  }
0xfe: {  	_ =	sdelay $0x3  }
.LBB2_16:
0xff: {  	p0 =	sgt.s32 s26, $0x0  }
.Ltmp14:
0x100: {  	_ = 	snop;
	(pc) =	sbr.rel @!p0 .LBB2_20-.Ltmp14, $1  }
0x101: {  	_ =	sdelay $0x3  }
0x102: {  	p0 =	sne.s32 s26, $0x1  }
.Ltmp15:
0x103: {  	_ = 	snop;
	(pc) =	sbr.rel @!p0 .LBB2_19-.Ltmp15, $3  }
0x104: {  	_ =	sdelay $0x1  }
0x105: {  	_ =	swait.ge [sflag:s22], $0x80  }
0x106: {  	s0 =	sadd.s32 $0xFFFFFFFF, s26;
	[sflag:s22] =	ssyncset.done $0x0  }
.LBB2_18:
0x107: {  	p0 =	sne.s32 s0, $0x1;
	s0 =	sadd.s32 $0xFFFFFFFF, s0;
	[sflag:s22] =	ssyncadd.s32 $0xFFFFFF80  }
.Ltmp16:
0x108: {  	(pc) =	sbr.rel @p0 .LBB2_18-.Ltmp16, $3  }
0x109: {  	_ =	sdelay $0x1  }
0x10a: {  	_ =	swait.ge [sflag:s22], $0x80  }
0x10b: {  	[sflag:s22] =	ssyncset.done $0x0  }
.LBB2_19:
0x10c: {  	[sflag:s22] =	ssyncadd.s32 $0xFFFFFF80  }
.LBB2_20:
0x10d: {  	s0 =	simm.s32 $0x0;
	s2 =	rddreg [dreg:$0x1]  }
0x10e: {  	[tilespmem:s0], [sflag:$0x3] =	stream.linear.gather [hbm4b:s2+s0], $0x4000, $0x38;
	[tilespmem:$0x1A100] =	vst v63  }
0x10f: {  	_ =	swait.ge [sflag:s17], $0x4000  }
0x110: {  	s26 =	simm.s32 $0x7A1400;
	[sflag:s17] =	ssyncset.done $0x0  }
0x111: {  	s3 =	simm.s32 $0x2000;
	s29 =	simm.s32 $0x10;
	[sflag:s17] =	ssyncadd.s32 $0xFFFFC000  }
0x112: {  	[tilespmem:s20], [sflag:$0x1] =	stream.strided.gather [hbm4b:s14+s3], $0x8000, s26, s3, $0x38;
	[tilespmem:$0x1A100] =	vst v63  }
0x113: {  	v6 =	vld [tilespmem:s29+$0xFFFFFFF0];
	_ =	sdelay $0x4  }
0x114: {  	v6 =	vshrl.u32 v6, $0xA  }
0x115: {  	v6 =	vand.u32 $0x1F, v6  }
0x116: {  	vm0 =	veq.s32 v6, v0  }
0x117: {  	v6 =	vsel vm0, $0x1, v2  }
0x118: {  	(xrf0) =	vadd.scan.msk.s32 $0xffff, v6;
	_ =	sdelay $0x2  }
0x119: {  	v6 =	vmov s0  }
0x11a: {  	v6 =	vadd.s32 $0xFFFFFFFF, v6  }
0x11b: {  	v6 =	vbroadcast v6, $0x0  }
0x11c: {  	v7, _, _ =	vpop (xrf0)  }
0x11d: {  	v6 =	vadd.s32 v7, v6  }
0x11e: {  	v6 =	vnsel vm0, $0x400F, v6  }
0x11f: {  	(v2sf) =	vpush v7, $0xF;
	_ =	sdelay $0x2  }
0x120: {  	v7 =	vor.u32 s0, v1  }
0x121: {  	[tilespmem:v6+s21+$0x0] =	vst.idx.msk $0xffff, v7  }
0x122: {  	v6 =	vld [tilespmem:s29+$0x0];
	_ =	sdelay $0x4  }
0x123: {  	v6 =	vshrl.u32 v6, $0xA  }
0x124: {  	v6 =	vand.u32 $0x1F, v6  }
0x125: {  	vm0 =	veq.s32 v6, v0  }
0x126: {  	v6 =	vsel vm0, $0x1, v2  }
0x127: {  	(xrf0) =	vadd.scan.msk.s32 $0xffff, v6  }
0x128: {  	s30 =	spop (v2sf)  }
0x129: {  	s28 =	sadd.s32 $0x0, s30  }
0x12a: {  	v6 =	vmov s28  }
0x12b: {  	v6 =	vadd.s32 $0xFFFFFFFF, v6  }
0x12c: {  	v6 =	vbroadcast v6, $0x0  }
0x12d: {  	v7, _, _ =	vpop (xrf0)  }
0x12e: {  	v6 =	vadd.s32 v7, v6;
	(v2sf) =	vpush v7, $0xF  }
0x12f: {  	v6 =	vnsel vm0, $0x400F, v6;
	_ =	sdelay $0x2  }
0x130: {  	s31 =	simm.s32 $0x10  }
0x131: {  	v7 =	vor.u32 s31, v1  }
0x132: {  	s25 =	simm.s32 $0x30;
	[tilespmem:v6+s21+$0x0] =	vst.idx.msk $0xffff, v7  }
0x133: {  	v6 =	vld [tilespmem:s25+$0xFFFFFFF0];
	_ =	sdelay $0x4  }
0x134: {  	v6 =	vshrl.u32 v6, $0xA  }
0x135: {  	v6 =	vand.u32 $0x1F, v6  }
0x136: {  	vm0 =	veq.s32 v6, v0  }
0x137: {  	s7 =	simm.s32 $0x40;
	s26 =	simm.s32 $0x20;
	v6 =	vsel vm0, $0x1, v2;
	s0 =	spop (v2sf)  }
.LBB2_21:
0x138: {  	p0 =	sne.s32 s7, $0x3FE0  }
0x139: {  	(xrf0) =	vadd.scan.msk.s32 $0xffff, v6;
	s0 =	sadd.s32 s28, s0;
	s2 =	smov.u32 s7;
	s7 =	sadd.s32 $0x20, s7  }
0x13a: {  	v6 =	vmov s0  }
0x13b: {  	v6 =	vadd.s32 $0xFFFFFFFF, v6;
	_ =	sdelay $0x2  }
0x13c: {  	v6 =	vbroadcast v6, $0x0  }
0x13d: {  	v7, _, _ =	vpop (xrf0)  }
0x13e: {  	v6 =	vadd.s32 v7, v6;
	(v2sf) =	vpush v7, $0xF  }
0x13f: {  	v6 =	vnsel vm0, $0x400F, v6;
	_ =	sdelay $0x3  }
0x140: {  	v7 =	vor.u32 s26, v1  }
0x141: {  	[tilespmem:v6+s21+$0x0] =	vst.idx.msk $0xffff, v7  }
0x142: {  	v6 =	vld [tilespmem:s25+$0x0];
	_ =	sdelay $0x4  }
0x143: {  	v6 =	vshrl.u32 v6, $0xA  }
0x144: {  	v6 =	vand.u32 $0x1F, v6  }
0x145: {  	vm0 =	veq.s32 v6, v0  }
0x146: {  	v6 =	vsel vm0, $0x1, v2;
	s3 =	spop (v2sf)  }
0x147: {  	(xrf0) =	vadd.scan.msk.s32 $0xffff, v6;
	_ =	sdelay $0x1  }
0x148: {  	s28 =	sadd.s32 s0, s3  }
0x149: {  	v6 =	vmov s28  }
0x14a: {  	v6 =	vadd.s32 $0xFFFFFFFF, v6  }
0x14b: {  	v6 =	vbroadcast v6, $0x0  }
0x14c: {  	v7, _, _ =	vpop (xrf0)  }
0x14d: {  	v6 =	vadd.s32 v7, v6;
	(v2sf) =	vpush v7, $0xF  }
0x14e: {  	v6 =	vnsel vm0, $0x400F, v6;
	_ =	sdelay $0x2  }
0x14f: {  	s0 =	sadd.s32 $0x10, s26;
	s26 =	smov.u32 s2  }
0x150: {  	v7 =	vor.u32 s0, v1  }
0x151: {  	s25 =	sadd.s32 $0x20, s25;
	[tilespmem:v6+s21+$0x0] =	vst.idx.msk $0xffff, v7  }
0x152: {  	v6 =	vld [tilespmem:s25+$0xFFFFFFF0];
	_ =	sdelay $0x3  }
.Ltmp17:
0x153: {  	(pc) =	sbr.rel @p0 .LBB2_21-.Ltmp17, $4  }
0x154: {  	v6 =	vshrl.u32 v6, $0xA  }
0x155: {  	v6 =	vand.u32 $0x1F, v6  }
0x156: {  	vm0 =	veq.s32 v6, v0  }
0x157: {  	v6 =	vsel vm0, $0x1, v2;
	s0 =	spop (v2sf)  }
0x158: {  	(xrf0) =	vadd.scan.msk.s32 $0xffff, v6;
	_ =	sdelay $0x1  }
0x159: {  	s0 =	sadd.s32 s28, s0  }
0x15a: {  	v6 =	vmov s0  }
0x15b: {  	v6 =	vadd.s32 $0xFFFFFFFF, v6  }
0x15c: {  	v6 =	vbroadcast v6, $0x0  }
0x15d: {  	v7, _, _ =	vpop (xrf0)  }
0x15e: {  	v6 =	vadd.s32 v7, v6  }
0x15f: {  	v6 =	vnsel vm0, $0x400F, v6;
	_ =	sdelay $0x3  }
0x160: {  	v8 =	vor.u32 s26, v1  }
0x161: {  	[tilespmem:v6+s21+$0x0] =	vst.idx.msk $0xffff, v8  }
0x162: {  	v6 =	vld [tilespmem:s25+$0x0];
	_ =	sdelay $0x4  }
0x163: {  	v6 =	vshrl.u32 v6, $0xA  }
0x164: {  	v6 =	vand.u32 $0x1F, v6  }
0x165: {  	vm15 =	veq.s32 v6, v0  }
0x166: {  	v6 =	vsel vm15, $0x1, v2  }
0x167: {  	(xrf0) =	vadd.scan.msk.s32 $0xffff, v6  }
0x168: {  	(v2sf) =	vpush v7, $0xF;
	_ =	sdelay $0x4  }
0x169: {  	v6, _, _ =	vpop (xrf0)  }
0x16a: {  	(v2sf) =	vpush v6, $0xF;
	_ =	sdelay $0x8  }
0x16b: {  	s2 =	spop (v2sf)  }
0x16c: {  	s0 =	sadd.s32 s0, s2  }
0x16d: {  	v7 =	vmov s0  }
0x16e: {  	v7 =	vadd.s32 $0xFFFFFFFF, v7  }
0x16f: {  	v7 =	vbroadcast v7, $0x0;
	_ =	sdelay $0x1  }
0x170: {  	v6 =	vadd.s32 v6, v7;
	s30 =	spop (v2sf)  }
0x171: {  	v6 =	vnsel vm15, $0x400F, v6;
	s0 =	sadd.s32 s0, s30  }
.Ltmp18:
0x172: {  	s25 =	sadd.s32 $0xF, s0;
	(pc) =	sbr.rel .LBB2_23-.Ltmp18, $4  }
0x173: {  	s31 =	sshra.s32 s25, $0x1F  }
0x174: {  	s3 =	sadd.s32 $0x10, s26;
	s2 =	sshrl.u32 s31, $0x1C  }
0x175: {  	v7 =	vor.u32 s3, v1;
	s2 =	sadd.s32 s2, s25  }
0x176: {  	s26 =	simm.s32 $0x0;
	s29 =	simm.s32 $0x0;
	[tilespmem:v6+s21+$0x0] =	vst.idx.msk $0xffff, v7;
	v6 =	vmov s0;
	s28 =	sshra.s32 s2, $0x4  }
.LBB2_24:
0x177: {  	s26 =	smov.u32 @p0 s26  }
.LBB2_34:
0x178: {  	s29 =	sadd.s32 $0x1, s29  }
0x179: {  	p0 =	seq.s32 s29, $0x1F  }
.Ltmp19:
0x17a: {  	_ = 	snop;
	(pc) =	sbr.rel @p0 .LBB2_35-.Ltmp19, $1  }
0x17b: {  	_ =	sdelay $0x3  }
.LBB2_23:
0x17c: {  	s0 =	sshll.u32 s29, $0x5  }
0x17d: {  	s0 =	sor.u32 s1, s0  }
0x17e: {  	p0 =	sgt.u32 s0, $0x3D0  }
0x17f: {  	p1 =	sne.s32 @!p0 s0, $0x3D0  }
0x180: {  	p2 =	por !p1, p0  }
0x181: {  	p3 =	sgt.u32 @!p2 s0, $0x3B0  }
0x182: {  	p4 =	por @!p0 p3, !p1  }
0x183: {  	s2 =	sadd.s32 @!p2 $0x20, s0;
	p5 =	por p4, p0  }
0x184: {  	s3 =	simm.s32 @!p2 $0x1;
	p4 =	seq.s32 @!p5 s2, $0x3D0  }
0x185: {  	s7 =	sand.u32 $0x1, s29;
	_ =	swait.ge @!p2 [sflag:s3], $0x8000;
	p6 =	por @!p2 !p4, p3  }
0x186: {  	[sflag:s3] =	ssyncset.done @!p2 $0x0;
	s12 =	sshll.u32 @!p5 s7, $0xF;
	p6 =	por @!p0 p6, !p1  }
0x187: {  	[sflag:s3] =	ssyncadd.s32 @!p2 $0xFFFF8000;
	s12 =	sxor.u32 @!p5 $0x8000, s12;
	p6 =	por p6, p0  }
0x188: {  	p2 =	por @!p2 p4, p3;
	s18 =	sadd.s32 @!p5 $0x8080, s12;
	s3 =	simm.s32 @!p6 $0x0  }
0x189: {  	[tilespmem:s18], [sflag:$0x1] =	stream.linear.gather @!p6 [hbm4b:s15+s3], $0x1000, $0x38;
	[tilespmem:$0x1A100] =	vst v63  }
0x18a: {  	p2 =	por @!p0 p2, !p1;
	s19 =	sadd.s32 @!p6 $0xF4280, s15;
	s30 =	sadd.s32 @!p6 $0xA080, s12  }
0x18b: {  	[tilespmem:s30], [sflag:$0x1] =	stream.linear.gather @!p6 [hbm4b:s19+s3], $0x1000, $0x38;
	[tilespmem:$0x1A100] =	vst v63  }
0x18c: {  	p2 =	por p2, p0;
	s19 =	sadd.s32 @!p6 $0x1E8500, s15;
	s30 =	sadd.s32 @!p6 $0xC080, s12  }
0x18d: {  	[tilespmem:s30], [sflag:$0x1] =	stream.linear.gather @!p6 [hbm4b:s19+s3], $0x1000, $0x38;
	[tilespmem:$0x1A100] =	vst v63  }
0x18e: {  	s2 =	sshll.u32 @!p2 s2, $0xA;
	s12 =	sadd.s32 @!p6 $0xE080, s12;
	s19 =	sadd.s32 @!p6 $0x2DC780, s15  }
0x18f: {  	[tilespmem:s12], [sflag:$0x1] =	stream.linear.gather @!p6 [hbm4b:s19+s3], $0x1000, $0x38;
	[tilespmem:$0x1A100] =	vst v63  }
0x190: {  	s2 =	sadd.s32 @!p2 s5, s2;
	s3 =	simm.s32 @!p2 $0x2000;
	s12 =	simm.s32 @!p2 $0x7A1400  }
0x191: {  	[tilespmem:s18], [sflag:$0x1] =	stream.strided.gather @!p2 [hbm4b:s2+s3], $0x8000, s12, s3, $0x38;
	[tilespmem:$0x1A100] =	vst v63  }
0x192: {  	p2 =	slt.s32 @!p0 s25, $0x10  }
0x193: {  	p2 =	por p0, p2  }
.Ltmp20:
0x194: {  	p1 =	por p1, p0;
	(pc) =	sbr.rel @p2 .LBB2_24-.Ltmp20, $4  }
0x195: {  	s2 =	simm.s32 @!p1 $0x1  }
0x196: {  	_ =	swait.ge @!p1 [sflag:s2], $0x4000  }
0x197: {  	[sflag:s2] =	ssyncset.done @!p1 $0x0  }
0x198: {  	[sflag:s2] =	ssyncadd.s32 @!p1 $0xFFFFC000  }
.Ltmp21:
0x199: {  	(pc) =	sbr.rel .LBB2_26-.Ltmp21, $3  }
0x19a: {  	_ =	sdelay $0x1  }
0x19b: {  	s2 =	sshll.u32 s0, $0xA;
	s3 =	sshll.u32 s7, $0xF  }
0x19c: {  	v7 =	vmov s0;
	s31 =	simm.s32 $0x0;
	p0 =	sne.s32 s0, $0x3D0;
	v8 =	vmov s2;
	s30 =	sadd.s32 $0x8080, s3  }
.LBB2_33:
0x19d: {  	s31 =	sadd.s32 $0x1, s31  }
0x19e: {  	p1 =	sne.s32 s31, s28  }
.Ltmp22:
0x19f: {  	_ = 	snop;
	(pc) =	sbr.rel @!p1 .LBB2_34-.Ltmp22, $2  }
0x1a0: {  	_ =	sdelay $0x2  }
0x1a1: {  	s26 =	sadd.s32 s7, s26  }
.LBB2_26:
0x1a2: {  	s0 =	sshll.u32 s31, $0x4  }
0x1a3: {  	v9 =	vld [tilespmem:s0+$0x4000];
	_ =	sdelay $0x2  }
0x1a4: {  	v10 =	vor.u32 s0, v1  }
0x1a5: {  	vm0 =	vlt.s32 v10, v6  }
0x1a6: {  	v10 =	vnsel vm0, $0x0, v9;
	_ =	sdelay $0x4  }
0x1a7: {  	v11 =	vld.idx.msk [tilespmem:v10+s8+$0x0], $0xffff;
	_ =	sdelay $0x4  }
0x1a8: {  	v9 =	vshrl.u32 v11, $0xA  }
0x1a9: {  	vm1 =	veq.s32 v9, v7  }
0x1aa: {  	vm0 =	vmand vm0, vm1  }
0x1ab: {  	v9 =	vsel vm0, $0x1, v2  }
0x1ac: {  	(xrf0) =	vadd.scan.msk.s32 $0xffff, v9;
	_ =	sdelay $0x5  }
0x1ad: {  	v12, _, _ =	vpop (xrf0)  }
0x1ae: {  	(v2sf) =	vpush v12, $0xF;
	_ =	sdelay $0xe  }
0x1af: {  	s7 =	spop (v2sf)  }
0x1b0: {  	s19 =	sadd.s32 s26, s7  }
0x1b1: {  	p1 =	slt.s32 s19, $0x41  }
0x1b2: {  	p2 =	slt.s32 @!p1 s26, $0x1  }
0x1b3: {  	p2 =	por p1, p2  }
.Ltmp23:
0x1b4: {  	_ = 	snop;
	(pc) =	sbr.rel @p2 .LBB2_27-.Ltmp23, $1  }
0x1b5: {  	_ =	sdelay $0x3  }
.LBB2_28:
0x1b6: {  	p1 =	sne.s32 s26, $0x1  }
.Ltmp24:
0x1b7: {  	_ = 	snop;
	(pc) =	sbr.rel @p1 .LBB2_28-.Ltmp24, $4  }
0x1b8: {  	_ = 	snop  }
0x1b9: {  	_ =	swait.ge [sflag:s22], $0x80  }
0x1ba: {  	[sflag:s22] =	ssyncset.done $0x0  }
0x1bb: {  	s26 =	sadd.s32 $0xFFFFFFFF, s26;
	[sflag:s22] =	ssyncadd.s32 $0xFFFFFF80  }
.Ltmp25:
0x1bc: {  	(pc) =	sbr.rel .LBB2_30-.Ltmp25, $2  }
0x1bd: {  	_ =	sdelay $0x2  }
0x1be: {  	s26 =	simm.s32 $0x0  }
.LBB2_27:
0x1bf: {  	s26 =	simm.s32 @!p1 $0x0  }
.LBB2_30:
0x1c0: {  	p1 =	slt.s32 s7, $0x1  }
.Ltmp26:
0x1c1: {  	_ = 	snop;
	(pc) =	sbr.rel @p1 .LBB2_33-.Ltmp26, $1  }
0x1c2: {  	_ =	sdelay $0x3  }
0x1c3: {  	v13 =	vmov s26  }
0x1c4: {  	v13 =	vadd.s32 $0xFFFFFFFF, v13  }
0x1c5: {  	v13 =	vbroadcast v13, $0x0  }
0x1c6: {  	v11 =	vsub.s32 v11, v8;
	[tilespmem:$0x1A090] =	vst v10  }
0x1c7: {  	[tilespmem:$0x1A080] =	vst v11;
	v10 =	vadd.s32 v12, v13  }
0x1c8: {  	s0 =	smov.u32 s7;
	[tilespmem:$0x1A0A0] =	vst v10  }
.LBB2_32:
0x1c9: {  	vm0 =	vne.s32 v9, $0x0  }
0x1ca: {  	v10 =	vmctz.xlane vm0;
	_ =	sdelay $0x1  }
0x1cb: {  	v10 =	vbroadcast v10, $0x0;
	_ =	sdelay $0x1  }
0x1cc: {  	v11 =	vadd.s32 v3, v10;
	_ =	sdelay $0x4  }
0x1cd: {  	v11 =	vld.idx.msk [tilespmem:v11+s23+$0x0], $0xffff;
	_ =	sdelay $0x4  }
0x1ce: {  	(v2sf) =	vpush v11, $0x0;
	_ =	sdelay $0xd  }
0x1cf: {  	(v2sf) =	vpush v11, $0x1  }
0x1d0: {  	(v2sf) =	vpush v11, $0x2;
	s3 =	spop (v2sf)  }
0x1d1: {  	p1 =	sgt.s32 @!p0 s3, $0x1FF  }
0x1d2: {  	p1 =	por p0, !p1  }
0x1d3: {  	v11 =	vbroadcast @p1 v11, $0x0;
	_ =	sdelay $0x1  }
0x1d4: {  	v12 =	vshll.u32 @p1 v11, $0x3  }
0x1d5: {  	v11 =	vand.u32 @p1 $0x7F, v11;
	v12 =	vand.u32 @p1 $0xFFFFFC00, v12  }
0x1d6: {  	v11 =	vor.u32 @p1 v11, v12  }
0x1d7: {  	v12 =	vadd.s32 @p1 v4, v11  }
0x1d8: {  	v11 =	vadd.s32 @p1 v5, v11;
	_ =	sdelay $0x3  }
0x1d9: {  	v12 =	vld.idx.msk @p1 [tilespmem:v12+s30+$0x0], $0xffff  }
0x1da: {  	s2 =	spop (v2sf);
	v11 =	vld.idx.msk @p1 [tilespmem:v11+s30+$0x0], $0xffff  }
0x1db: {  	s18 =	spop (v2sf)  }
0x1dc: {  	s12 =	sshll.u32 @p1 s18, $0x9  }
0x1dd: {  	s19 =	sshll.u32 @p1 s2, $0x4;
	s12 =	sshra.s32 @p1 s12, $0x2  }
0x1de: {  	s19 =	sand.u32 @p1 $0x1FFFFFF0, s19;
	[tilespmem:s12+$0x18080] =	vst @p1 v12  }
0x1df: {  	s19 =	sadd.s32 @p1 s11, s19;
	[tilespmem:s12+$0x18090] =	vst @p1 v11;
	s12 =	sadd.s32 @p1 $0x18080, s12  }
0x1e0: {  	[hbm4b:s19+s8] =	stream.linear.scatter @p1 [tilespmem:s12], [sflag:$0x2], $0x80, $0x38;
	[tilespmem:$0x1A100] =	vst v63  }
0x1e1: {  	p1 =	slt.s32 @!p0 s3, $0x200  }
0x1e2: {  	p1 =	por p1, p0  }
0x1e3: {  	s3 =	sshll.u32 @!p1 s3, $0x7  }
0x1e4: {  	s12 =	sshll.u32 @!p1 s18, $0x9;
	s3 =	sadd.s32 @!p1 $0xFFFF0000, s3  }
0x1e5: {  	s12 =	sshra.s32 @!p1 s12, $0x2;
	s3 =	sshrl.u32 @!p1 s3, $0x3  }
0x1e6: {  	s18 =	simm.s32 @!p1 $0x0;
	s12 =	sadd.s32 @!p1 $0x18080, s12;
	s3 =	sadd.s32 @!p1 s9, s3  }
0x1e7: {  	[tilespmem:s12], [sflag:$0x1] =	stream.linear.gather @!p1 [hbm4b:s3+s18], $0x80, $0x38;
	[tilespmem:$0x1A100] =	vst v63  }
0x1e8: {  	s3 =	simm.s32 @!p1 $0x1  }
0x1e9: {  	s2 =	sshll.u32 @!p1 s2, $0x4;
	_ =	swait.ge @!p1 [sflag:s3], $0x80  }
0x1ea: {  	s2 =	sand.u32 @!p1 $0x1FFFFFF0, s2;
	[sflag:s3] =	ssyncset.done @!p1 $0x0  }
0x1eb: {  	s0 =	sadd.s32 $0xFFFFFFFF, s0;
	s2 =	sadd.s32 @!p1 s11, s2;
	[sflag:s3] =	ssyncadd.s32 @!p1 $0xFFFFFF80  }
0x1ec: {  	[hbm4b:s2+s18] =	stream.linear.scatter @!p1 [tilespmem:s12], [sflag:$0x2], $0x80, $0x38;
	[tilespmem:$0x1A100] =	vst v63  }
0x1ed: {  	p1 =	sne.s32 s0, $0x0  }
.Ltmp27:
0x1ee: {  	_ = 	snop;
	(pc) =	sbr.rel @p1 .LBB2_32-.Ltmp27, $3  }
0x1ef: {  	_ =	sdelay $0x1  }
0x1f0: {  	vm15 =	veq.s32 v10, v1  }
0x1f1: {  	v9 =	vsel vm15, $0x0, v9  }
.Ltmp28:
0x1f2: {  	_ = 	snop;
	(pc) =	sbr.rel .LBB2_33-.Ltmp28, $1  }
0x1f3: {  	_ =	sdelay $0x3  }
.LBB2_35:
0x1f4: {  	p0 =	sgt.s32 s26, $0x0  }
.Ltmp29:
0x1f5: {  	_ = 	snop;
	(pc) =	sbr.rel @!p0 .LBB2_39-.Ltmp29, $1  }
0x1f6: {  	_ =	sdelay $0x3  }
0x1f7: {  	p0 =	sne.s32 s26, $0x1  }
.Ltmp30:
0x1f8: {  	_ = 	snop;
	(pc) =	sbr.rel @!p0 .LBB2_38-.Ltmp30, $3  }
0x1f9: {  	_ =	sdelay $0x1  }
0x1fa: {  	_ =	swait.ge [sflag:s22], $0x80  }
0x1fb: {  	s0 =	sadd.s32 $0xFFFFFFFF, s26;
	[sflag:s22] =	ssyncset.done $0x0  }
.LBB2_37:
0x1fc: {  	p0 =	sne.s32 s0, $0x1;
	s0 =	sadd.s32 $0xFFFFFFFF, s0;
	[sflag:s22] =	ssyncadd.s32 $0xFFFFFF80  }
.Ltmp31:
0x1fd: {  	(pc) =	sbr.rel @p0 .LBB2_37-.Ltmp31, $3  }
0x1fe: {  	_ =	sdelay $0x1  }
0x1ff: {  	_ =	swait.ge [sflag:s22], $0x80  }
0x200: {  	[sflag:s22] =	ssyncset.done $0x0  }
.Ltmp32:
0x201: {  	_ = 	snop;
	(pc) =	sbr.rel .LBB2_38-.Ltmp32, $1  }
0x202: {  	_ =	sdelay $0x3  }
.LBB2_40:
0x203: {  	_ =	sfence.sel $0x180000  }
0x204: {  	[bflag:$0x0] =	sbarrier.arrive $0xFFFF  }
0x205: {  	_ =	strace $0x90000047  }
0x206: {  	s0 =	stileid.u32;
	[bflag:$0x2] =	sbarrier.arrive $0xFFFF  }
0x207: {  	p0 =	sne.s32 s0, $0x0;
	s0 =	rddreg [dreg:$0x6]  }
0x208: {  	s0 =	sadd.s32 @!p0 $0x100000, s0  }
0x209: {  	[sflag:s0] =	ssyncadd.tile.s32 @!p0 $0x1;
	_ =	shalt  }
.Lfunc_end2:
_tile_overlayer_lowered:
.L_overlay_start_2:
0x20a: {  	(tag) =	ssettag $0x2  }
0x20b: {  	s0 =	rddreg [dreg:$0x0];
	s2 =	stileid.u32  }
0x20c: {  	s1 =	rddreg [dreg:$0x1];
	p0 =	sne.s32 s2, $0x0  }
0x20d: {  	s3 =	rddreg [dreg:$0x2];
	[bflag:$0x3] =	sbarrier.arrive $0xFFFF;
	s2 =	simm.s32 @!p0 $0x1C03  }
0x20e: {  	[timem:s3], [sflag:s2] =	dma.local @!p0 [hbm:s0], s1  }
0x20f: {  	s0 =	simm.s32 @!p0 $0x3  }
0x210: {  	_ =	swait.ge @!p0 [sflag:s0], s1  }
0x211: {  	s1 =	ssub.s32 @!p0 $0x0, s1;
	[sflag:s0] =	ssyncset.done @!p0 $0x0  }
0x212: {  	[sflag:s0] =	ssyncadd.s32 @!p0 s1  }
0x213: {  	[bflag:$0x3] =	sbarrier.arrive $0xFFFF  }
0x214: {  	_ =	shalt  }

</sc_bundles>
